<compile_context>
chip_gen: v7x
topology: tpu7x:2x2x1
jax: 0.10.2.dev20260603
libtpu: 0.0.44.dev20260713+nightly
codegen_flags: <defaults>
</compile_context>

<pallas_src>
import jax
import jax.numpy as jnp
from jax import lax
from jax.experimental import pallas as pl
from jax.experimental.pallas import tpu as pltpu
from jax.experimental.pallas import tpu_sc as plsc

NC = 2
NS = 16
L = 16

N = 10000
E = 160000
F = 256
FH = F // NC
N_PAD = 10240
ROWS_PER_TILE = N_PAD // NS

CHUNK = 64
NCHUNKS = 160
GRP = 16
NGRP = NCHUNKS // GRP
NBUF = 4
EPT_PAD = CHUNK * NCHUNKS
E_PAD = NS * EPT_PAD


def _mlp_body(x_ref, w1_ref, b1_ref, w2_ref, b2_ref, w3_ref, b3_ref,
              h_ref, hsplit_ref):
    h = jnp.dot(x_ref[...], w1_ref[...], preferred_element_type=jnp.float32)
    h = jax.nn.relu(h + b1_ref[...])
    h = jnp.dot(h, w2_ref[...], preferred_element_type=jnp.float32)
    h = jax.nn.relu(h + b2_ref[...])
    h = jnp.dot(h, w3_ref[...], preferred_element_type=jnp.float32)
    h = h + b3_ref[...]
    h_ref[...] = h
    hsplit_ref[...] = jnp.stack([h[:, :FH], h[:, FH:]], axis=0)


def _mlp(x, W1, b1, W2, b2, W3, b3):
    R = 1000
    grid = N // R
    return pl.pallas_call(
        _mlp_body,
        grid=(grid,),
        in_specs=[
            pl.BlockSpec((R, F), lambda i: (i, 0)),
            pl.BlockSpec((F, F), lambda i: (0, 0)),
            pl.BlockSpec((1, F), lambda i: (0, 0)),
            pl.BlockSpec((F, F), lambda i: (0, 0)),
            pl.BlockSpec((1, F), lambda i: (0, 0)),
            pl.BlockSpec((F, F), lambda i: (0, 0)),
            pl.BlockSpec((1, F), lambda i: (0, 0)),
        ],
        out_specs=[
            pl.BlockSpec((R, F), lambda i: (i, 0)),
            pl.BlockSpec((NC, R, FH), lambda i: (0, i, 0)),
        ],
        out_shape=[
            jax.ShapeDtypeStruct((N, F), jnp.float32),
            jax.ShapeDtypeStruct((NC, N, FH), jnp.float32),
        ],
    )(x, W1, b1.reshape(1, F), W2, b2.reshape(1, F), W3, b3.reshape(1, F))


def _sc_agg_body(hsplit_hbm, src_hbm, dst_hbm,
                 summed_hbm, cntp_hbm,
                 acc,
                 srcb, dstb, rows, cnt_local,
                 sem0, sem1, sem2, sem3, ssem0, ssem1, ssem2, ssem3):
    c = lax.axis_index("c")
    s = lax.axis_index("s")
    zeros16 = jnp.zeros((L,), jnp.float32)
    ones16 = jnp.ones((L,), jnp.float32)

    @pl.loop(0, 64)
    def _(i):
        for col in range(FH // L):
            rows[0, i, pl.ds(col * L, L)] = zeros16

    @pl.loop(0, N_PAD // L)
    def _(i):
        cnt_local[pl.ds(i * L, L)] = zeros16

    for j in range(ROWS_PER_TILE // 64):
        pltpu.sync_copy(rows.at[0, pl.ds(0, 64), :],
                        acc.at[pl.ds(s * ROWS_PER_TILE + j * 64, 64), :])

    plsc.subcore_barrier()

    sems = (sem0, sem1, sem2, sem3)
    ssems = (ssem0, ssem1, ssem2, ssem3)

    @pl.loop(0, NGRP)
    def _(grp):
        pltpu.sync_copy(
            src_hbm.at[pl.ds((c * NS + s) * NCHUNKS + grp * GRP, GRP), :],
            srcb)
        pltpu.sync_copy(
            dst_hbm.at[pl.ds(s * NCHUNKS + grp * GRP, GRP), :], dstb)
        descs = [None] * NBUF
        sdescs = [None] * NBUF
        for t in range(NBUF - 1):
            descs[t] = pltpu.async_copy(hsplit_hbm.at[srcb.at[t]],
                                        rows.at[t], sems[t])
        for j in range(GRP):
            p = j % NBUF
            nxt = j + NBUF - 1
            if nxt < GRP:
                q = nxt % NBUF
                if sdescs[q] is not None:
                    sdescs[q].wait()
                    sdescs[q] = None
                descs[q] = pltpu.async_copy(
                    hsplit_hbm.at[srcb.at[nxt]], rows.at[q], sems[q])
            descs[p].wait()
            sdescs[p] = pltpu.async_copy(rows.at[p], acc.at[dstb.at[j]],
                                         ssems[p], add=True)
            for k in range(CHUNK // L):
                dv = dstb[j, pl.ds(k * L, L)]
                plsc.addupdate_scatter(cnt_local, [dv], ones16)
        for d in sdescs:
            if d is not None:
                d.wait()

    plsc.subcore_barrier()

    col = s * ROWS_PER_TILE

    @pl.when(c == 0)
    def _():
        pltpu.sync_copy(cnt_local, cntp_hbm.at[s])

    for j in range(ROWS_PER_TILE // CHUNK):
        pltpu.sync_copy(acc.at[pl.ds(col + j * CHUNK, CHUNK), :], rows.at[0])
        pltpu.sync_copy(
            rows.at[0],
            summed_hbm.at[pl.ds(c * N_PAD + col + j * CHUNK, CHUNK), :])


def _sc_agg(hsplit, src2, dst):
    mesh = plsc.VectorSubcoreMesh(core_axis_name="c", subcore_axis_name="s",
                                  num_cores=NC, num_subcores=NS)
    return pl.kernel(
        _sc_agg_body,
        out_type=(
            jax.ShapeDtypeStruct((NC * N_PAD, FH), jnp.float32),
            jax.ShapeDtypeStruct((NS, N_PAD), jnp.float32),
        ),
        mesh=mesh,
        scratch_types=[
            pltpu.VMEM_SHARED((N_PAD, FH), jnp.float32),
            pltpu.VMEM((GRP, CHUNK), jnp.int32),
            pltpu.VMEM((GRP, CHUNK), jnp.int32),
            pltpu.VMEM((NBUF, CHUNK, FH), jnp.float32),
            pltpu.VMEM((N_PAD,), jnp.float32),
            pltpu.SemaphoreType.DMA,
            pltpu.SemaphoreType.DMA,
            pltpu.SemaphoreType.DMA,
            pltpu.SemaphoreType.DMA,
            pltpu.SemaphoreType.DMA,
            pltpu.SemaphoreType.DMA,
            pltpu.SemaphoreType.DMA,
            pltpu.SemaphoreType.DMA,
        ],
        compiler_params=pltpu.CompilerParams(needs_layout_passes=False),
    )(hsplit, src2, dst)


def _combine_body(h_ref, s_ref, cnt_ref, lin_ref, out_ref):
    cnt = jnp.maximum(
        jnp.sum(cnt_ref[...], axis=1, keepdims=True), 1.0)
    mean = jnp.concatenate([s_ref[0] / cnt, s_ref[1] / cnt], axis=1)
    out_ref[...] = h_ref[...] + mean * lin_ref[...]


def _combine(h, summed, cnt, lin_l):
    R = 400
    grid = N // R
    return pl.pallas_call(
        _combine_body,
        grid=(grid,),
        in_specs=[
            pl.BlockSpec((R, F), lambda i: (i, 0)),
            pl.BlockSpec((NC, R, FH), lambda i: (0, i, 0)),
            pl.BlockSpec((R, NS), lambda i: (i, 0)),
            pl.BlockSpec((1, F), lambda i: (0, 0)),
        ],
        out_specs=pl.BlockSpec((R, F), lambda i: (i, 0)),
        out_shape=jax.ShapeDtypeStruct((N, F), jnp.float32),
    )(h, summed.reshape(NC, N_PAD, FH), cnt, lin_l.reshape(1, F))


@jax.jit
def kernel(x, edge_index, W1, b1, W2, b2, W3, b3, lin_l):
    assert x.shape == (N, F) and edge_index.shape == (2, E)
    h, hsplit = _mlp(x, W1, b1, W2, b2, W3, b3)
    pad = E_PAD - E
    src = jnp.concatenate([edge_index[0], jnp.zeros((pad,), jnp.int32)])
    dst = jnp.concatenate([edge_index[1],
                           jnp.full((pad,), N_PAD - 1, jnp.int32)])
    src2 = jnp.concatenate([src, src + N]).reshape(NC * NS * NCHUNKS, CHUNK)
    dst2 = dst.reshape(NS * NCHUNKS, CHUNK)
    summed, cnt_parts = _sc_agg(hsplit.reshape(NC * N, FH), src2, dst2)
    return _combine(h, summed, cnt_parts.T, lin_l)

# --- scband reference (transcript-rebuilt; emitter-appended) ---
"""Pipeline reference for scband-de-gnn-41987600286247 (READ-ONLY COPY).

The authoritative reference and input builder live on the scoring server;
editing this copy changes nothing except your own understanding.
"""

import jax, jax.numpy as jnp
import numpy as np

N = 10000
E = 160000
NFEAT = 256
NHID = 256


def setup_inputs(seed: int = 0) -> dict:
    key = jax.random.key(seed)
    ks = jax.random.split(key, 9)
    x = jax.random.normal(ks[0], (N, NFEAT), dtype=jnp.float32)
    edge_index = jax.random.randint(ks[1], (2, E), 0, N, dtype=jnp.int32)
    W1 = jax.random.normal(ks[2], (NFEAT, NHID), dtype=jnp.float32) * 0.05
    b1 = jnp.zeros((NHID,), dtype=jnp.float32)
    W2 = jax.random.normal(ks[3], (NHID, NHID), dtype=jnp.float32) * 0.05
    b2 = jnp.zeros((NHID,), dtype=jnp.float32)
    W3 = jax.random.normal(ks[4], (NHID, NHID), dtype=jnp.float32) * 0.05
    b3 = jnp.zeros((NHID,), dtype=jnp.float32)
    lin_l = 0.01 * jnp.ones((NHID,), dtype=jnp.float32)
    return {"x": x, "edge_index": edge_index, "W1": W1, "b1": b1, "W2": W2, "b2": b2, "W3": W3, "b3": b3, "lin_l": lin_l}


def reference(x, edge_index, W1, b1, W2, b2, W3, b3, lin_l):
    # body MLP: Linear -> ReLU -> Linear -> ReLU -> Linear (nlayer=3)
    h = x @ W1 + b1
    h = jax.nn.relu(h)
    h = h @ W2 + b2
    h = jax.nn.relu(h)
    h = h @ W3 + b3
    # DeConv: mean aggregation of source features at destination nodes
    src = edge_index[0]
    dst = edge_index[1]
    msg = jnp.take(h, src, axis=0)
    summed = jax.ops.segment_sum(msg, dst, num_segments=N)
    cnt = jax.ops.segment_sum(jnp.ones((E,), dtype=jnp.float32), dst, num_segments=N)
    mean = summed / jnp.clip(cnt, 1.0, None)[:, None]
    neigh = mean * lin_l
    return h + neigh

if __name__ == "__main__":
    import jax
    _d = setup_inputs()
    print(jax.jit(kernel)(*tuple(_d.values())))

</pallas_src>

<mosaic_0001>
#map = affine_map<(d0, d1) -> (0, 0)>
module attributes {stable_mosaic.version = 14 : i64} {
  func.func @_sc_agg_body(%arg0: i32, %arg1: i32, %arg2: memref<20000x128xf32, #tpu.memory_space<hbm>>, %arg3: memref<5120x64xi32, #tpu.memory_space<hbm>>, %arg4: memref<2560x64xi32, #tpu.memory_space<hbm>>, %arg5: memref<20480x128xf32, #tpu.memory_space<hbm>>, %arg6: memref<16x10240xf32, #tpu.memory_space<hbm>>, %arg7: memref<10240x128xf32, #tpu.memory_space<vmem_shared>>, %arg8: memref<16x64xi32, #tpu.memory_space<vmem>>, %arg9: memref<16x64xi32, #tpu.memory_space<vmem>>, %arg10: memref<4x64x128xf32, #tpu.memory_space<vmem>>, %arg11: memref<10240xf32, #tpu.memory_space<vmem>>, %arg12: memref<!tpu.dma_semaphore, #tpu.memory_space<semaphore_mem>>, %arg13: memref<!tpu.dma_semaphore, #tpu.memory_space<semaphore_mem>>, %arg14: memref<!tpu.dma_semaphore, #tpu.memory_space<semaphore_mem>>, %arg15: memref<!tpu.dma_semaphore, #tpu.memory_space<semaphore_mem>>, %arg16: memref<!tpu.dma_semaphore, #tpu.memory_space<semaphore_mem>>, %arg17: memref<!tpu.dma_semaphore, #tpu.memory_space<semaphore_mem>>, %arg18: memref<!tpu.dma_semaphore, #tpu.memory_space<semaphore_mem>>, %arg19: memref<!tpu.dma_semaphore, #tpu.memory_space<semaphore_mem>>) attributes {dimension_semantics = [#tpu.dimension_semantics<core_parallel>, #tpu.dimension_semantics<subcore_parallel>], iteration_bounds = array<i64: 2, 16>, scalar_prefetch = 0 : i64, scratch_operands = 13 : i64, tpu.core_type = #tpu.core_type<sc_vector_subcore>, window_params = [{transform_indices = #map}, {transform_indices = #map}, {transform_indices = #map}, {transform_indices = #map}, {transform_indices = #map}]} {
    %broadcast_in_dim3A = arith.constant 0.000000e+00 : f32
    %broadcast_in_dim3A_0 = vector.broadcast %broadcast_in_dim3A : f32 to vector<16xf32>
    %broadcast_in_dim3A_1 = arith.constant 1.000000e+00 : f32
    %broadcast_in_dim3A_2 = vector.broadcast %broadcast_in_dim3A_1 : f32 to vector<16xf32>
    %scan3A = arith.constant 0 : i32
    %scan3A_3 = arith.constant 64 : i32
    %scan3A_4 = arith.addi %scan3A, %scan3A_3 : i32
    %scan3A_5 = arith.constant 1 : i32
    scf.for %scan3A_159 = %scan3A to %scan3A_4 step %scan3A_5  : i32 {
      %mul3A_160 = arith.constant 1 : i32
      %mul3A_161 = arith.muli %scan3A_159, %mul3A_160 : i32
      %add3A_162 = arith.constant 0 : i32
      %add3A_163 = arith.addi %add3A_162, %mul3A_161 : i32
      %swap3A = arith.constant 0 : i32
      %swap3A_164 = arith.index_cast %swap3A : i32 to index
      %swap3A_165 = arith.index_cast %add3A_163 : i32 to index
      %swap3A_166 = arith.constant 0 : index
      %swap3A_167 = tpu.vector_load %arg10[%swap3A_164, %swap3A_165, %swap3A_166] {strides = array<i32>} : memref<4x64x128xf32, #tpu.memory_space<vmem>>, vector<16xf32>,
      tpu.vector_store %arg10[%swap3A_164, %swap3A_165, %swap3A_166], %broadcast_in_dim3A_0 {strides = array<i32>} : memref<4x64x128xf32, #tpu.memory_space<vmem>>, vector<16xf32>,
      %swap3A_168 = arith.constant 0 : i32
      %swap3A_169 = arith.index_cast %swap3A_168 : i32 to index
      %swap3A_170 = arith.index_cast %add3A_163 : i32 to index
      %swap3A_171 = arith.constant 16 : index
      %swap3A_172 = tpu.vector_load %arg10[%swap3A_169, %swap3A_170, %swap3A_171] {strides = array<i32>} : memref<4x64x128xf32, #tpu.memory_space<vmem>>, vector<16xf32>,
      tpu.vector_store %arg10[%swap3A_169, %swap3A_170, %swap3A_171], %broadcast_in_dim3A_0 {strides = array<i32>} : memref<4x64x128xf32, #tpu.memory_space<vmem>>, vector<16xf32>,
      %swap3A_173 = arith.constant 0 : i32
      %swap3A_174 = arith.index_cast %swap3A_173 : i32 to index
      %swap3A_175 = arith.index_cast %add3A_163 : i32 to index
      %swap3A_176 = arith.constant 32 : index
      %swap3A_177 = tpu.vector_load %arg10[%swap3A_174, %swap3A_175, %swap3A_176] {strides = array<i32>} : memref<4x64x128xf32, #tpu.memory_space<vmem>>, vector<16xf32>,
      tpu.vector_store %arg10[%swap3A_174, %swap3A_175, %swap3A_176], %broadcast_in_dim3A_0 {strides = array<i32>} : memref<4x64x128xf32, #tpu.memory_space<vmem>>, vector<16xf32>,
      %swap3A_178 = arith.constant 0 : i32
      %swap3A_179 = arith.index_cast %swap3A_178 : i32 to index
      %swap3A_180 = arith.index_cast %add3A_163 : i32 to index
      %swap3A_181 = arith.constant 48 : index
      %swap3A_182 = tpu.vector_load %arg10[%swap3A_179, %swap3A_180, %swap3A_181] {strides = array<i32>} : memref<4x64x128xf32, #tpu.memory_space<vmem>>, vector<16xf32>,
      tpu.vector_store %arg10[%swap3A_179, %swap3A_180, %swap3A_181], %broadcast_in_dim3A_0 {strides = array<i32>} : memref<4x64x128xf32, #tpu.memory_space<vmem>>, vector<16xf32>,
      %swap3A_183 = arith.constant 0 : i32
      %swap3A_184 = arith.index_cast %swap3A_183 : i32 to index
      %swap3A_185 = arith.index_cast %add3A_163 : i32 to index
      %swap3A_186 = arith.constant 64 : index
      %swap3A_187 = tpu.vector_load %arg10[%swap3A_184, %swap3A_185, %swap3A_186] {strides = array<i32>} : memref<4x64x128xf32, #tpu.memory_space<vmem>>, vector<16xf32>,
      tpu.vector_store %arg10[%swap3A_184, %swap3A_185, %swap3A_186], %broadcast_in_dim3A_0 {strides = array<i32>} : memref<4x64x128xf32, #tpu.memory_space<vmem>>, vector<16xf32>,
      %swap3A_188 = arith.constant 0 : i32
      %swap3A_189 = arith.index_cast %swap3A_188 : i32 to index
      %swap3A_190 = arith.index_cast %add3A_163 : i32 to index
      %swap3A_191 = arith.constant 80 : index
      %swap3A_192 = tpu.vector_load %arg10[%swap3A_189, %swap3A_190, %swap3A_191] {strides = array<i32>} : memref<4x64x128xf32, #tpu.memory_space<vmem>>, vector<16xf32>,
      tpu.vector_store %arg10[%swap3A_189, %swap3A_190, %swap3A_191], %broadcast_in_dim3A_0 {strides = array<i32>} : memref<4x64x128xf32, #tpu.memory_space<vmem>>, vector<16xf32>,
      %swap3A_193 = arith.constant 0 : i32
      %swap3A_194 = arith.index_cast %swap3A_193 : i32 to index
      %swap3A_195 = arith.index_cast %add3A_163 : i32 to index
      %swap3A_196 = arith.constant 96 : index
      %swap3A_197 = tpu.vector_load %arg10[%swap3A_194, %swap3A_195, %swap3A_196] {strides = array<i32>} : memref<4x64x128xf32, #tpu.memory_space<vmem>>, vector<16xf32>,
      tpu.vector_store %arg10[%swap3A_194, %swap3A_195, %swap3A_196], %broadcast_in_dim3A_0 {strides = array<i32>} : memref<4x64x128xf32, #tpu.memory_space<vmem>>, vector<16xf32>,
      %swap3A_198 = arith.constant 0 : i32
      %swap3A_199 = arith.index_cast %swap3A_198 : i32 to index
      %swap3A_200 = arith.index_cast %add3A_163 : i32 to index
      %swap3A_201 = arith.constant 112 : index
      %swap3A_202 = tpu.vector_load %arg10[%swap3A_199, %swap3A_200, %swap3A_201] {strides = array<i32>} : memref<4x64x128xf32, #tpu.memory_space<vmem>>, vector<16xf32>,
      tpu.vector_store %arg10[%swap3A_199, %swap3A_200, %swap3A_201], %broadcast_in_dim3A_0 {strides = array<i32>} : memref<4x64x128xf32, #tpu.memory_space<vmem>>, vector<16xf32>,
    }
    %scan3A_6 = arith.constant 64 : i32
    %scan3A_7 = arith.constant 0 : i32
    %scan3A_8 = arith.constant 640 : i32
    %scan3A_9 = arith.addi %scan3A_7, %scan3A_8 : i32
    %scan3A_10 = arith.constant 1 : i32
    scf.for %scan3A_159 = %scan3A_7 to %scan3A_9 step %scan3A_10  : i32 {
      %mul3A_160 = arith.constant 1 : i32
      %mul3A_161 = arith.muli %scan3A_159, %mul3A_160 : i32
      %add3A_162 = arith.constant 0 : i32
      %add3A_163 = arith.addi %add3A_162, %mul3A_161 : i32
      %mul3A_164 = arith.constant 16 : i32
      %mul3A_165 = arith.muli %add3A_163, %mul3A_164 : i32
      %swap3A = arith.index_cast %mul3A_165 : i32 to index
      %swap3A_166 = tpu.vector_load %arg11[%swap3A] {strides = array<i32>} : memref<10240xf32, #tpu.memory_space<vmem>>, vector<16xf32>,
      tpu.vector_store %arg11[%swap3A], %broadcast_in_dim3A_0 {strides = array<i32>} : memref<10240xf32, #tpu.memory_space<vmem>>, vector<16xf32>,
    }
    %scan3A_11 = arith.constant 640 : i32
    %mul3A = arith.constant 640 : i32
    %mul3A_12 = arith.muli %arg1, %mul3A : i32
    %add3A = arith.constant 0 : i32
    %add3A_13 = arith.addi %mul3A_12, %add3A : i32
    %run_scoped3A = arith.constant 0 : i32
    "tpu.region"() ({
      %run_scoped3A_159 = tpu.sem_alloc : memref<!tpu.dma_semaphore, #tpu.memory_space<semaphore_mem>>
      %dma_start3A = arith.constant 0 : i32
      %dma_start3A_160 = arith.constant 0 : i32
      %dma_start3A_161 = tpu.memref_slice %arg10[%run_scoped3A, %dma_start3A, %dma_start3A_160] : memref<4x64x128xf32, #tpu.memory_space<vmem>> -> memref<1x64x128xf32, #tpu.memory_space<vmem>>
      %dma_start3A_162 = tpu.memref_squeeze %dma_start3A_161 : memref<1x64x128xf32, #tpu.memory_space<vmem>> -> memref<64x128xf32, #tpu.memory_space<vmem>>
      %dma_start3A_163 = arith.constant 0 : i32
      %dma_start3A_164 = tpu.memref_slice %arg7[%add3A_13, %dma_start3A_163] : memref<10240x128xf32, #tpu.memory_space<vmem_shared>> -> memref<64x128xf32, #tpu.memory_space<vmem_shared>>
      %dma_start3A_165 = arith.constant 0 : i32
      %dma_start3A_166 = tpu.memref_slice %arg7[%add3A_13, %dma_start3A_165] : memref<10240x128xf32, #tpu.memory_space<vmem_shared>> -> memref<64x128xf32, #tpu.memory_space<vmem_shared>>
      %dma_start3A_167 = arith.constant 0 : i32
      %dma_start3A_168 = arith.constant 0 : i32
      %dma_start3A_169 = tpu.memref_slice %arg10[%run_scoped3A, %dma_start3A_167, %dma_start3A_168] : memref<4x64x128xf32, #tpu.memory_space<vmem>> -> memref<1x64x128xf32, #tpu.memory_space<vmem>>
      %dma_start3A_170 = tpu.memref_squeeze %dma_start3A_169 : memref<1x64x128xf32, #tpu.memory_space<vmem>> -> memref<64x128xf32, #tpu.memory_space<vmem>>
      tpu.enqueue_dma source(%dma_start3A_170 : memref<64x128xf32, #tpu.memory_space<vmem>>) target(%dma_start3A_166 : memref<64x128xf32, #tpu.memory_space<vmem_shared>>) target_semaphore(%run_scoped3A_159 : memref<!tpu.dma_semaphore, #tpu.memory_space<semaphore_mem>>)
      %dma_wait3A = arith.constant 0 : i32
      %dma_wait3A_171 = arith.constant 0 : i32
      %dma_wait3A_172 = tpu.memref_slice %arg10[%run_scoped3A, %dma_wait3A, %dma_wait3A_171] : memref<4x64x128xf32, #tpu.memory_space<vmem>> -> memref<1x64x128xf32, #tpu.memory_space<vmem>>
      %dma_wait3A_173 = tpu.memref_squeeze %dma_wait3A_172 : memref<1x64x128xf32, #tpu.memory_space<vmem>> -> memref<64x128xf32, #tpu.memory_space<vmem>>
      %dma_wait3A_174 = arith.constant 0 : i32
      %dma_wait3A_175 = tpu.memref_slice %arg7[%add3A_13, %dma_wait3A_174] : memref<10240x128xf32, #tpu.memory_space<vmem_shared>> -> memref<64x128xf32, #tpu.memory_space<vmem_shared>>
      %dma_wait3A_176 = arith.constant 0 : i32
      %dma_wait3A_177 = tpu.memref_slice %arg7[%add3A_13, %dma_wait3A_176] : memref<10240x128xf32, #tpu.memory_space<vmem_shared>> -> memref<64x128xf32, #tpu.memory_space<vmem_shared>>
      %dma_wait3A_178 = arith.constant 0 : i32
      %dma_wait3A_179 = arith.constant 0 : i32
      %dma_wait3A_180 = tpu.memref_slice %arg10[%run_scoped3A, %dma_wait3A_178, %dma_wait3A_179] : memref<4x64x128xf32, #tpu.memory_space<vmem>> -> memref<1x64x128xf32, #tpu.memory_space<vmem>>
      %dma_wait3A_181 = tpu.memref_squeeze %dma_wait3A_180 : memref<1x64x128xf32, #tpu.memory_space<vmem>> -> memref<64x128xf32, #tpu.memory_space<vmem>>
      tpu.wait_dma2 semaphore(%run_scoped3A_159 : memref<!tpu.dma_semaphore, #tpu.memory_space<semaphore_mem>>) src(%dma_wait3A_181 : memref<64x128xf32, #tpu.memory_space<vmem>>) dst(%dma_wait3A_177 : memref<64x128xf32, #tpu.memory_space<vmem_shared>>)
      tpu.yield
    }) : () -> ()
    %mul3A_14 = arith.constant 640 : i32
    %mul3A_15 = arith.muli %arg1, %mul3A_14 : i32
    %add3A_16 = arith.constant 64 : i32
    %add3A_17 = arith.addi %mul3A_15, %add3A_16 : i32
    %run_scoped3A_18 = arith.constant 0 : i32
    "tpu.region"() ({
      %run_scoped3A_159 = tpu.sem_alloc : memref<!tpu.dma_semaphore, #tpu.memory_space<semaphore_mem>>
      %dma_start3A = arith.constant 0 : i32
      %dma_start3A_160 = arith.constant 0 : i32
      %dma_start3A_161 = tpu.memref_slice %arg10[%run_scoped3A_18, %dma_start3A, %dma_start3A_160] : memref<4x64x128xf32, #tpu.memory_space<vmem>> -> memref<1x64x128xf32, #tpu.memory_space<vmem>>
      %dma_start3A_162 = tpu.memref_squeeze %dma_start3A_161 : memref<1x64x128xf32, #tpu.memory_space<vmem>> -> memref<64x128xf32, #tpu.memory_space<vmem>>
      %dma_start3A_163 = arith.constant 0 : i32
      %dma_start3A_164 = tpu.memref_slice %arg7[%add3A_17, %dma_start3A_163] : memref<10240x128xf32, #tpu.memory_space<vmem_shared>> -> memref<64x128xf32, #tpu.memory_space<vmem_shared>>
      %dma_start3A_165 = arith.constant 0 : i32
      %dma_start3A_166 = tpu.memref_slice %arg7[%add3A_17, %dma_start3A_165] : memref<10240x128xf32, #tpu.memory_space<vmem_shared>> -> memref<64x128xf32, #tpu.memory_space<vmem_shared>>
      %dma_start3A_167 = arith.constant 0 : i32
      %dma_start3A_168 = arith.constant 0 : i32
      %dma_start3A_169 = tpu.memref_slice %arg10[%run_scoped3A_18, %dma_start3A_167, %dma_start3A_168] : memref<4x64x128xf32, #tpu.memory_space<vmem>> -> memref<1x64x128xf32, #tpu.memory_space<vmem>>
      %dma_start3A_170 = tpu.memref_squeeze %dma_start3A_169 : memref<1x64x128xf32, #tpu.memory_space<vmem>> -> memref<64x128xf32, #tpu.memory_space<vmem>>
      tpu.enqueue_dma source(%dma_start3A_170 : memref<64x128xf32, #tpu.memory_space<vmem>>) target(%dma_start3A_166 : memref<64x128xf32, #tpu.memory_space<vmem_shared>>) target_semaphore(%run_scoped3A_159 : memref<!tpu.dma_semaphore, #tpu.memory_space<semaphore_mem>>)
      %dma_wait3A = arith.constant 0 : i32
      %dma_wait3A_171 = arith.constant 0 : i32
      %dma_wait3A_172 = tpu.memref_slice %arg10[%run_scoped3A_18, %dma_wait3A, %dma_wait3A_171] : memref<4x64x128xf32, #tpu.memory_space<vmem>> -> memref<1x64x128xf32, #tpu.memory_space<vmem>>
      %dma_wait3A_173 = tpu.memref_squeeze %dma_wait3A_172 : memref<1x64x128xf32, #tpu.memory_space<vmem>> -> memref<64x128xf32, #tpu.memory_space<vmem>>
      %dma_wait3A_174 = arith.constant 0 : i32
      %dma_wait3A_175 = tpu.memref_slice %arg7[%add3A_17, %dma_wait3A_174] : memref<10240x128xf32, #tpu.memory_space<vmem_shared>> -> memref<64x128xf32, #tpu.memory_space<vmem_shared>>
      %dma_wait3A_176 = arith.constant 0 : i32
      %dma_wait3A_177 = tpu.memref_slice %arg7[%add3A_17, %dma_wait3A_176] : memref<10240x128xf32, #tpu.memory_space<vmem_shared>> -> memref<64x128xf32, #tpu.memory_space<vmem_shared>>
      %dma_wait3A_178 = arith.constant 0 : i32
      %dma_wait3A_179 = arith.constant 0 : i32
      %dma_wait3A_180 = tpu.memref_slice %arg10[%run_scoped3A_18, %dma_wait3A_178, %dma_wait3A_179] : memref<4x64x128xf32, #tpu.memory_space<vmem>> -> memref<1x64x128xf32, #tpu.memory_space<vmem>>
      %dma_wait3A_181 = tpu.memref_squeeze %dma_wait3A_180 : memref<1x64x128xf32, #tpu.memory_space<vmem>> -> memref<64x128xf32, #tpu.memory_space<vmem>>
      tpu.wait_dma2 semaphore(%run_scoped3A_159 : memref<!tpu.dma_semaphore, #tpu.memory_space<semaphore_mem>>) src(%dma_wait3A_181 : memref<64x128xf32, #tpu.memory_space<vmem>>) dst(%dma_wait3A_177 : memref<64x128xf32, #tpu.memory_space<vmem_shared>>)
      tpu.yield
    }) : () -> ()
    %mul3A_19 = arith.constant 640 : i32
    %mul3A_20 = arith.muli %arg1, %mul3A_19 : i32
    %add3A_21 = arith.constant 128 : i32
    %add3A_22 = arith.addi %mul3A_20, %add3A_21 : i32
    %run_scoped3A_23 = arith.constant 0 : i32
    "tpu.region"() ({
      %run_scoped3A_159 = tpu.sem_alloc : memref<!tpu.dma_semaphore, #tpu.memory_space<semaphore_mem>>
      %dma_start3A = arith.constant 0 : i32
      %dma_start3A_160 = arith.constant 0 : i32
      %dma_start3A_161 = tpu.memref_slice %arg10[%run_scoped3A_23, %dma_start3A, %dma_start3A_160] : memref<4x64x128xf32, #tpu.memory_space<vmem>> -> memref<1x64x128xf32, #tpu.memory_space<vmem>>
      %dma_start3A_162 = tpu.memref_squeeze %dma_start3A_161 : memref<1x64x128xf32, #tpu.memory_space<vmem>> -> memref<64x128xf32, #tpu.memory_space<vmem>>
      %dma_start3A_163 = arith.constant 0 : i32
      %dma_start3A_164 = tpu.memref_slice %arg7[%add3A_22, %dma_start3A_163] : memref<10240x128xf32, #tpu.memory_space<vmem_shared>> -> memref<64x128xf32, #tpu.memory_space<vmem_shared>>
      %dma_start3A_165 = arith.constant 0 : i32
      %dma_start3A_166 = tpu.memref_slice %arg7[%add3A_22, %dma_start3A_165] : memref<10240x128xf32, #tpu.memory_space<vmem_shared>> -> memref<64x128xf32, #tpu.memory_space<vmem_shared>>
      %dma_start3A_167 = arith.constant 0 : i32
      %dma_start3A_168 = arith.constant 0 : i32
      %dma_start3A_169 = tpu.memref_slice %arg10[%run_scoped3A_23, %dma_start3A_167, %dma_start3A_168] : memref<4x64x128xf32, #tpu.memory_space<vmem>> -> memref<1x64x128xf32, #tpu.memory_space<vmem>>
      %dma_start3A_170 = tpu.memref_squeeze %dma_start3A_169 : memref<1x64x128xf32, #tpu.memory_space<vmem>> -> memref<64x128xf32, #tpu.memory_space<vmem>>
      tpu.enqueue_dma source(%dma_start3A_170 : memref<64x128xf32, #tpu.memory_space<vmem>>) target(%dma_start3A_166 : memref<64x128xf32, #tpu.memory_space<vmem_shared>>) target_semaphore(%run_scoped3A_159 : memref<!tpu.dma_semaphore, #tpu.memory_space<semaphore_mem>>)
      %dma_wait3A = arith.constant 0 : i32
      %dma_wait3A_171 = arith.constant 0 : i32
      %dma_wait3A_172 = tpu.memref_slice %arg10[%run_scoped3A_23, %dma_wait3A, %dma_wait3A_171] : memref<4x64x128xf32, #tpu.memory_space<vmem>> -> memref<1x64x128xf32, #tpu.memory_space<vmem>>
      %dma_wait3A_173 = tpu.memref_squeeze %dma_wait3A_172 : memref<1x64x128xf32, #tpu.memory_space<vmem>> -> memref<64x128xf32, #tpu.memory_space<vmem>>
      %dma_wait3A_174 = arith.constant 0 : i32
      %dma_wait3A_175 = tpu.memref_slice %arg7[%add3A_22, %dma_wait3A_174] : memref<10240x128xf32, #tpu.memory_space<vmem_shared>> -> memref<64x128xf32, #tpu.memory_space<vmem_shared>>
      %dma_wait3A_176 = arith.constant 0 : i32
      %dma_wait3A_177 = tpu.memref_slice %arg7[%add3A_22, %dma_wait3A_176] : memref<10240x128xf32, #tpu.memory_space<vmem_shared>> -> memref<64x128xf32, #tpu.memory_space<vmem_shared>>
      %dma_wait3A_178 = arith.constant 0 : i32
      %dma_wait3A_179 = arith.constant 0 : i32
      %dma_wait3A_180 = tpu.memref_slice %arg10[%run_scoped3A_23, %dma_wait3A_178, %dma_wait3A_179] : memref<4x64x128xf32, #tpu.memory_space<vmem>> -> memref<1x64x128xf32, #tpu.memory_space<vmem>>
      %dma_wait3A_181 = tpu.memref_squeeze %dma_wait3A_180 : memref<1x64x128xf32, #tpu.memory_space<vmem>> -> memref<64x128xf32, #tpu.memory_space<vmem>>
      tpu.wait_dma2 semaphore(%run_scoped3A_159 : memref<!tpu.dma_semaphore, #tpu.memory_space<semaphore_mem>>) src(%dma_wait3A_181 : memref<64x128xf32, #tpu.memory_space<vmem>>) dst(%dma_wait3A_177 : memref<64x128xf32, #tpu.memory_space<vmem_shared>>)
      tpu.yield
    }) : () -> ()
    %mul3A_24 = arith.constant 640 : i32
    %mul3A_25 = arith.muli %arg1, %mul3A_24 : i32
    %add3A_26 = arith.constant 192 : i32
    %add3A_27 = arith.addi %mul3A_25, %add3A_26 : i32
    %run_scoped3A_28 = arith.constant 0 : i32
    "tpu.region"() ({
      %run_scoped3A_159 = tpu.sem_alloc : memref<!tpu.dma_semaphore, #tpu.memory_space<semaphore_mem>>
      %dma_start3A = arith.constant 0 : i32
      %dma_start3A_160 = arith.constant 0 : i32
      %dma_start3A_161 = tpu.memref_slice %arg10[%run_scoped3A_28, %dma_start3A, %dma_start3A_160] : memref<4x64x128xf32, #tpu.memory_space<vmem>> -> memref<1x64x128xf32, #tpu.memory_space<vmem>>
      %dma_start3A_162 = tpu.memref_squeeze %dma_start3A_161 : memref<1x64x128xf32, #tpu.memory_space<vmem>> -> memref<64x128xf32, #tpu.memory_space<vmem>>
      %dma_start3A_163 = arith.constant 0 : i32
      %dma_start3A_164 = tpu.memref_slice %arg7[%add3A_27, %dma_start3A_163] : memref<10240x128xf32, #tpu.memory_space<vmem_shared>> -> memref<64x128xf32, #tpu.memory_space<vmem_shared>>
      %dma_start3A_165 = arith.constant 0 : i32
      %dma_start3A_166 = tpu.memref_slice %arg7[%add3A_27, %dma_start3A_165] : memref<10240x128xf32, #tpu.memory_space<vmem_shared>> -> memref<64x128xf32, #tpu.memory_space<vmem_shared>>
      %dma_start3A_167 = arith.constant 0 : i32
      %dma_start3A_168 = arith.constant 0 : i32
      %dma_start3A_169 = tpu.memref_slice %arg10[%run_scoped3A_28, %dma_start3A_167, %dma_start3A_168] : memref<4x64x128xf32, #tpu.memory_space<vmem>> -> memref<1x64x128xf32, #tpu.memory_space<vmem>>
      %dma_start3A_170 = tpu.memref_squeeze %dma_start3A_169 : memref<1x64x128xf32, #tpu.memory_space<vmem>> -> memref<64x128xf32, #tpu.memory_space<vmem>>
      tpu.enqueue_dma source(%dma_start3A_170 : memref<64x128xf32, #tpu.memory_space<vmem>>) target(%dma_start3A_166 : memref<64x128xf32, #tpu.memory_space<vmem_shared>>) target_semaphore(%run_scoped3A_159 : memref<!tpu.dma_semaphore, #tpu.memory_space<semaphore_mem>>)
      %dma_wait3A = arith.constant 0 : i32
      %dma_wait3A_171 = arith.constant 0 : i32
      %dma_wait3A_172 = tpu.memref_slice %arg10[%run_scoped3A_28, %dma_wait3A, %dma_wait3A_171] : memref<4x64x128xf32, #tpu.memory_space<vmem>> -> memref<1x64x128xf32, #tpu.memory_space<vmem>>
      %dma_wait3A_173 = tpu.memref_squeeze %dma_wait3A_172 : memref<1x64x128xf32, #tpu.memory_space<vmem>> -> memref<64x128xf32, #tpu.memory_space<vmem>>
      %dma_wait3A_174 = arith.constant 0 : i32
      %dma_wait3A_175 = tpu.memref_slice %arg7[%add3A_27, %dma_wait3A_174] : memref<10240x128xf32, #tpu.memory_space<vmem_shared>> -> memref<64x128xf32, #tpu.memory_space<vmem_shared>>
      %dma_wait3A_176 = arith.constant 0 : i32
      %dma_wait3A_177 = tpu.memref_slice %arg7[%add3A_27, %dma_wait3A_176] : memref<10240x128xf32, #tpu.memory_space<vmem_shared>> -> memref<64x128xf32, #tpu.memory_space<vmem_shared>>
      %dma_wait3A_178 = arith.constant 0 : i32
      %dma_wait3A_179 = arith.constant 0 : i32
      %dma_wait3A_180 = tpu.memref_slice %arg10[%run_scoped3A_28, %dma_wait3A_178, %dma_wait3A_179] : memref<4x64x128xf32, #tpu.memory_space<vmem>> -> memref<1x64x128xf32, #tpu.memory_space<vmem>>
      %dma_wait3A_181 = tpu.memref_squeeze %dma_wait3A_180 : memref<1x64x128xf32, #tpu.memory_space<vmem>> -> memref<64x128xf32, #tpu.memory_space<vmem>>
      tpu.wait_dma2 semaphore(%run_scoped3A_159 : memref<!tpu.dma_semaphore, #tpu.memory_space<semaphore_mem>>) src(%dma_wait3A_181 : memref<64x128xf32, #tpu.memory_space<vmem>>) dst(%dma_wait3A_177 : memref<64x128xf32, #tpu.memory_space<vmem_shared>>)
      tpu.yield
    }) : () -> ()
    %mul3A_29 = arith.constant 640 : i32
    %mul3A_30 = arith.muli %arg1, %mul3A_29 : i32
    %add3A_31 = arith.constant 256 : i32
    %add3A_32 = arith.addi %mul3A_30, %add3A_31 : i32
    %run_scoped3A_33 = arith.constant 0 : i32
    "tpu.region"() ({
      %run_scoped3A_159 = tpu.sem_alloc : memref<!tpu.dma_semaphore, #tpu.memory_space<semaphore_mem>>
      %dma_start3A = arith.constant 0 : i32
      %dma_start3A_160 = arith.constant 0 : i32
      %dma_start3A_161 = tpu.memref_slice %arg10[%run_scoped3A_33, %dma_start3A, %dma_start3A_160] : memref<4x64x128xf32, #tpu.memory_space<vmem>> -> memref<1x64x128xf32, #tpu.memory_space<vmem>>
      %dma_start3A_162 = tpu.memref_squeeze %dma_start3A_161 : memref<1x64x128xf32, #tpu.memory_space<vmem>> -> memref<64x128xf32, #tpu.memory_space<vmem>>
      %dma_start3A_163 = arith.constant 0 : i32
      %dma_start3A_164 = tpu.memref_slice %arg7[%add3A_32, %dma_start3A_163] : memref<10240x128xf32, #tpu.memory_space<vmem_shared>> -> memref<64x128xf32, #tpu.memory_space<vmem_shared>>
      %dma_start3A_165 = arith.constant 0 : i32
      %dma_start3A_166 = tpu.memref_slice %arg7[%add3A_32, %dma_start3A_165] : memref<10240x128xf32, #tpu.memory_space<vmem_shared>> -> memref<64x128xf32, #tpu.memory_space<vmem_shared>>
      %dma_start3A_167 = arith.constant 0 : i32
      %dma_start3A_168 = arith.constant 0 : i32
      %dma_start3A_169 = tpu.memref_slice %arg10[%run_scoped3A_33, %dma_start3A_167, %dma_start3A_168] : memref<4x64x128xf32, #tpu.memory_space<vmem>> -> memref<1x64x128xf32, #tpu.memory_space<vmem>>
      %dma_start3A_170 = tpu.memref_squeeze %dma_start3A_169 : memref<1x64x128xf32, #tpu.memory_space<vmem>> -> memref<64x128xf32, #tpu.memory_space<vmem>>
      tpu.enqueue_dma source(%dma_start3A_170 : memref<64x128xf32, #tpu.memory_space<vmem>>) target(%dma_start3A_166 : memref<64x128xf32, #tpu.memory_space<vmem_shared>>) target_semaphore(%run_scoped3A_159 : memref<!tpu.dma_semaphore, #tpu.memory_space<semaphore_mem>>)
      %dma_wait3A = arith.constant 0 : i32
      %dma_wait3A_171 = arith.constant 0 : i32
      %dma_wait3A_172 = tpu.memref_slice %arg10[%run_scoped3A_33, %dma_wait3A, %dma_wait3A_171] : memref<4x64x128xf32, #tpu.memory_space<vmem>> -> memref<1x64x128xf32, #tpu.memory_space<vmem>>
      %dma_wait3A_173 = tpu.memref_squeeze %dma_wait3A_172 : memref<1x64x128xf32, #tpu.memory_space<vmem>> -> memref<64x128xf32, #tpu.memory_space<vmem>>
      %dma_wait3A_174 = arith.constant 0 : i32
      %dma_wait3A_175 = tpu.memref_slice %arg7[%add3A_32, %dma_wait3A_174] : memref<10240x128xf32, #tpu.memory_space<vmem_shared>> -> memref<64x128xf32, #tpu.memory_space<vmem_shared>>
      %dma_wait3A_176 = arith.constant 0 : i32
      %dma_wait3A_177 = tpu.memref_slice %arg7[%add3A_32, %dma_wait3A_176] : memref<10240x128xf32, #tpu.memory_space<vmem_shared>> -> memref<64x128xf32, #tpu.memory_space<vmem_shared>>
      %dma_wait3A_178 = arith.constant 0 : i32
      %dma_wait3A_179 = arith.constant 0 : i32
      %dma_wait3A_180 = tpu.memref_slice %arg10[%run_scoped3A_33, %dma_wait3A_178, %dma_wait3A_179] : memref<4x64x128xf32, #tpu.memory_space<vmem>> -> memref<1x64x128xf32, #tpu.memory_space<vmem>>
      %dma_wait3A_181 = tpu.memref_squeeze %dma_wait3A_180 : memref<1x64x128xf32, #tpu.memory_space<vmem>> -> memref<64x128xf32, #tpu.memory_space<vmem>>
      tpu.wait_dma2 semaphore(%run_scoped3A_159 : memref<!tpu.dma_semaphore, #tpu.memory_space<semaphore_mem>>) src(%dma_wait3A_181 : memref<64x128xf32, #tpu.memory_space<vmem>>) dst(%dma_wait3A_177 : memref<64x128xf32, #tpu.memory_space<vmem_shared>>)
      tpu.yield
    }) : () -> ()
    %mul3A_34 = arith.constant 640 : i32
    %mul3A_35 = arith.muli %arg1, %mul3A_34 : i32
    %add3A_36 = arith.constant 320 : i32
    %add3A_37 = arith.addi %mul3A_35, %add3A_36 : i32
    %run_scoped3A_38 = arith.constant 0 : i32
    "tpu.region"() ({
      %run_scoped3A_159 = tpu.sem_alloc : memref<!tpu.dma_semaphore, #tpu.memory_space<semaphore_mem>>
      %dma_start3A = arith.constant 0 : i32
      %dma_start3A_160 = arith.constant 0 : i32
      %dma_start3A_161 = tpu.memref_slice %arg10[%run_scoped3A_38, %dma_start3A, %dma_start3A_160] : memref<4x64x128xf32, #tpu.memory_space<vmem>> -> memref<1x64x128xf32, #tpu.memory_space<vmem>>
      %dma_start3A_162 = tpu.memref_squeeze %dma_start3A_161 : memref<1x64x128xf32, #tpu.memory_space<vmem>> -> memref<64x128xf32, #tpu.memory_space<vmem>>
      %dma_start3A_163 = arith.constant 0 : i32
      %dma_start3A_164 = tpu.memref_slice %arg7[%add3A_37, %dma_start3A_163] : memref<10240x128xf32, #tpu.memory_space<vmem_shared>> -> memref<64x128xf32, #tpu.memory_space<vmem_shared>>
      %dma_start3A_165 = arith.constant 0 : i32
      %dma_start3A_166 = tpu.memref_slice %arg7[%add3A_37, %dma_start3A_165] : memref<10240x128xf32, #tpu.memory_space<vmem_shared>> -> memref<64x128xf32, #tpu.memory_space<vmem_shared>>
      %dma_start3A_167 = arith.constant 0 : i32
      %dma_start3A_168 = arith.constant 0 : i32
      %dma_start3A_169 = tpu.memref_slice %arg10[%run_scoped3A_38, %dma_start3A_167, %dma_start3A_168] : memref<4x64x128xf32, #tpu.memory_space<vmem>> -> memref<1x64x128xf32, #tpu.memory_space<vmem>>
      %dma_start3A_170 = tpu.memref_squeeze %dma_start3A_169 : memref<1x64x128xf32, #tpu.memory_space<vmem>> -> memref<64x128xf32, #tpu.memory_space<vmem>>
      tpu.enqueue_dma source(%dma_start3A_170 : memref<64x128xf32, #tpu.memory_space<vmem>>) target(%dma_start3A_166 : memref<64x128xf32, #tpu.memory_space<vmem_shared>>) target_semaphore(%run_scoped3A_159 : memref<!tpu.dma_semaphore, #tpu.memory_space<semaphore_mem>>)
      %dma_wait3A = arith.constant 0 : i32
      %dma_wait3A_171 = arith.constant 0 : i32
      %dma_wait3A_172 = tpu.memref_slice %arg10[%run_scoped3A_38, %dma_wait3A, %dma_wait3A_171] : memref<4x64x128xf32, #tpu.memory_space<vmem>> -> memref<1x64x128xf32, #tpu.memory_space<vmem>>
      %dma_wait3A_173 = tpu.memref_squeeze %dma_wait3A_172 : memref<1x64x128xf32, #tpu.memory_space<vmem>> -> memref<64x128xf32, #tpu.memory_space<vmem>>
      %dma_wait3A_174 = arith.constant 0 : i32
      %dma_wait3A_175 = tpu.memref_slice %arg7[%add3A_37, %dma_wait3A_174] : memref<10240x128xf32, #tpu.memory_space<vmem_shared>> -> memref<64x128xf32, #tpu.memory_space<vmem_shared>>
      %dma_wait3A_176 = arith.constant 0 : i32
      %dma_wait3A_177 = tpu.memref_slice %arg7[%add3A_37, %dma_wait3A_176] : memref<10240x128xf32, #tpu.memory_space<vmem_shared>> -> memref<64x128xf32, #tpu.memory_space<vmem_shared>>
      %dma_wait3A_178 = arith.constant 0 : i32
      %dma_wait3A_179 = arith.constant 0 : i32
      %dma_wait3A_180 = tpu.memref_slice %arg10[%run_scoped3A_38, %dma_wait3A_178, %dma_wait3A_179] : memref<4x64x128xf32, #tpu.memory_space<vmem>> -> memref<1x64x128xf32, #tpu.memory_space<vmem>>
      %dma_wait3A_181 = tpu.memref_squeeze %dma_wait3A_180 : memref<1x64x128xf32, #tpu.memory_space<vmem>> -> memref<64x128xf32, #tpu.memory_space<vmem>>
      tpu.wait_dma2 semaphore(%run_scoped3A_159 : memref<!tpu.dma_semaphore, #tpu.memory_space<semaphore_mem>>) src(%dma_wait3A_181 : memref<64x128xf32, #tpu.memory_space<vmem>>) dst(%dma_wait3A_177 : memref<64x128xf32, #tpu.memory_space<vmem_shared>>)
      tpu.yield
    }) : () -> ()
    %mul3A_39 = arith.constant 640 : i32
    %mul3A_40 = arith.muli %arg1, %mul3A_39 : i32
    %add3A_41 = arith.constant 384 : i32
    %add3A_42 = arith.addi %mul3A_40, %add3A_41 : i32
    %run_scoped3A_43 = arith.constant 0 : i32
    "tpu.region"() ({
      %run_scoped3A_159 = tpu.sem_alloc : memref<!tpu.dma_semaphore, #tpu.memory_space<semaphore_mem>>
      %dma_start3A = arith.constant 0 : i32
      %dma_start3A_160 = arith.constant 0 : i32
      %dma_start3A_161 = tpu.memref_slice %arg10[%run_scoped3A_43, %dma_start3A, %dma_start3A_160] : memref<4x64x128xf32, #tpu.memory_space<vmem>> -> memref<1x64x128xf32, #tpu.memory_space<vmem>>
      %dma_start3A_162 = tpu.memref_squeeze %dma_start3A_161 : memref<1x64x128xf32, #tpu.memory_space<vmem>> -> memref<64x128xf32, #tpu.memory_space<vmem>>
      %dma_start3A_163 = arith.constant 0 : i32
      %dma_start3A_164 = tpu.memref_slice %arg7[%add3A_42, %dma_start3A_163] : memref<10240x128xf32, #tpu.memory_space<vmem_shared>> -> memref<64x128xf32, #tpu.memory_space<vmem_shared>>
      %dma_start3A_165 = arith.constant 0 : i32
      %dma_start3A_166 = tpu.memref_slice %arg7[%add3A_42, %dma_start3A_165] : memref<10240x128xf32, #tpu.memory_space<vmem_shared>> -> memref<64x128xf32, #tpu.memory_space<vmem_shared>>
      %dma_start3A_167 = arith.constant 0 : i32
      %dma_start3A_168 = arith.constant 0 : i32
      %dma_start3A_169 = tpu.memref_slice %arg10[%run_scoped3A_43, %dma_start3A_167, %dma_start3A_168] : memref<4x64x128xf32, #tpu.memory_space<vmem>> -> memref<1x64x128xf32, #tpu.memory_space<vmem>>
      %dma_start3A_170 = tpu.memref_squeeze %dma_start3A_169 : memref<1x64x128xf32, #tpu.memory_space<vmem>> -> memref<64x128xf32, #tpu.memory_space<vmem>>
      tpu.enqueue_dma source(%dma_start3A_170 : memref<64x128xf32, #tpu.memory_space<vmem>>) target(%dma_start3A_166 : memref<64x128xf32, #tpu.memory_space<vmem_shared>>) target_semaphore(%run_scoped3A_159 : memref<!tpu.dma_semaphore, #tpu.memory_space<semaphore_mem>>)
      %dma_wait3A = arith.constant 0 : i32
      %dma_wait3A_171 = arith.constant 0 : i32
      %dma_wait3A_172 = tpu.memref_slice %arg10[%run_scoped3A_43, %dma_wait3A, %dma_wait3A_171] : memref<4x64x128xf32, #tpu.memory_space<vmem>> -> memref<1x64x128xf32, #tpu.memory_space<vmem>>
      %dma_wait3A_173 = tpu.memref_squeeze %dma_wait3A_172 : memref<1x64x128xf32, #tpu.memory_space<vmem>> -> memref<64x128xf32, #tpu.memory_space<vmem>>
      %dma_wait3A_174 = arith.constant 0 : i32
      %dma_wait3A_175 = tpu.memref_slice %arg7[%add3A_42, %dma_wait3A_174] : memref<10240x128xf32, #tpu.memory_space<vmem_shared>> -> memref<64x128xf32, #tpu.memory_space<vmem_shared>>
      %dma_wait3A_176 = arith.constant 0 : i32
      %dma_wait3A_177 = tpu.memref_slice %arg7[%add3A_42, %dma_wait3A_176] : memref<10240x128xf32, #tpu.memory_space<vmem_shared>> -> memref<64x128xf32, #tpu.memory_space<vmem_shared>>
      %dma_wait3A_178 = arith.constant 0 : i32
      %dma_wait3A_179 = arith.constant 0 : i32
      %dma_wait3A_180 = tpu.memref_slice %arg10[%run_scoped3A_43, %dma_wait3A_178, %dma_wait3A_179] : memref<4x64x128xf32, #tpu.memory_space<vmem>> -> memref<1x64x128xf32, #tpu.memory_space<vmem>>
      %dma_wait3A_181 = tpu.memref_squeeze %dma_wait3A_180 : memref<1x64x128xf32, #tpu.memory_space<vmem>> -> memref<64x128xf32, #tpu.memory_space<vmem>>
      tpu.wait_dma2 semaphore(%run_scoped3A_159 : memref<!tpu.dma_semaphore, #tpu.memory_space<semaphore_mem>>) src(%dma_wait3A_181 : memref<64x128xf32, #tpu.memory_space<vmem>>) dst(%dma_wait3A_177 : memref<64x128xf32, #tpu.memory_space<vmem_shared>>)
      tpu.yield
    }) : () -> ()
    %mul3A_44 = arith.constant 640 : i32
    %mul3A_45 = arith.muli %arg1, %mul3A_44 : i32
    %add3A_46 = arith.constant 448 : i32
    %add3A_47 = arith.addi %mul3A_45, %add3A_46 : i32
    %run_scoped3A_48 = arith.constant 0 : i32
    "tpu.region"() ({
      %run_scoped3A_159 = tpu.sem_alloc : memref<!tpu.dma_semaphore, #tpu.memory_space<semaphore_mem>>
      %dma_start3A = arith.constant 0 : i32
      %dma_start3A_160 = arith.constant 0 : i32
      %dma_start3A_161 = tpu.memref_slice %arg10[%run_scoped3A_48, %dma_start3A, %dma_start3A_160] : memref<4x64x128xf32, #tpu.memory_space<vmem>> -> memref<1x64x128xf32, #tpu.memory_space<vmem>>
      %dma_start3A_162 = tpu.memref_squeeze %dma_start3A_161 : memref<1x64x128xf32, #tpu.memory_space<vmem>> -> memref<64x128xf32, #tpu.memory_space<vmem>>
      %dma_start3A_163 = arith.constant 0 : i32
      %dma_start3A_164 = tpu.memref_slice %arg7[%add3A_47, %dma_start3A_163] : memref<10240x128xf32, #tpu.memory_space<vmem_shared>> -> memref<64x128xf32, #tpu.memory_space<vmem_shared>>
      %dma_start3A_165 = arith.constant 0 : i32
      %dma_start3A_166 = tpu.memref_slice %arg7[%add3A_47, %dma_start3A_165] : memref<10240x128xf32, #tpu.memory_space<vmem_shared>> -> memref<64x128xf32, #tpu.memory_space<vmem_shared>>
      %dma_start3A_167 = arith.constant 0 : i32
      %dma_start3A_168 = arith.constant 0 : i32
      %dma_start3A_169 = tpu.memref_slice %arg10[%run_scoped3A_48, %dma_start3A_167, %dma_start3A_168] : memref<4x64x128xf32, #tpu.memory_space<vmem>> -> memref<1x64x128xf32, #tpu.memory_space<vmem>>
      %dma_start3A_170 = tpu.memref_squeeze %dma_start3A_169 : memref<1x64x128xf32, #tpu.memory_space<vmem>> -> memref<64x128xf32, #tpu.memory_space<vmem>>
      tpu.enqueue_dma source(%dma_start3A_170 : memref<64x128xf32, #tpu.memory_space<vmem>>) target(%dma_start3A_166 : memref<64x128xf32, #tpu.memory_space<vmem_shared>>) target_semaphore(%run_scoped3A_159 : memref<!tpu.dma_semaphore, #tpu.memory_space<semaphore_mem>>)
      %dma_wait3A = arith.constant 0 : i32
      %dma_wait3A_171 = arith.constant 0 : i32
      %dma_wait3A_172 = tpu.memref_slice %arg10[%run_scoped3A_48, %dma_wait3A, %dma_wait3A_171] : memref<4x64x128xf32, #tpu.memory_space<vmem>> -> memref<1x64x128xf32, #tpu.memory_space<vmem>>
      %dma_wait3A_173 = tpu.memref_squeeze %dma_wait3A_172 : memref<1x64x128xf32, #tpu.memory_space<vmem>> -> memref<64x128xf32, #tpu.memory_space<vmem>>
      %dma_wait3A_174 = arith.constant 0 : i32
      %dma_wait3A_175 = tpu.memref_slice %arg7[%add3A_47, %dma_wait3A_174] : memref<10240x128xf32, #tpu.memory_space<vmem_shared>> -> memref<64x128xf32, #tpu.memory_space<vmem_shared>>
      %dma_wait3A_176 = arith.constant 0 : i32
      %dma_wait3A_177 = tpu.memref_slice %arg7[%add3A_47, %dma_wait3A_176] : memref<10240x128xf32, #tpu.memory_space<vmem_shared>> -> memref<64x128xf32, #tpu.memory_space<vmem_shared>>
      %dma_wait3A_178 = arith.constant 0 : i32
      %dma_wait3A_179 = arith.constant 0 : i32
      %dma_wait3A_180 = tpu.memref_slice %arg10[%run_scoped3A_48, %dma_wait3A_178, %dma_wait3A_179] : memref<4x64x128xf32, #tpu.memory_space<vmem>> -> memref<1x64x128xf32, #tpu.memory_space<vmem>>
      %dma_wait3A_181 = tpu.memref_squeeze %dma_wait3A_180 : memref<1x64x128xf32, #tpu.memory_space<vmem>> -> memref<64x128xf32, #tpu.memory_space<vmem>>
      tpu.wait_dma2 semaphore(%run_scoped3A_159 : memref<!tpu.dma_semaphore, #tpu.memory_space<semaphore_mem>>) src(%dma_wait3A_181 : memref<64x128xf32, #tpu.memory_space<vmem>>) dst(%dma_wait3A_177 : memref<64x128xf32, #tpu.memory_space<vmem_shared>>)
      tpu.yield
    }) : () -> ()
    %mul3A_49 = arith.constant 640 : i32
    %mul3A_50 = arith.muli %arg1, %mul3A_49 : i32
    %add3A_51 = arith.constant 512 : i32
    %add3A_52 = arith.addi %mul3A_50, %add3A_51 : i32
    %run_scoped3A_53 = arith.constant 0 : i32
    "tpu.region"() ({
      %run_scoped3A_159 = tpu.sem_alloc : memref<!tpu.dma_semaphore, #tpu.memory_space<semaphore_mem>>
      %dma_start3A = arith.constant 0 : i32
      %dma_start3A_160 = arith.constant 0 : i32
      %dma_start3A_161 = tpu.memref_slice %arg10[%run_scoped3A_53, %dma_start3A, %dma_start3A_160] : memref<4x64x128xf32, #tpu.memory_space<vmem>> -> memref<1x64x128xf32, #tpu.memory_space<vmem>>
      %dma_start3A_162 = tpu.memref_squeeze %dma_start3A_161 : memref<1x64x128xf32, #tpu.memory_space<vmem>> -> memref<64x128xf32, #tpu.memory_space<vmem>>
      %dma_start3A_163 = arith.constant 0 : i32
      %dma_start3A_164 = tpu.memref_slice %arg7[%add3A_52, %dma_start3A_163] : memref<10240x128xf32, #tpu.memory_space<vmem_shared>> -> memref<64x128xf32, #tpu.memory_space<vmem_shared>>
      %dma_start3A_165 = arith.constant 0 : i32
      %dma_start3A_166 = tpu.memref_slice %arg7[%add3A_52, %dma_start3A_165] : memref<10240x128xf32, #tpu.memory_space<vmem_shared>> -> memref<64x128xf32, #tpu.memory_space<vmem_shared>>
      %dma_start3A_167 = arith.constant 0 : i32
      %dma_start3A_168 = arith.constant 0 : i32
      %dma_start3A_169 = tpu.memref_slice %arg10[%run_scoped3A_53, %dma_start3A_167, %dma_start3A_168] : memref<4x64x128xf32, #tpu.memory_space<vmem>> -> memref<1x64x128xf32, #tpu.memory_space<vmem>>
      %dma_start3A_170 = tpu.memref_squeeze %dma_start3A_169 : memref<1x64x128xf32, #tpu.memory_space<vmem>> -> memref<64x128xf32, #tpu.memory_space<vmem>>
      tpu.enqueue_dma source(%dma_start3A_170 : memref<64x128xf32, #tpu.memory_space<vmem>>) target(%dma_start3A_166 : memref<64x128xf32, #tpu.memory_space<vmem_shared>>) target_semaphore(%run_scoped3A_159 : memref<!tpu.dma_semaphore, #tpu.memory_space<semaphore_mem>>)
      %dma_wait3A = arith.constant 0 : i32
      %dma_wait3A_171 = arith.constant 0 : i32
      %dma_wait3A_172 = tpu.memref_slice %arg10[%run_scoped3A_53, %dma_wait3A, %dma_wait3A_171] : memref<4x64x128xf32, #tpu.memory_space<vmem>> -> memref<1x64x128xf32, #tpu.memory_space<vmem>>
      %dma_wait3A_173 = tpu.memref_squeeze %dma_wait3A_172 : memref<1x64x128xf32, #tpu.memory_space<vmem>> -> memref<64x128xf32, #tpu.memory_space<vmem>>
      %dma_wait3A_174 = arith.constant 0 : i32
      %dma_wait3A_175 = tpu.memref_slice %arg7[%add3A_52, %dma_wait3A_174] : memref<10240x128xf32, #tpu.memory_space<vmem_shared>> -> memref<64x128xf32, #tpu.memory_space<vmem_shared>>
      %dma_wait3A_176 = arith.constant 0 : i32
      %dma_wait3A_177 = tpu.memref_slice %arg7[%add3A_52, %dma_wait3A_176] : memref<10240x128xf32, #tpu.memory_space<vmem_shared>> -> memref<64x128xf32, #tpu.memory_space<vmem_shared>>
      %dma_wait3A_178 = arith.constant 0 : i32
      %dma_wait3A_179 = arith.constant 0 : i32
      %dma_wait3A_180 = tpu.memref_slice %arg10[%run_scoped3A_53, %dma_wait3A_178, %dma_wait3A_179] : memref<4x64x128xf32, #tpu.memory_space<vmem>> -> memref<1x64x128xf32, #tpu.memory_space<vmem>>
      %dma_wait3A_181 = tpu.memref_squeeze %dma_wait3A_180 : memref<1x64x128xf32, #tpu.memory_space<vmem>> -> memref<64x128xf32, #tpu.memory_space<vmem>>
      tpu.wait_dma2 semaphore(%run_scoped3A_159 : memref<!tpu.dma_semaphore, #tpu.memory_space<semaphore_mem>>) src(%dma_wait3A_181 : memref<64x128xf32, #tpu.memory_space<vmem>>) dst(%dma_wait3A_177 : memref<64x128xf32, #tpu.memory_space<vmem_shared>>)
      tpu.yield
    }) : () -> ()
    %mul3A_54 = arith.constant 640 : i32
    %mul3A_55 = arith.muli %arg1, %mul3A_54 : i32
    %add3A_56 = arith.constant 576 : i32
    %add3A_57 = arith.addi %mul3A_55, %add3A_56 : i32
    %run_scoped3A_58 = arith.constant 0 : i32
    "tpu.region"() ({
      %run_scoped3A_159 = tpu.sem_alloc : memref<!tpu.dma_semaphore, #tpu.memory_space<semaphore_mem>>
      %dma_start3A = arith.constant 0 : i32
      %dma_start3A_160 = arith.constant 0 : i32
      %dma_start3A_161 = tpu.memref_slice %arg10[%run_scoped3A_58, %dma_start3A, %dma_start3A_160] : memref<4x64x128xf32, #tpu.memory_space<vmem>> -> memref<1x64x128xf32, #tpu.memory_space<vmem>>
      %dma_start3A_162 = tpu.memref_squeeze %dma_start3A_161 : memref<1x64x128xf32, #tpu.memory_space<vmem>> -> memref<64x128xf32, #tpu.memory_space<vmem>>
      %dma_start3A_163 = arith.constant 0 : i32
      %dma_start3A_164 = tpu.memref_slice %arg7[%add3A_57, %dma_start3A_163] : memref<10240x128xf32, #tpu.memory_space<vmem_shared>> -> memref<64x128xf32, #tpu.memory_space<vmem_shared>>
      %dma_start3A_165 = arith.constant 0 : i32
      %dma_start3A_166 = tpu.memref_slice %arg7[%add3A_57, %dma_start3A_165] : memref<10240x128xf32, #tpu.memory_space<vmem_shared>> -> memref<64x128xf32, #tpu.memory_space<vmem_shared>>
      %dma_start3A_167 = arith.constant 0 : i32
      %dma_start3A_168 = arith.constant 0 : i32
      %dma_start3A_169 = tpu.memref_slice %arg10[%run_scoped3A_58, %dma_start3A_167, %dma_start3A_168] : memref<4x64x128xf32, #tpu.memory_space<vmem>> -> memref<1x64x128xf32, #tpu.memory_space<vmem>>
      %dma_start3A_170 = tpu.memref_squeeze %dma_start3A_169 : memref<1x64x128xf32, #tpu.memory_space<vmem>> -> memref<64x128xf32, #tpu.memory_space<vmem>>
      tpu.enqueue_dma source(%dma_start3A_170 : memref<64x128xf32, #tpu.memory_space<vmem>>) target(%dma_start3A_166 : memref<64x128xf32, #tpu.memory_space<vmem_shared>>) target_semaphore(%run_scoped3A_159 : memref<!tpu.dma_semaphore, #tpu.memory_space<semaphore_mem>>)
      %dma_wait3A = arith.constant 0 : i32
      %dma_wait3A_171 = arith.constant 0 : i32
      %dma_wait3A_172 = tpu.memref_slice %arg10[%run_scoped3A_58, %dma_wait3A, %dma_wait3A_171] : memref<4x64x128xf32, #tpu.memory_space<vmem>> -> memref<1x64x128xf32, #tpu.memory_space<vmem>>
      %dma_wait3A_173 = tpu.memref_squeeze %dma_wait3A_172 : memref<1x64x128xf32, #tpu.memory_space<vmem>> -> memref<64x128xf32, #tpu.memory_space<vmem>>
      %dma_wait3A_174 = arith.constant 0 : i32
      %dma_wait3A_175 = tpu.memref_slice %arg7[%add3A_57, %dma_wait3A_174] : memref<10240x128xf32, #tpu.memory_space<vmem_shared>> -> memref<64x128xf32, #tpu.memory_space<vmem_shared>>
      %dma_wait3A_176 = arith.constant 0 : i32
      %dma_wait3A_177 = tpu.memref_slice %arg7[%add3A_57, %dma_wait3A_176] : memref<10240x128xf32, #tpu.memory_space<vmem_shared>> -> memref<64x128xf32, #tpu.memory_space<vmem_shared>>
      %dma_wait3A_178 = arith.constant 0 : i32
      %dma_wait3A_179 = arith.constant 0 : i32
      %dma_wait3A_180 = tpu.memref_slice %arg10[%run_scoped3A_58, %dma_wait3A_178, %dma_wait3A_179] : memref<4x64x128xf32, #tpu.memory_space<vmem>> -> memref<1x64x128xf32, #tpu.memory_space<vmem>>
      %dma_wait3A_181 = tpu.memref_squeeze %dma_wait3A_180 : memref<1x64x128xf32, #tpu.memory_space<vmem>> -> memref<64x128xf32, #tpu.memory_space<vmem>>
      tpu.wait_dma2 semaphore(%run_scoped3A_159 : memref<!tpu.dma_semaphore, #tpu.memory_space<semaphore_mem>>) src(%dma_wait3A_181 : memref<64x128xf32, #tpu.memory_space<vmem>>) dst(%dma_wait3A_177 : memref<64x128xf32, #tpu.memory_space<vmem_shared>>)
      tpu.yield
    }) : () -> ()
    %barrier3A = arith.constant 0 : index
    tpu.barrier barrier_id(%barrier3A)
    %scan3A_59 = arith.constant 0 : i32
    %scan3A_60 = arith.constant 10 : i32
    %scan3A_61 = arith.addi %scan3A_59, %scan3A_60 : i32
    %scan3A_62 = arith.constant 1 : i32
    scf.for %scan3A_159 = %scan3A_59 to %scan3A_61 step %scan3A_62  : i32 {
      %mul3A_160 = arith.constant 1 : i32
      %mul3A_161 = arith.muli %scan3A_159, %mul3A_160 : i32
      %add3A_162 = arith.constant 0 : i32
      %add3A_163 = arith.addi %add3A_162, %mul3A_161 : i32
      %mul3A_164 = arith.constant 16 : i32
      %mul3A_165 = arith.muli %arg0, %mul3A_164 : i32
      %add3A_166 = arith.addi %mul3A_165, %arg1 : i32
      %mul3A_167 = arith.constant 160 : i32
      %mul3A_168 = arith.muli %add3A_166, %mul3A_167 : i32
      %mul3A_169 = arith.constant 16 : i32
      %mul3A_170 = arith.muli %add3A_163, %mul3A_169 : i32
      %add3A_171 = arith.addi %mul3A_168, %mul3A_170 : i32
      "tpu.region"() ({
        %run_scoped3A_1198 = tpu.sem_alloc : memref<!tpu.dma_semaphore, #tpu.memory_space<semaphore_mem>>
        %dma_start3A_1199 = arith.constant 0 : i32
        %dma_start3A_1200 = tpu.memref_slice %arg3[%add3A_171, %dma_start3A_1199] : memref<5120x64xi32, #tpu.memory_space<hbm>> -> memref<16x64xi32, #tpu.memory_space<hbm>>
        %dma_start3A_1201 = arith.constant 0 : i32
        %dma_start3A_1202 = tpu.memref_slice %arg3[%add3A_171, %dma_start3A_1201] : memref<5120x64xi32, #tpu.memory_space<hbm>> -> memref<16x64xi32, #tpu.memory_space<hbm>>
        tpu.enqueue_dma source(%dma_start3A_1202 : memref<16x64xi32, #tpu.memory_space<hbm>>) target(%arg8 : memref<16x64xi32, #tpu.memory_space<vmem>>) target_semaphore(%run_scoped3A_1198 : memref<!tpu.dma_semaphore, #tpu.memory_space<semaphore_mem>>)
        %dma_wait3A_1203 = arith.constant 0 : i32
        %dma_wait3A_1204 = tpu.memref_slice %arg3[%add3A_171, %dma_wait3A_1203] : memref<5120x64xi32, #tpu.memory_space<hbm>> -> memref<16x64xi32, #tpu.memory_space<hbm>>
        %dma_wait3A_1205 = arith.constant 0 : i32
        %dma_wait3A_1206 = tpu.memref_slice %arg3[%add3A_171, %dma_wait3A_1205] : memref<5120x64xi32, #tpu.memory_space<hbm>> -> memref<16x64xi32, #tpu.memory_space<hbm>>
        tpu.wait_dma2 semaphore(%run_scoped3A_1198 : memref<!tpu.dma_semaphore, #tpu.memory_space<semaphore_mem>>) src(%dma_wait3A_1206 : memref<16x64xi32, #tpu.memory_space<hbm>>) dst(%arg8 : memref<16x64xi32, #tpu.memory_space<vmem>>)
        tpu.yield
      }) : () -> ()
      %mul3A_172 = arith.constant 160 : i32
      %mul3A_173 = arith.muli %arg1, %mul3A_172 : i32
      %mul3A_174 = arith.constant 16 : i32
      %mul3A_175 = arith.muli %add3A_163, %mul3A_174 : i32
      %add3A_176 = arith.addi %mul3A_173, %mul3A_175 : i32
      "tpu.region"() ({
        %run_scoped3A_1198 = tpu.sem_alloc : memref<!tpu.dma_semaphore, #tpu.memory_space<semaphore_mem>>
        %dma_start3A_1199 = arith.constant 0 : i32
        %dma_start3A_1200 = tpu.memref_slice %arg4[%add3A_176, %dma_start3A_1199] : memref<2560x64xi32, #tpu.memory_space<hbm>> -> memref<16x64xi32, #tpu.memory_space<hbm>>
        %dma_start3A_1201 = arith.constant 0 : i32
        %dma_start3A_1202 = tpu.memref_slice %arg4[%add3A_176, %dma_start3A_1201] : memref<2560x64xi32, #tpu.memory_space<hbm>> -> memref<16x64xi32, #tpu.memory_space<hbm>>
        tpu.enqueue_dma source(%dma_start3A_1202 : memref<16x64xi32, #tpu.memory_space<hbm>>) target(%arg9 : memref<16x64xi32, #tpu.memory_space<vmem>>) target_semaphore(%run_scoped3A_1198 : memref<!tpu.dma_semaphore, #tpu.memory_space<semaphore_mem>>)
        %dma_wait3A_1203 = arith.constant 0 : i32
        %dma_wait3A_1204 = tpu.memref_slice %arg4[%add3A_176, %dma_wait3A_1203] : memref<2560x64xi32, #tpu.memory_space<hbm>> -> memref<16x64xi32, #tpu.memory_space<hbm>>
        %dma_wait3A_1205 = arith.constant 0 : i32
        %dma_wait3A_1206 = tpu.memref_slice %arg4[%add3A_176, %dma_wait3A_1205] : memref<2560x64xi32, #tpu.memory_space<hbm>> -> memref<16x64xi32, #tpu.memory_space<hbm>>
        tpu.wait_dma2 semaphore(%run_scoped3A_1198 : memref<!tpu.dma_semaphore, #tpu.memory_space<semaphore_mem>>) src(%dma_wait3A_1206 : memref<16x64xi32, #tpu.memory_space<hbm>>) dst(%arg9 : memref<16x64xi32, #tpu.memory_space<vmem>>)
        tpu.yield
      }) : () -> ()
      %dma_start3A = arith.constant 0 : i32
      %dma_start3A_177 = arith.constant 0 : i32
      %dma_start3A_178 = arith.constant 0 : i32
      %dma_start3A_179 = arith.constant 0 : i32
      %dma_start3A_180 = tpu.memref_slice %arg10[%dma_start3A_177, %dma_start3A_178, %dma_start3A_179] : memref<4x64x128xf32, #tpu.memory_space<vmem>> -> memref<1x64x128xf32, #tpu.memory_space<vmem>>
      %dma_start3A_181 = tpu.memref_squeeze %dma_start3A_180 : memref<1x64x128xf32, #tpu.memory_space<vmem>> -> memref<64x128xf32, #tpu.memory_space<vmem>>
      %dma_start3A_182 = arith.constant 0 : i32
      %dma_start3A_183 = tpu.memref_slice %arg8[%dma_start3A, %dma_start3A_182] : memref<16x64xi32, #tpu.memory_space<vmem>> -> memref<1x64xi32, #tpu.memory_space<vmem>>
      %dma_start3A_184 = tpu.memref_squeeze %dma_start3A_183 : memref<1x64xi32, #tpu.memory_space<vmem>> -> memref<64xi32, #tpu.memory_space<vmem>>
      %dma_start3A_185 = arith.constant 0 : i32
      %dma_start3A_186 = arith.constant 0 : i32
      %dma_start3A_187 = tpu.memref_slice %arg2[%dma_start3A_185, %dma_start3A_186] : memref<20000x128xf32, #tpu.memory_space<hbm>> -> memref<20000x128xf32, #tpu.memory_space<hbm>>
      tpu.enqueue_indirect_dma source(%dma_start3A_187 : memref<20000x128xf32, #tpu.memory_space<hbm>>) target(%dma_start3A_181 : memref<64x128xf32, #tpu.memory_space<vmem>>) offsets(%dma_start3A_184 : memref<64xi32, #tpu.memory_space<vmem>>) semaphore(%arg12 : memref<!tpu.dma_semaphore, #tpu.memory_space<semaphore_mem>>)
      %dma_start3A_188 = arith.constant 1 : i32
      %dma_start3A_189 = arith.constant 1 : i32
      %dma_start3A_190 = arith.constant 0 : i32
      %dma_start3A_191 = arith.constant 0 : i32
      %dma_start3A_192 = tpu.memref_slice %arg10[%dma_start3A_189, %dma_start3A_190, %dma_start3A_191] : memref<4x64x128xf32, #tpu.memory_space<vmem>> -> memref<1x64x128xf32, #tpu.memory_space<vmem>>
      %dma_start3A_193 = tpu.memref_squeeze %dma_start3A_192 : memref<1x64x128xf32, #tpu.memory_space<vmem>> -> memref<64x128xf32, #tpu.memory_space<vmem>>
      %dma_start3A_194 = arith.constant 0 : i32
      %dma_start3A_195 = tpu.memref_slice %arg8[%dma_start3A_188, %dma_start3A_194] : memref<16x64xi32, #tpu.memory_space<vmem>> -> memref<1x64xi32, #tpu.memory_space<vmem>>
      %dma_start3A_196 = tpu.memref_squeeze %dma_start3A_195 : memref<1x64xi32, #tpu.memory_space<vmem>> -> memref<64xi32, #tpu.memory_space<vmem>>
      %dma_start3A_197 = arith.constant 0 : i32
      %dma_start3A_198 = arith.constant 0 : i32
      %dma_start3A_199 = tpu.memref_slice %arg2[%dma_start3A_197, %dma_start3A_198] : memref<20000x128xf32, #tpu.memory_space<hbm>> -> memref<20000x128xf32, #tpu.memory_space<hbm>>
      tpu.enqueue_indirect_dma source(%dma_start3A_199 : memref<20000x128xf32, #tpu.memory_space<hbm>>) target(%dma_start3A_193 : memref<64x128xf32, #tpu.memory_space<vmem>>) offsets(%dma_start3A_196 : memref<64xi32, #tpu.memory_space<vmem>>) semaphore(%arg13 : memref<!tpu.dma_semaphore, #tpu.memory_space<semaphore_mem>>)
      %dma_start3A_200 = arith.constant 2 : i32
      %dma_start3A_201 = arith.constant 2 : i32
      %dma_start3A_202 = arith.constant 0 : i32
      %dma_start3A_203 = arith.constant 0 : i32
      %dma_start3A_204 = tpu.memref_slice %arg10[%dma_start3A_201, %dma_start3A_202, %dma_start3A_203] : memref<4x64x128xf32, #tpu.memory_space<vmem>> -> memref<1x64x128xf32, #tpu.memory_space<vmem>>
      %dma_start3A_205 = tpu.memref_squeeze %dma_start3A_204 : memref<1x64x128xf32, #tpu.memory_space<vmem>> -> memref<64x128xf32, #tpu.memory_space<vmem>>
      %dma_start3A_206 = arith.constant 0 : i32
      %dma_start3A_207 = tpu.memref_slice %arg8[%dma_start3A_200, %dma_start3A_206] : memref<16x64xi32, #tpu.memory_space<vmem>> -> memref<1x64xi32, #tpu.memory_space<vmem>>
      %dma_start3A_208 = tpu.memref_squeeze %dma_start3A_207 : memref<1x64xi32, #tpu.memory_space<vmem>> -> memref<64xi32, #tpu.memory_space<vmem>>
      %dma_start3A_209 = arith.constant 0 : i32
      %dma_start3A_210 = arith.constant 0 : i32
      %dma_start3A_211 = tpu.memref_slice %arg2[%dma_start3A_209, %dma_start3A_210] : memref<20000x128xf32, #tpu.memory_space<hbm>> -> memref<20000x128xf32, #tpu.memory_space<hbm>>
      tpu.enqueue_indirect_dma source(%dma_start3A_211 : memref<20000x128xf32, #tpu.memory_space<hbm>>) target(%dma_start3A_205 : memref<64x128xf32, #tpu.memory_space<vmem>>) offsets(%dma_start3A_208 : memref<64xi32, #tpu.memory_space<vmem>>) semaphore(%arg14 : memref<!tpu.dma_semaphore, #tpu.memory_space<semaphore_mem>>)
      %dma_start3A_212 = arith.constant 3 : i32
      %dma_start3A_213 = arith.constant 3 : i32
      %dma_start3A_214 = arith.constant 0 : i32
      %dma_start3A_215 = arith.constant 0 : i32
      %dma_start3A_216 = tpu.memref_slice %arg10[%dma_start3A_213, %dma_start3A_214, %dma_start3A_215] : memref<4x64x128xf32, #tpu.memory_space<vmem>> -> memref<1x64x128xf32, #tpu.memory_space<vmem>>
      %dma_start3A_217 = tpu.memref_squeeze %dma_start3A_216 : memref<1x64x128xf32, #tpu.memory_space<vmem>> -> memref<64x128xf32, #tpu.memory_space<vmem>>
      %dma_start3A_218 = arith.constant 0 : i32
      %dma_start3A_219 = tpu.memref_slice %arg8[%dma_start3A_212, %dma_start3A_218] : memref<16x64xi32, #tpu.memory_space<vmem>> -> memref<1x64xi32, #tpu.memory_space<vmem>>
      %dma_start3A_220 = tpu.memref_squeeze %dma_start3A_219 : memref<1x64xi32, #tpu.memory_space<vmem>> -> memref<64xi32, #tpu.memory_space<vmem>>
      %dma_start3A_221 = arith.constant 0 : i32
      %dma_start3A_222 = arith.constant 0 : i32
      %dma_start3A_223 = tpu.memref_slice %arg2[%dma_start3A_221, %dma_start3A_222] : memref<20000x128xf32, #tpu.memory_space<hbm>> -> memref<20000x128xf32, #tpu.memory_space<hbm>>
      tpu.enqueue_indirect_dma source(%dma_start3A_223 : memref<20000x128xf32, #tpu.memory_space<hbm>>) target(%dma_start3A_217 : memref<64x128xf32, #tpu.memory_space<vmem>>) offsets(%dma_start3A_220 : memref<64xi32, #tpu.memory_space<vmem>>) semaphore(%arg15 : memref<!tpu.dma_semaphore, #tpu.memory_space<semaphore_mem>>)
      %dma_wait3A = arith.constant 0 : i32
      %dma_wait3A_224 = arith.constant 0 : i32
      %dma_wait3A_225 = arith.constant 0 : i32
      %dma_wait3A_226 = arith.constant 0 : i32
      %dma_wait3A_227 = tpu.memref_slice %arg10[%dma_wait3A_224, %dma_wait3A_225, %dma_wait3A_226] : memref<4x64x128xf32, #tpu.memory_space<vmem>> -> memref<1x64x128xf32, #tpu.memory_space<vmem>>
      %dma_wait3A_228 = tpu.memref_squeeze %dma_wait3A_227 : memref<1x64x128xf32, #tpu.memory_space<vmem>> -> memref<64x128xf32, #tpu.memory_space<vmem>>
      %dma_wait3A_229 = arith.constant 0 : i32
      %dma_wait3A_230 = tpu.memref_slice %arg8[%dma_wait3A, %dma_wait3A_229] : memref<16x64xi32, #tpu.memory_space<vmem>> -> memref<1x64xi32, #tpu.memory_space<vmem>>
      %dma_wait3A_231 = tpu.memref_squeeze %dma_wait3A_230 : memref<1x64xi32, #tpu.memory_space<vmem>> -> memref<64xi32, #tpu.memory_space<vmem>>
      %dma_wait3A_232 = arith.constant 0 : i32
      %dma_wait3A_233 = arith.constant 0 : i32
      %dma_wait3A_234 = tpu.memref_slice %arg2[%dma_wait3A_232, %dma_wait3A_233] : memref<20000x128xf32, #tpu.memory_space<hbm>> -> memref<20000x128xf32, #tpu.memory_space<hbm>>
      tpu.wait_indirect_dma semaphore(%arg12 : memref<!tpu.dma_semaphore, #tpu.memory_space<semaphore_mem>>) src(%dma_wait3A_234 : memref<20000x128xf32, #tpu.memory_space<hbm>>) dst(%dma_wait3A_228 : memref<64x128xf32, #tpu.memory_space<vmem>>)
      %dma_start3A_235 = arith.constant 0 : i32
      %dma_start3A_236 = arith.constant 0 : i32
      %dma_start3A_237 = arith.constant 0 : i32
      %dma_start3A_238 = arith.constant 0 : i32
      %dma_start3A_239 = tpu.memref_slice %arg10[%dma_start3A_235, %dma_start3A_237, %dma_start3A_238] : memref<4x64x128xf32, #tpu.memory_space<vmem>> -> memref<1x64x128xf32, #tpu.memory_space<vmem>>
      %dma_start3A_240 = tpu.memref_squeeze %dma_start3A_239 : memref<1x64x128xf32, #tpu.memory_space<vmem>> -> memref<64x128xf32, #tpu.memory_space<vmem>>
      %dma_start3A_241 = arith.constant 0 : i32
      %dma_start3A_242 = tpu.memref_slice %arg9[%dma_start3A_236, %dma_start3A_241] : memref<16x64xi32, #tpu.memory_space<vmem>> -> memref<1x64xi32, #tpu.memory_space<vmem>>
      %dma_start3A_243 = tpu.memref_squeeze %dma_start3A_242 : memref<1x64xi32, #tpu.memory_space<vmem>> -> memref<64xi32, #tpu.memory_space<vmem>>
      %dma_start3A_244 = arith.constant 0 : i32
      %dma_start3A_245 = arith.constant 0 : i32
      %dma_start3A_246 = tpu.memref_slice %arg7[%dma_start3A_244, %dma_start3A_245] : memref<10240x128xf32, #tpu.memory_space<vmem_shared>> -> memref<10240x128xf32, #tpu.memory_space<vmem_shared>>
      tpu.enqueue_indirect_dma source(%dma_start3A_240 : memref<64x128xf32, #tpu.memory_space<vmem>>) target(%dma_start3A_246 : memref<10240x128xf32, #tpu.memory_space<vmem_shared>>) offsets(%dma_start3A_243 : memref<64xi32, #tpu.memory_space<vmem>>) semaphore(%arg16 : memref<!tpu.dma_semaphore, #tpu.memory_space<semaphore_mem>>) {add = true}
      %get3A = arith.constant 0 : i32
      %get3A_247 = arith.index_cast %get3A : i32 to index
      %get3A_248 = arith.constant 0 : index
      %get3A_249 = tpu.vector_load %arg9[%get3A_247, %get3A_248] {strides = array<i32>} : memref<16x64xi32, #tpu.memory_space<vmem>>, vector<16xi32>,
      tpu.vector_store_idx %arg11[%get3A_249], %broadcast_in_dim3A_2 {add = true} : memref<10240xf32, #tpu.memory_space<vmem>>[vector<16xi32>], vector<16xf32>,
      %get3A_250 = arith.constant 0 : i32
      %get3A_251 = arith.index_cast %get3A_250 : i32 to index
      %get3A_252 = arith.constant 16 : index
      %get3A_253 = tpu.vector_load %arg9[%get3A_251, %get3A_252] {strides = array<i32>} : memref<16x64xi32, #tpu.memory_space<vmem>>, vector<16xi32>,
      tpu.vector_store_idx %arg11[%get3A_253], %broadcast_in_dim3A_2 {add = true} : memref<10240xf32, #tpu.memory_space<vmem>>[vector<16xi32>], vector<16xf32>,
      %get3A_254 = arith.constant 0 : i32
      %get3A_255 = arith.index_cast %get3A_254 : i32 to index
      %get3A_256 = arith.constant 32 : index
      %get3A_257 = tpu.vector_load %arg9[%get3A_255, %get3A_256] {strides = array<i32>} : memref<16x64xi32, #tpu.memory_space<vmem>>, vector<16xi32>,
      tpu.vector_store_idx %arg11[%get3A_257], %broadcast_in_dim3A_2 {add = true} : memref<10240xf32, #tpu.memory_space<vmem>>[vector<16xi32>], vector<16xf32>,
      %get3A_258 = arith.constant 0 : i32
      %get3A_259 = arith.index_cast %get3A_258 : i32 to index
      %get3A_260 = arith.constant 48 : index
      %get3A_261 = tpu.vector_load %arg9[%get3A_259, %get3A_260] {strides = array<i32>} : memref<16x64xi32, #tpu.memory_space<vmem>>, vector<16xi32>,
      tpu.vector_store_idx %arg11[%get3A_261], %broadcast_in_dim3A_2 {add = true} : memref<10240xf32, #tpu.memory_space<vmem>>[vector<16xi32>], vector<16xf32>,
      %dma_wait3A_262 = arith.constant 0 : i32
      %dma_wait3A_263 = arith.constant 0 : i32
      %dma_wait3A_264 = arith.constant 0 : i32
      %dma_wait3A_265 = arith.constant 0 : i32
      %dma_wait3A_266 = tpu.memref_slice %arg10[%dma_wait3A_262, %dma_wait3A_264, %dma_wait3A_265] : memref<4x64x128xf32, #tpu.memory_space<vmem>> -> memref<1x64x128xf32, #tpu.memory_space<vmem>>
      %dma_wait3A_267 = tpu.memref_squeeze %dma_wait3A_266 : memref<1x64x128xf32, #tpu.memory_space<vmem>> -> memref<64x128xf32, #tpu.memory_space<vmem>>
      %dma_wait3A_268 = arith.constant 0 : i32
      %dma_wait3A_269 = tpu.memref_slice %arg9[%dma_wait3A_263, %dma_wait3A_268] : memref<16x64xi32, #tpu.memory_space<vmem>> -> memref<1x64xi32, #tpu.memory_space<vmem>>
      %dma_wait3A_270 = tpu.memref_squeeze %dma_wait3A_269 : memref<1x64xi32, #tpu.memory_space<vmem>> -> memref<64xi32, #tpu.memory_space<vmem>>
      %dma_wait3A_271 = arith.constant 0 : i32
      %dma_wait3A_272 = arith.constant 0 : i32
      %dma_wait3A_273 = tpu.memref_slice %arg7[%dma_wait3A_271, %dma_wait3A_272] : memref<10240x128xf32, #tpu.memory_space<vmem_shared>> -> memref<10240x128xf32, #tpu.memory_space<vmem_shared>>
      tpu.wait_indirect_dma semaphore(%arg16 : memref<!tpu.dma_semaphore, #tpu.memory_space<semaphore_mem>>) src(%dma_wait3A_267 : memref<64x128xf32, #tpu.memory_space<vmem>>) dst(%dma_wait3A_273 : memref<10240x128xf32, #tpu.memory_space<vmem_shared>>)
      %dma_start3A_274 = arith.constant 4 : i32
      %dma_start3A_275 = arith.constant 0 : i32
      %dma_start3A_276 = arith.constant 0 : i32
      %dma_start3A_277 = arith.constant 0 : i32
      %dma_start3A_278 = tpu.memref_slice %arg10[%dma_start3A_275, %dma_start3A_276, %dma_start3A_277] : memref<4x64x128xf32, #tpu.memory_space<vmem>> -> memref<1x64x128xf32, #tpu.memory_space<vmem>>
      %dma_start3A_279 = tpu.memref_squeeze %dma_start3A_278 : memref<1x64x128xf32, #tpu.memory_space<vmem>> -> memref<64x128xf32, #tpu.memory_space<vmem>>
      %dma_start3A_280 = arith.constant 0 : i32
      %dma_start3A_281 = tpu.memref_slice %arg8[%dma_start3A_274, %dma_start3A_280] : memref<16x64xi32, #tpu.memory_space<vmem>> -> memref<1x64xi32, #tpu.memory_space<vmem>>
      %dma_start3A_282 = tpu.memref_squeeze %dma_start3A_281 : memref<1x64xi32, #tpu.memory_space<vmem>> -> memref<64xi32, #tpu.memory_space<vmem>>
      %dma_start3A_283 = arith.constant 0 : i32
      %dma_start3A_284 = arith.constant 0 : i32
      %dma_start3A_285 = tpu.memref_slice %arg2[%dma_start3A_283, %dma_start3A_284] : memref<20000x128xf32, #tpu.memory_space<hbm>> -> memref<20000x128xf32, #tpu.memory_space<hbm>>
      tpu.enqueue_indirect_dma source(%dma_start3A_285 : memref<20000x128xf32, #tpu.memory_space<hbm>>) target(%dma_start3A_279 : memref<64x128xf32, #tpu.memory_space<vmem>>) offsets(%dma_start3A_282 : memref<64xi32, #tpu.memory_space<vmem>>) semaphore(%arg12 : memref<!tpu.dma_semaphore, #tpu.memory_space<semaphore_mem>>)
      %dma_wait3A_286 = arith.constant 1 : i32
      %dma_wait3A_287 = arith.constant 1 : i32
      %dma_wait3A_288 = arith.constant 0 : i32
      %dma_wait3A_289 = arith.constant 0 : i32
      %dma_wait3A_290 = tpu.memref_slice %arg10[%dma_wait3A_287, %dma_wait3A_288, %dma_wait3A_289] : memref<4x64x128xf32, #tpu.memory_space<vmem>> -> memref<1x64x128xf32, #tpu.memory_space<vmem>>
      %dma_wait3A_291 = tpu.memref_squeeze %dma_wait3A_290 : memref<1x64x128xf32, #tpu.memory_space<vmem>> -> memref<64x128xf32, #tpu.memory_space<vmem>>
      %dma_wait3A_292 = arith.constant 0 : i32
      %dma_wait3A_293 = tpu.memref_slice %arg8[%dma_wait3A_286, %dma_wait3A_292] : memref<16x64xi32, #tpu.memory_space<vmem>> -> memref<1x64xi32, #tpu.memory_space<vmem>>
      %dma_wait3A_294 = tpu.memref_squeeze %dma_wait3A_293 : memref<1x64xi32, #tpu.memory_space<vmem>> -> memref<64xi32, #tpu.memory_space<vmem>>
      %dma_wait3A_295 = arith.constant 0 : i32
      %dma_wait3A_296 = arith.constant 0 : i32
      %dma_wait3A_297 = tpu.memref_slice %arg2[%dma_wait3A_295, %dma_wait3A_296] : memref<20000x128xf32, #tpu.memory_space<hbm>> -> memref<20000x128xf32, #tpu.memory_space<hbm>>
      tpu.wait_indirect_dma semaphore(%arg13 : memref<!tpu.dma_semaphore, #tpu.memory_space<semaphore_mem>>) src(%dma_wait3A_297 : memref<20000x128xf32, #tpu.memory_space<hbm>>) dst(%dma_wait3A_291 : memref<64x128xf32, #tpu.memory_space<vmem>>)
      %dma_start3A_298 = arith.constant 1 : i32
      %dma_start3A_299 = arith.constant 1 : i32
      %dma_start3A_300 = arith.constant 0 : i32
      %dma_start3A_301 = arith.constant 0 : i32
      %dma_start3A_302 = tpu.memref_slice %arg10[%dma_start3A_298, %dma_start3A_300, %dma_start3A_301] : memref<4x64x128xf32, #tpu.memory_space<vmem>> -> memref<1x64x128xf32, #tpu.memory_space<vmem>>
      %dma_start3A_303 = tpu.memref_squeeze %dma_start3A_302 : memref<1x64x128xf32, #tpu.memory_space<vmem>> -> memref<64x128xf32, #tpu.memory_space<vmem>>
      %dma_start3A_304 = arith.constant 0 : i32
      %dma_start3A_305 = tpu.memref_slice %arg9[%dma_start3A_299, %dma_start3A_304] : memref<16x64xi32, #tpu.memory_space<vmem>> -> memref<1x64xi32, #tpu.memory_space<vmem>>
      %dma_start3A_306 = tpu.memref_squeeze %dma_start3A_305 : memref<1x64xi32, #tpu.memory_space<vmem>> -> memref<64xi32, #tpu.memory_space<vmem>>
      %dma_start3A_307 = arith.constant 0 : i32
      %dma_start3A_308 = arith.constant 0 : i32
      %dma_start3A_309 = tpu.memref_slice %arg7[%dma_start3A_307, %dma_start3A_308] : memref<10240x128xf32, #tpu.memory_space<vmem_shared>> -> memref<10240x128xf32, #tpu.memory_space<vmem_shared>>
      tpu.enqueue_indirect_dma source(%dma_start3A_303 : memref<64x128xf32, #tpu.memory_space<vmem>>) target(%dma_start3A_309 : memref<10240x128xf32, #tpu.memory_space<vmem_shared>>) offsets(%dma_start3A_306 : memref<64xi32, #tpu.memory_space<vmem>>) semaphore(%arg17 : memref<!tpu.dma_semaphore, #tpu.memory_space<semaphore_mem>>) {add = true}
      %get3A_310 = arith.constant 1 : i32
      %get3A_311 = arith.index_cast %get3A_310 : i32 to index
      %get3A_312 = arith.constant 0 : index
      %get3A_313 = tpu.vector_load %arg9[%get3A_311, %get3A_312] {strides = array<i32>} : memref<16x64xi32, #tpu.memory_space<vmem>>, vector<16xi32>,
      tpu.vector_store_idx %arg11[%get3A_313], %broadcast_in_dim3A_2 {add = true} : memref<10240xf32, #tpu.memory_space<vmem>>[vector<16xi32>], vector<16xf32>,
      %get3A_314 = arith.constant 1 : i32
      %get3A_315 = arith.index_cast %get3A_314 : i32 to index
      %get3A_316 = arith.constant 16 : index
      %get3A_317 = tpu.vector_load %arg9[%get3A_315, %get3A_316] {strides = array<i32>} : memref<16x64xi32, #tpu.memory_space<vmem>>, vector<16xi32>,
      tpu.vector_store_idx %arg11[%get3A_317], %broadcast_in_dim3A_2 {add = true} : memref<10240xf32, #tpu.memory_space<vmem>>[vector<16xi32>], vector<16xf32>,
      %get3A_318 = arith.constant 1 : i32
      %get3A_319 = arith.index_cast %get3A_318 : i32 to index
      %get3A_320 = arith.constant 32 : index
      %get3A_321 = tpu.vector_load %arg9[%get3A_319, %get3A_320] {strides = array<i32>} : memref<16x64xi32, #tpu.memory_space<vmem>>, vector<16xi32>,
      tpu.vector_store_idx %arg11[%get3A_321], %broadcast_in_dim3A_2 {add = true} : memref<10240xf32, #tpu.memory_space<vmem>>[vector<16xi32>], vector<16xf32>,
      %get3A_322 = arith.constant 1 : i32
      %get3A_323 = arith.index_cast %get3A_322 : i32 to index
      %get3A_324 = arith.constant 48 : index
      %get3A_325 = tpu.vector_load %arg9[%get3A_323, %get3A_324] {strides = array<i32>} : memref<16x64xi32, #tpu.memory_space<vmem>>, vector<16xi32>,
      tpu.vector_store_idx %arg11[%get3A_325], %broadcast_in_dim3A_2 {add = true} : memref<10240xf32, #tpu.memory_space<vmem>>[vector<16xi32>], vector<16xf32>,
      %dma_wait3A_326 = arith.constant 1 : i32
      %dma_wait3A_327 = arith.constant 1 : i32
      %dma_wait3A_328 = arith.constant 0 : i32
      %dma_wait3A_329 = arith.constant 0 : i32
      %dma_wait3A_330 = tpu.memref_slice %arg10[%dma_wait3A_326, %dma_wait3A_328, %dma_wait3A_329] : memref<4x64x128xf32, #tpu.memory_space<vmem>> -> memref<1x64x128xf32, #tpu.memory_space<vmem>>
      %dma_wait3A_331 = tpu.memref_squeeze %dma_wait3A_330 : memref<1x64x128xf32, #tpu.memory_space<vmem>> -> memref<64x128xf32, #tpu.memory_space<vmem>>
      %dma_wait3A_332 = arith.constant 0 : i32
      %dma_wait3A_333 = tpu.memref_slice %arg9[%dma_wait3A_327, %dma_wait3A_332] : memref<16x64xi32, #tpu.memory_space<vmem>> -> memref<1x64xi32, #tpu.memory_space<vmem>>
      %dma_wait3A_334 = tpu.memref_squeeze %dma_wait3A_333 : memref<1x64xi32, #tpu.memory_space<vmem>> -> memref<64xi32, #tpu.memory_space<vmem>>
      %dma_wait3A_335 = arith.constant 0 : i32
      %dma_wait3A_336 = arith.constant 0 : i32
      %dma_wait3A_337 = tpu.memref_slice %arg7[%dma_wait3A_335, %dma_wait3A_336] : memref<10240x128xf32, #tpu.memory_space<vmem_shared>> -> memref<10240x128xf32, #tpu.memory_space<vmem_shared>>
      tpu.wait_indirect_dma semaphore(%arg17 : memref<!tpu.dma_semaphore, #tpu.memory_space<semaphore_mem>>) src(%dma_wait3A_331 : memref<64x128xf32, #tpu.memory_space<vmem>>) dst(%dma_wait3A_337 : memref<10240x128xf32, #tpu.memory_space<vmem_shared>>)
      %dma_start3A_338 = arith.constant 5 : i32
      %dma_start3A_339 = arith.constant 1 : i32
      %dma_start3A_340 = arith.constant 0 : i32
      %dma_start3A_341 = arith.constant 0 : i32
      %dma_start3A_342 = tpu.memref_slice %arg10[%dma_start3A_339, %dma_start3A_340, %dma_start3A_341] : memref<4x64x128xf32, #tpu.memory_space<vmem>> -> memref<1x64x128xf32, #tpu.memory_space<vmem>>
      %dma_start3A_343 = tpu.memref_squeeze %dma_start3A_342 : memref<1x64x128xf32, #tpu.memory_space<vmem>> -> memref<64x128xf32, #tpu.memory_space<vmem>>
      %dma_start3A_344 = arith.constant 0 : i32
      %dma_start3A_345 = tpu.memref_slice %arg8[%dma_start3A_338, %dma_start3A_344] : memref<16x64xi32, #tpu.memory_space<vmem>> -> memref<1x64xi32, #tpu.memory_space<vmem>>
      %dma_start3A_346 = tpu.memref_squeeze %dma_start3A_345 : memref<1x64xi32, #tpu.memory_space<vmem>> -> memref<64xi32, #tpu.memory_space<vmem>>
      %dma_start3A_347 = arith.constant 0 : i32
      %dma_start3A_348 = arith.constant 0 : i32
      %dma_start3A_349 = tpu.memref_slice %arg2[%dma_start3A_347, %dma_start3A_348] : memref<20000x128xf32, #tpu.memory_space<hbm>> -> memref<20000x128xf32, #tpu.memory_space<hbm>>
      tpu.enqueue_indirect_dma source(%dma_start3A_349 : memref<20000x128xf32, #tpu.memory_space<hbm>>) target(%dma_start3A_343 : memref<64x128xf32, #tpu.memory_space<vmem>>) offsets(%dma_start3A_346 : memref<64xi32, #tpu.memory_space<vmem>>) semaphore(%arg13 : memref<!tpu.dma_semaphore, #tpu.memory_space<semaphore_mem>>)
      %dma_wait3A_350 = arith.constant 2 : i32
      %dma_wait3A_351 = arith.constant 2 : i32
      %dma_wait3A_352 = arith.constant 0 : i32
      %dma_wait3A_353 = arith.constant 0 : i32
      %dma_wait3A_354 = tpu.memref_slice %arg10[%dma_wait3A_351, %dma_wait3A_352, %dma_wait3A_353] : memref<4x64x128xf32, #tpu.memory_space<vmem>> -> memref<1x64x128xf32, #tpu.memory_space<vmem>>
      %dma_wait3A_355 = tpu.memref_squeeze %dma_wait3A_354 : memref<1x64x128xf32, #tpu.memory_space<vmem>> -> memref<64x128xf32, #tpu.memory_space<vmem>>
      %dma_wait3A_356 = arith.constant 0 : i32
      %dma_wait3A_357 = tpu.memref_slice %arg8[%dma_wait3A_350, %dma_wait3A_356] : memref<16x64xi32, #tpu.memory_space<vmem>> -> memref<1x64xi32, #tpu.memory_space<vmem>>
      %dma_wait3A_358 = tpu.memref_squeeze %dma_wait3A_357 : memref<1x64xi32, #tpu.memory_space<vmem>> -> memref<64xi32, #tpu.memory_space<vmem>>
      %dma_wait3A_359 = arith.constant 0 : i32
      %dma_wait3A_360 = arith.constant 0 : i32
      %dma_wait3A_361 = tpu.memref_slice %arg2[%dma_wait3A_359, %dma_wait3A_360] : memref<20000x128xf32, #tpu.memory_space<hbm>> -> memref<20000x128xf32, #tpu.memory_space<hbm>>
      tpu.wait_indirect_dma semaphore(%arg14 : memref<!tpu.dma_semaphore, #tpu.memory_space<semaphore_mem>>) src(%dma_wait3A_361 : memref<20000x128xf32, #tpu.memory_space<hbm>>) dst(%dma_wait3A_355 : memref<64x128xf32, #tpu.memory_space<vmem>>)
      %dma_start3A_362 = arith.constant 2 : i32
      %dma_start3A_363 = arith.constant 2 : i32
      %dma_start3A_364 = arith.constant 0 : i32
      %dma_start3A_365 = arith.constant 0 : i32
      %dma_start3A_366 = tpu.memref_slice %arg10[%dma_start3A_362, %dma_start3A_364, %dma_start3A_365] : memref<4x64x128xf32, #tpu.memory_space<vmem>> -> memref<1x64x128xf32, #tpu.memory_space<vmem>>
      %dma_start3A_367 = tpu.memref_squeeze %dma_start3A_366 : memref<1x64x128xf32, #tpu.memory_space<vmem>> -> memref<64x128xf32, #tpu.memory_space<vmem>>
      %dma_start3A_368 = arith.constant 0 : i32
      %dma_start3A_369 = tpu.memref_slice %arg9[%dma_start3A_363, %dma_start3A_368] : memref<16x64xi32, #tpu.memory_space<vmem>> -> memref<1x64xi32, #tpu.memory_space<vmem>>
      %dma_start3A_370 = tpu.memref_squeeze %dma_start3A_369 : memref<1x64xi32, #tpu.memory_space<vmem>> -> memref<64xi32, #tpu.memory_space<vmem>>
      %dma_start3A_371 = arith.constant 0 : i32
      %dma_start3A_372 = arith.constant 0 : i32
      %dma_start3A_373 = tpu.memref_slice %arg7[%dma_start3A_371, %dma_start3A_372] : memref<10240x128xf32, #tpu.memory_space<vmem_shared>> -> memref<10240x128xf32, #tpu.memory_space<vmem_shared>>
      tpu.enqueue_indirect_dma source(%dma_start3A_367 : memref<64x128xf32, #tpu.memory_space<vmem>>) target(%dma_start3A_373 : memref<10240x128xf32, #tpu.memory_space<vmem_shared>>) offsets(%dma_start3A_370 : memref<64xi32, #tpu.memory_space<vmem>>) semaphore(%arg18 : memref<!tpu.dma_semaphore, #tpu.memory_space<semaphore_mem>>) {add = true}
      %get3A_374 = arith.constant 2 : i32
      %get3A_375 = arith.index_cast %get3A_374 : i32 to index
      %get3A_376 = arith.constant 0 : index
      %get3A_377 = tpu.vector_load %arg9[%get3A_375, %get3A_376] {strides = array<i32>} : memref<16x64xi32, #tpu.memory_space<vmem>>, vector<16xi32>,
      tpu.vector_store_idx %arg11[%get3A_377], %broadcast_in_dim3A_2 {add = true} : memref<10240xf32, #tpu.memory_space<vmem>>[vector<16xi32>], vector<16xf32>,
      %get3A_378 = arith.constant 2 : i32
      %get3A_379 = arith.index_cast %get3A_378 : i32 to index
      %get3A_380 = arith.constant 16 : index
      %get3A_381 = tpu.vector_load %arg9[%get3A_379, %get3A_380] {strides = array<i32>} : memref<16x64xi32, #tpu.memory_space<vmem>>, vector<16xi32>,
      tpu.vector_store_idx %arg11[%get3A_381], %broadcast_in_dim3A_2 {add = true} : memref<10240xf32, #tpu.memory_space<vmem>>[vector<16xi32>], vector<16xf32>,
      %get3A_382 = arith.constant 2 : i32
      %get3A_383 = arith.index_cast %get3A_382 : i32 to index
      %get3A_384 = arith.constant 32 : index
      %get3A_385 = tpu.vector_load %arg9[%get3A_383, %get3A_384] {strides = array<i32>} : memref<16x64xi32, #tpu.memory_space<vmem>>, vector<16xi32>,
      tpu.vector_store_idx %arg11[%get3A_385], %broadcast_in_dim3A_2 {add = true} : memref<10240xf32, #tpu.memory_space<vmem>>[vector<16xi32>], vector<16xf32>,
      %get3A_386 = arith.constant 2 : i32
      %get3A_387 = arith.index_cast %get3A_386 : i32 to index
      %get3A_388 = arith.constant 48 : index
      %get3A_389 = tpu.vector_load %arg9[%get3A_387, %get3A_388] {strides = array<i32>} : memref<16x64xi32, #tpu.memory_space<vmem>>, vector<16xi32>,
      tpu.vector_store_idx %arg11[%get3A_389], %broadcast_in_dim3A_2 {add = true} : memref<10240xf32, #tpu.memory_space<vmem>>[vector<16xi32>], vector<16xf32>,
      %dma_wait3A_390 = arith.constant 2 : i32
      %dma_wait3A_391 = arith.constant 2 : i32
      %dma_wait3A_392 = arith.constant 0 : i32
      %dma_wait3A_393 = arith.constant 0 : i32
      %dma_wait3A_394 = tpu.memref_slice %arg10[%dma_wait3A_390, %dma_wait3A_392, %dma_wait3A_393] : memref<4x64x128xf32, #tpu.memory_space<vmem>> -> memref<1x64x128xf32, #tpu.memory_space<vmem>>
      %dma_wait3A_395 = tpu.memref_squeeze %dma_wait3A_394 : memref<1x64x128xf32, #tpu.memory_space<vmem>> -> memref<64x128xf32, #tpu.memory_space<vmem>>
      %dma_wait3A_396 = arith.constant 0 : i32
      %dma_wait3A_397 = tpu.memref_slice %arg9[%dma_wait3A_391, %dma_wait3A_396] : memref<16x64xi32, #tpu.memory_space<vmem>> -> memref<1x64xi32, #tpu.memory_space<vmem>>
      %dma_wait3A_398 = tpu.memref_squeeze %dma_wait3A_397 : memref<1x64xi32, #tpu.memory_space<vmem>> -> memref<64xi32, #tpu.memory_space<vmem>>
      %dma_wait3A_399 = arith.constant 0 : i32
      %dma_wait3A_400 = arith.constant 0 : i32
      %dma_wait3A_401 = tpu.memref_slice %arg7[%dma_wait3A_399, %dma_wait3A_400] : memref<10240x128xf32, #tpu.memory_space<vmem_shared>> -> memref<10240x128xf32, #tpu.memory_space<vmem_shared>>
      tpu.wait_indirect_dma semaphore(%arg18 : memref<!tpu.dma_semaphore, #tpu.memory_space<semaphore_mem>>) src(%dma_wait3A_395 : memref<64x128xf32, #tpu.memory_space<vmem>>) dst(%dma_wait3A_401 : memref<10240x128xf32, #tpu.memory_space<vmem_shared>>)
      %dma_start3A_402 = arith.constant 6 : i32
      %dma_start3A_403 = arith.constant 2 : i32
      %dma_start3A_404 = arith.constant 0 : i32
      %dma_start3A_405 = arith.constant 0 : i32
      %dma_start3A_406 = tpu.memref_slice %arg10[%dma_start3A_403, %dma_start3A_404, %dma_start3A_405] : memref<4x64x128xf32, #tpu.memory_space<vmem>> -> memref<1x64x128xf32, #tpu.memory_space<vmem>>
      %dma_start3A_407 = tpu.memref_squeeze %dma_start3A_406 : memref<1x64x128xf32, #tpu.memory_space<vmem>> -> memref<64x128xf32, #tpu.memory_space<vmem>>
      %dma_start3A_408 = arith.constant 0 : i32
      %dma_start3A_409 = tpu.memref_slice %arg8[%dma_start3A_402, %dma_start3A_408] : memref<16x64xi32, #tpu.memory_space<vmem>> -> memref<1x64xi32, #tpu.memory_space<vmem>>
      %dma_start3A_410 = tpu.memref_squeeze %dma_start3A_409 : memref<1x64xi32, #tpu.memory_space<vmem>> -> memref<64xi32, #tpu.memory_space<vmem>>
      %dma_start3A_411 = arith.constant 0 : i32
      %dma_start3A_412 = arith.constant 0 : i32
      %dma_start3A_413 = tpu.memref_slice %arg2[%dma_start3A_411, %dma_start3A_412] : memref<20000x128xf32, #tpu.memory_space<hbm>> -> memref<20000x128xf32, #tpu.memory_space<hbm>>
      tpu.enqueue_indirect_dma source(%dma_start3A_413 : memref<20000x128xf32, #tpu.memory_space<hbm>>) target(%dma_start3A_407 : memref<64x128xf32, #tpu.memory_space<vmem>>) offsets(%dma_start3A_410 : memref<64xi32, #tpu.memory_space<vmem>>) semaphore(%arg14 : memref<!tpu.dma_semaphore, #tpu.memory_space<semaphore_mem>>)
      %dma_wait3A_414 = arith.constant 3 : i32
      %dma_wait3A_415 = arith.constant 3 : i32
      %dma_wait3A_416 = arith.constant 0 : i32
      %dma_wait3A_417 = arith.constant 0 : i32
      %dma_wait3A_418 = tpu.memref_slice %arg10[%dma_wait3A_415, %dma_wait3A_416, %dma_wait3A_417] : memref<4x64x128xf32, #tpu.memory_space<vmem>> -> memref<1x64x128xf32, #tpu.memory_space<vmem>>
      %dma_wait3A_419 = tpu.memref_squeeze %dma_wait3A_418 : memref<1x64x128xf32, #tpu.memory_space<vmem>> -> memref<64x128xf32, #tpu.memory_space<vmem>>
      %dma_wait3A_420 = arith.constant 0 : i32
      %dma_wait3A_421 = tpu.memref_slice %arg8[%dma_wait3A_414, %dma_wait3A_420] : memref<16x64xi32, #tpu.memory_space<vmem>> -> memref<1x64xi32, #tpu.memory_space<vmem>>
      %dma_wait3A_422 = tpu.memref_squeeze %dma_wait3A_421 : memref<1x64xi32, #tpu.memory_space<vmem>> -> memref<64xi32, #tpu.memory_space<vmem>>
      %dma_wait3A_423 = arith.constant 0 : i32
      %dma_wait3A_424 = arith.constant 0 : i32
      %dma_wait3A_425 = tpu.memref_slice %arg2[%dma_wait3A_423, %dma_wait3A_424] : memref<20000x128xf32, #tpu.memory_space<hbm>> -> memref<20000x128xf32, #tpu.memory_space<hbm>>
      tpu.wait_indirect_dma semaphore(%arg15 : memref<!tpu.dma_semaphore, #tpu.memory_space<semaphore_mem>>) src(%dma_wait3A_425 : memref<20000x128xf32, #tpu.memory_space<hbm>>) dst(%dma_wait3A_419 : memref<64x128xf32, #tpu.memory_space<vmem>>)
      %dma_start3A_426 = arith.constant 3 : i32
      %dma_start3A_427 = arith.constant 3 : i32
      %dma_start3A_428 = arith.constant 0 : i32
      %dma_start3A_429 = arith.constant 0 : i32
      %dma_start3A_430 = tpu.memref_slice %arg10[%dma_start3A_426, %dma_start3A_428, %dma_start3A_429] : memref<4x64x128xf32, #tpu.memory_space<vmem>> -> memref<1x64x128xf32, #tpu.memory_space<vmem>>
      %dma_start3A_431 = tpu.memref_squeeze %dma_start3A_430 : memref<1x64x128xf32, #tpu.memory_space<vmem>> -> memref<64x128xf32, #tpu.memory_space<vmem>>
      %dma_start3A_432 = arith.constant 0 : i32
      %dma_start3A_433 = tpu.memref_slice %arg9[%dma_start3A_427, %dma_start3A_432] : memref<16x64xi32, #tpu.memory_space<vmem>> -> memref<1x64xi32, #tpu.memory_space<vmem>>
      %dma_start3A_434 = tpu.memref_squeeze %dma_start3A_433 : memref<1x64xi32, #tpu.memory_space<vmem>> -> memref<64xi32, #tpu.memory_space<vmem>>
      %dma_start3A_435 = arith.constant 0 : i32
      %dma_start3A_436 = arith.constant 0 : i32
      %dma_start3A_437 = tpu.memref_slice %arg7[%dma_start3A_435, %dma_start3A_436] : memref<10240x128xf32, #tpu.memory_space<vmem_shared>> -> memref<10240x128xf32, #tpu.memory_space<vmem_shared>>
      tpu.enqueue_indirect_dma source(%dma_start3A_431 : memref<64x128xf32, #tpu.memory_space<vmem>>) target(%dma_start3A_437 : memref<10240x128xf32, #tpu.memory_space<vmem_shared>>) offsets(%dma_start3A_434 : memref<64xi32, #tpu.memory_space<vmem>>) semaphore(%arg19 : memref<!tpu.dma_semaphore, #tpu.memory_space<semaphore_mem>>) {add = true}
      %get3A_438 = arith.constant 3 : i32
      %get3A_439 = arith.index_cast %get3A_438 : i32 to index
      %get3A_440 = arith.constant 0 : index
      %get3A_441 = tpu.vector_load %arg9[%get3A_439, %get3A_440] {strides = array<i32>} : memref<16x64xi32, #tpu.memory_space<vmem>>, vector<16xi32>,
      tpu.vector_store_idx %arg11[%get3A_441], %broadcast_in_dim3A_2 {add = true} : memref<10240xf32, #tpu.memory_space<vmem>>[vector<16xi32>], vector<16xf32>,
      %get3A_442 = arith.constant 3 : i32
      %get3A_443 = arith.index_cast %get3A_442 : i32 to index
      %get3A_444 = arith.constant 16 : index
      %get3A_445 = tpu.vector_load %arg9[%get3A_443, %get3A_444] {strides = array<i32>} : memref<16x64xi32, #tpu.memory_space<vmem>>, vector<16xi32>,
      tpu.vector_store_idx %arg11[%get3A_445], %broadcast_in_dim3A_2 {add = true} : memref<10240xf32, #tpu.memory_space<vmem>>[vector<16xi32>], vector<16xf32>,
      %get3A_446 = arith.constant 3 : i32
      %get3A_447 = arith.index_cast %get3A_446 : i32 to index
      %get3A_448 = arith.constant 32 : index
      %get3A_449 = tpu.vector_load %arg9[%get3A_447, %get3A_448] {strides = array<i32>} : memref<16x64xi32, #tpu.memory_space<vmem>>, vector<16xi32>,
      tpu.vector_store_idx %arg11[%get3A_449], %broadcast_in_dim3A_2 {add = true} : memref<10240xf32, #tpu.memory_space<vmem>>[vector<16xi32>], vector<16xf32>,
      %get3A_450 = arith.constant 3 : i32
      %get3A_451 = arith.index_cast %get3A_450 : i32 to index
      %get3A_452 = arith.constant 48 : index
      %get3A_453 = tpu.vector_load %arg9[%get3A_451, %get3A_452] {strides = array<i32>} : memref<16x64xi32, #tpu.memory_space<vmem>>, vector<16xi32>,
      tpu.vector_store_idx %arg11[%get3A_453], %broadcast_in_dim3A_2 {add = true} : memref<10240xf32, #tpu.memory_space<vmem>>[vector<16xi32>], vector<16xf32>,
      %dma_wait3A_454 = arith.constant 3 : i32
      %dma_wait3A_455 = arith.constant 3 : i32
      %dma_wait3A_456 = arith.constant 0 : i32
      %dma_wait3A_457 = arith.constant 0 : i32
      %dma_wait3A_458 = tpu.memref_slice %arg10[%dma_wait3A_454, %dma_wait3A_456, %dma_wait3A_457] : memref<4x64x128xf32, #tpu.memory_space<vmem>> -> memref<1x64x128xf32, #tpu.memory_space<vmem>>
      %dma_wait3A_459 = tpu.memref_squeeze %dma_wait3A_458 : memref<1x64x128xf32, #tpu.memory_space<vmem>> -> memref<64x128xf32, #tpu.memory_space<vmem>>
      %dma_wait3A_460 = arith.constant 0 : i32
      %dma_wait3A_461 = tpu.memref_slice %arg9[%dma_wait3A_455, %dma_wait3A_460] : memref<16x64xi32, #tpu.memory_space<vmem>> -> memref<1x64xi32, #tpu.memory_space<vmem>>
      %dma_wait3A_462 = tpu.memref_squeeze %dma_wait3A_461 : memref<1x64xi32, #tpu.memory_space<vmem>> -> memref<64xi32, #tpu.memory_space<vmem>>
      %dma_wait3A_463 = arith.constant 0 : i32
      %dma_wait3A_464 = arith.constant 0 : i32
      %dma_wait3A_465 = tpu.memref_slice %arg7[%dma_wait3A_463, %dma_wait3A_464] : memref<10240x128xf32, #tpu.memory_space<vmem_shared>> -> memref<10240x128xf32, #tpu.memory_space<vmem_shared>>
      tpu.wait_indirect_dma semaphore(%arg19 : memref<!tpu.dma_semaphore, #tpu.memory_space<semaphore_mem>>) src(%dma_wait3A_459 : memref<64x128xf32, #tpu.memory_space<vmem>>) dst(%dma_wait3A_465 : memref<10240x128xf32, #tpu.memory_space<vmem_shared>>)
      %dma_start3A_466 = arith.constant 7 : i32
      %dma_start3A_467 = arith.constant 3 : i32
      %dma_start3A_468 = arith.constant 0 : i32
      %dma_start3A_469 = arith.constant 0 : i32
      %dma_start3A_470 = tpu.memref_slice %arg10[%dma_start3A_467, %dma_start3A_468, %dma_start3A_469] : memref<4x64x128xf32, #tpu.memory_space<vmem>> -> memref<1x64x128xf32, #tpu.memory_space<vmem>>
      %dma_start3A_471 = tpu.memref_squeeze %dma_start3A_470 : memref<1x64x128xf32, #tpu.memory_space<vmem>> -> memref<64x128xf32, #tpu.memory_space<vmem>>
      %dma_start3A_472 = arith.constant 0 : i32
      %dma_start3A_473 = tpu.memref_slice %arg8[%dma_start3A_466, %dma_start3A_472] : memref<16x64xi32, #tpu.memory_space<vmem>> -> memref<1x64xi32, #tpu.memory_space<vmem>>
      %dma_start3A_474 = tpu.memref_squeeze %dma_start3A_473 : memref<1x64xi32, #tpu.memory_space<vmem>> -> memref<64xi32, #tpu.memory_space<vmem>>
      %dma_start3A_475 = arith.constant 0 : i32
      %dma_start3A_476 = arith.constant 0 : i32
      %dma_start3A_477 = tpu.memref_slice %arg2[%dma_start3A_475, %dma_start3A_476] : memref<20000x128xf32, #tpu.memory_space<hbm>> -> memref<20000x128xf32, #tpu.memory_space<hbm>>
      tpu.enqueue_indirect_dma source(%dma_start3A_477 : memref<20000x128xf32, #tpu.memory_space<hbm>>) target(%dma_start3A_471 : memref<64x128xf32, #tpu.memory_space<vmem>>) offsets(%dma_start3A_474 : memref<64xi32, #tpu.memory_space<vmem>>) semaphore(%arg15 : memref<!tpu.dma_semaphore, #tpu.memory_space<semaphore_mem>>)
      %dma_wait3A_478 = arith.constant 4 : i32
      %dma_wait3A_479 = arith.constant 0 : i32
      %dma_wait3A_480 = arith.constant 0 : i32
      %dma_wait3A_481 = arith.constant 0 : i32
      %dma_wait3A_482 = tpu.memref_slice %arg10[%dma_wait3A_479, %dma_wait3A_480, %dma_wait3A_481] : memref<4x64x128xf32, #tpu.memory_space<vmem>> -> memref<1x64x128xf32, #tpu.memory_space<vmem>>
      %dma_wait3A_483 = tpu.memref_squeeze %dma_wait3A_482 : memref<1x64x128xf32, #tpu.memory_space<vmem>> -> memref<64x128xf32, #tpu.memory_space<vmem>>
      %dma_wait3A_484 = arith.constant 0 : i32
      %dma_wait3A_485 = tpu.memref_slice %arg8[%dma_wait3A_478, %dma_wait3A_484] : memref<16x64xi32, #tpu.memory_space<vmem>> -> memref<1x64xi32, #tpu.memory_space<vmem>>
      %dma_wait3A_486 = tpu.memref_squeeze %dma_wait3A_485 : memref<1x64xi32, #tpu.memory_space<vmem>> -> memref<64xi32, #tpu.memory_space<vmem>>
      %dma_wait3A_487 = arith.constant 0 : i32
      %dma_wait3A_488 = arith.constant 0 : i32
      %dma_wait3A_489 = tpu.memref_slice %arg2[%dma_wait3A_487, %dma_wait3A_488] : memref<20000x128xf32, #tpu.memory_space<hbm>> -> memref<20000x128xf32, #tpu.memory_space<hbm>>
      tpu.wait_indirect_dma semaphore(%arg12 : memref<!tpu.dma_semaphore, #tpu.memory_space<semaphore_mem>>) src(%dma_wait3A_489 : memref<20000x128xf32, #tpu.memory_space<hbm>>) dst(%dma_wait3A_483 : memref<64x128xf32, #tpu.memory_space<vmem>>)
      %dma_start3A_490 = arith.constant 0 : i32
      %dma_start3A_491 = arith.constant 4 : i32
      %dma_start3A_492 = arith.constant 0 : i32
      %dma_start3A_493 = arith.constant 0 : i32
      %dma_start3A_494 = tpu.memref_slice %arg10[%dma_start3A_490, %dma_start3A_492, %dma_start3A_493] : memref<4x64x128xf32, #tpu.memory_space<vmem>> -> memref<1x64x128xf32, #tpu.memory_space<vmem>>
      %dma_start3A_495 = tpu.memref_squeeze %dma_start3A_494 : memref<1x64x128xf32, #tpu.memory_space<vmem>> -> memref<64x128xf32, #tpu.memory_space<vmem>>
      %dma_start3A_496 = arith.constant 0 : i32
      %dma_start3A_497 = tpu.memref_slice %arg9[%dma_start3A_491, %dma_start3A_496] : memref<16x64xi32, #tpu.memory_space<vmem>> -> memref<1x64xi32, #tpu.memory_space<vmem>>
      %dma_start3A_498 = tpu.memref_squeeze %dma_start3A_497 : memref<1x64xi32, #tpu.memory_space<vmem>> -> memref<64xi32, #tpu.memory_space<vmem>>
      %dma_start3A_499 = arith.constant 0 : i32
      %dma_start3A_500 = arith.constant 0 : i32
      %dma_start3A_501 = tpu.memref_slice %arg7[%dma_start3A_499, %dma_start3A_500] : memref<10240x128xf32, #tpu.memory_space<vmem_shared>> -> memref<10240x128xf32, #tpu.memory_space<vmem_shared>>
      tpu.enqueue_indirect_dma source(%dma_start3A_495 : memref<64x128xf32, #tpu.memory_space<vmem>>) target(%dma_start3A_501 : memref<10240x128xf32, #tpu.memory_space<vmem_shared>>) offsets(%dma_start3A_498 : memref<64xi32, #tpu.memory_space<vmem>>) semaphore(%arg16 : memref<!tpu.dma_semaphore, #tpu.memory_space<semaphore_mem>>) {add = true}
      %get3A_502 = arith.constant 4 : i32
      %get3A_503 = arith.index_cast %get3A_502 : i32 to index
      %get3A_504 = arith.constant 0 : index
      %get3A_505 = tpu.vector_load %arg9[%get3A_503, %get3A_504] {strides = array<i32>} : memref<16x64xi32, #tpu.memory_space<vmem>>, vector<16xi32>,
      tpu.vector_store_idx %arg11[%get3A_505], %broadcast_in_dim3A_2 {add = true} : memref<10240xf32, #tpu.memory_space<vmem>>[vector<16xi32>], vector<16xf32>,
      %get3A_506 = arith.constant 4 : i32
      %get3A_507 = arith.index_cast %get3A_506 : i32 to index
      %get3A_508 = arith.constant 16 : index
      %get3A_509 = tpu.vector_load %arg9[%get3A_507, %get3A_508] {strides = array<i32>} : memref<16x64xi32, #tpu.memory_space<vmem>>, vector<16xi32>,
      tpu.vector_store_idx %arg11[%get3A_509], %broadcast_in_dim3A_2 {add = true} : memref<10240xf32, #tpu.memory_space<vmem>>[vector<16xi32>], vector<16xf32>,
      %get3A_510 = arith.constant 4 : i32
      %get3A_511 = arith.index_cast %get3A_510 : i32 to index
      %get3A_512 = arith.constant 32 : index
      %get3A_513 = tpu.vector_load %arg9[%get3A_511, %get3A_512] {strides = array<i32>} : memref<16x64xi32, #tpu.memory_space<vmem>>, vector<16xi32>,
      tpu.vector_store_idx %arg11[%get3A_513], %broadcast_in_dim3A_2 {add = true} : memref<10240xf32, #tpu.memory_space<vmem>>[vector<16xi32>], vector<16xf32>,
      %get3A_514 = arith.constant 4 : i32
      %get3A_515 = arith.index_cast %get3A_514 : i32 to index
      %get3A_516 = arith.constant 48 : index
      %get3A_517 = tpu.vector_load %arg9[%get3A_515, %get3A_516] {strides = array<i32>} : memref<16x64xi32, #tpu.memory_space<vmem>>, vector<16xi32>,
      tpu.vector_store_idx %arg11[%get3A_517], %broadcast_in_dim3A_2 {add = true} : memref<10240xf32, #tpu.memory_space<vmem>>[vector<16xi32>], vector<16xf32>,
      %dma_wait3A_518 = arith.constant 0 : i32
      %dma_wait3A_519 = arith.constant 4 : i32
      %dma_wait3A_520 = arith.constant 0 : i32
      %dma_wait3A_521 = arith.constant 0 : i32
      %dma_wait3A_522 = tpu.memref_slice %arg10[%dma_wait3A_518, %dma_wait3A_520, %dma_wait3A_521] : memref<4x64x128xf32, #tpu.memory_space<vmem>> -> memref<1x64x128xf32, #tpu.memory_space<vmem>>
      %dma_wait3A_523 = tpu.memref_squeeze %dma_wait3A_522 : memref<1x64x128xf32, #tpu.memory_space<vmem>> -> memref<64x128xf32, #tpu.memory_space<vmem>>
      %dma_wait3A_524 = arith.constant 0 : i32
      %dma_wait3A_525 = tpu.memref_slice %arg9[%dma_wait3A_519, %dma_wait3A_524] : memref<16x64xi32, #tpu.memory_space<vmem>> -> memref<1x64xi32, #tpu.memory_space<vmem>>
      %dma_wait3A_526 = tpu.memref_squeeze %dma_wait3A_525 : memref<1x64xi32, #tpu.memory_space<vmem>> -> memref<64xi32, #tpu.memory_space<vmem>>
      %dma_wait3A_527 = arith.constant 0 : i32
      %dma_wait3A_528 = arith.constant 0 : i32
      %dma_wait3A_529 = tpu.memref_slice %arg7[%dma_wait3A_527, %dma_wait3A_528] : memref<10240x128xf32, #tpu.memory_space<vmem_shared>> -> memref<10240x128xf32, #tpu.memory_space<vmem_shared>>
      tpu.wait_indirect_dma semaphore(%arg16 : memref<!tpu.dma_semaphore, #tpu.memory_space<semaphore_mem>>) src(%dma_wait3A_523 : memref<64x128xf32, #tpu.memory_space<vmem>>) dst(%dma_wait3A_529 : memref<10240x128xf32, #tpu.memory_space<vmem_shared>>)
      %dma_start3A_530 = arith.constant 8 : i32
      %dma_start3A_531 = arith.constant 0 : i32
      %dma_start3A_532 = arith.constant 0 : i32
      %dma_start3A_533 = arith.constant 0 : i32
      %dma_start3A_534 = tpu.memref_slice %arg10[%dma_start3A_531, %dma_start3A_532, %dma_start3A_533] : memref<4x64x128xf32, #tpu.memory_space<vmem>> -> memref<1x64x128xf32, #tpu.memory_space<vmem>>
      %dma_start3A_535 = tpu.memref_squeeze %dma_start3A_534 : memref<1x64x128xf32, #tpu.memory_space<vmem>> -> memref<64x128xf32, #tpu.memory_space<vmem>>
      %dma_start3A_536 = arith.constant 0 : i32
      %dma_start3A_537 = tpu.memref_slice %arg8[%dma_start3A_530, %dma_start3A_536] : memref<16x64xi32, #tpu.memory_space<vmem>> -> memref<1x64xi32, #tpu.memory_space<vmem>>
      %dma_start3A_538 = tpu.memref_squeeze %dma_start3A_537 : memref<1x64xi32, #tpu.memory_space<vmem>> -> memref<64xi32, #tpu.memory_space<vmem>>
      %dma_start3A_539 = arith.constant 0 : i32
      %dma_start3A_540 = arith.constant 0 : i32
      %dma_start3A_541 = tpu.memref_slice %arg2[%dma_start3A_539, %dma_start3A_540] : memref<20000x128xf32, #tpu.memory_space<hbm>> -> memref<20000x128xf32, #tpu.memory_space<hbm>>
      tpu.enqueue_indirect_dma source(%dma_start3A_541 : memref<20000x128xf32, #tpu.memory_space<hbm>>) target(%dma_start3A_535 : memref<64x128xf32, #tpu.memory_space<vmem>>) offsets(%dma_start3A_538 : memref<64xi32, #tpu.memory_space<vmem>>) semaphore(%arg12 : memref<!tpu.dma_semaphore, #tpu.memory_space<semaphore_mem>>)
      %dma_wait3A_542 = arith.constant 5 : i32
      %dma_wait3A_543 = arith.constant 1 : i32
      %dma_wait3A_544 = arith.constant 0 : i32
      %dma_wait3A_545 = arith.constant 0 : i32
      %dma_wait3A_546 = tpu.memref_slice %arg10[%dma_wait3A_543, %dma_wait3A_544, %dma_wait3A_545] : memref<4x64x128xf32, #tpu.memory_space<vmem>> -> memref<1x64x128xf32, #tpu.memory_space<vmem>>
      %dma_wait3A_547 = tpu.memref_squeeze %dma_wait3A_546 : memref<1x64x128xf32, #tpu.memory_space<vmem>> -> memref<64x128xf32, #tpu.memory_space<vmem>>
      %dma_wait3A_548 = arith.constant 0 : i32
      %dma_wait3A_549 = tpu.memref_slice %arg8[%dma_wait3A_542, %dma_wait3A_548] : memref<16x64xi32, #tpu.memory_space<vmem>> -> memref<1x64xi32, #tpu.memory_space<vmem>>
      %dma_wait3A_550 = tpu.memref_squeeze %dma_wait3A_549 : memref<1x64xi32, #tpu.memory_space<vmem>> -> memref<64xi32, #tpu.memory_space<vmem>>
      %dma_wait3A_551 = arith.constant 0 : i32
      %dma_wait3A_552 = arith.constant 0 : i32
      %dma_wait3A_553 = tpu.memref_slice %arg2[%dma_wait3A_551, %dma_wait3A_552] : memref<20000x128xf32, #tpu.memory_space<hbm>> -> memref<20000x128xf32, #tpu.memory_space<hbm>>
      tpu.wait_indirect_dma semaphore(%arg13 : memref<!tpu.dma_semaphore, #tpu.memory_space<semaphore_mem>>) src(%dma_wait3A_553 : memref<20000x128xf32, #tpu.memory_space<hbm>>) dst(%dma_wait3A_547 : memref<64x128xf32, #tpu.memory_space<vmem>>)
      %dma_start3A_554 = arith.constant 1 : i32
      %dma_start3A_555 = arith.constant 5 : i32
      %dma_start3A_556 = arith.constant 0 : i32
      %dma_start3A_557 = arith.constant 0 : i32
      %dma_start3A_558 = tpu.memref_slice %arg10[%dma_start3A_554, %dma_start3A_556, %dma_start3A_557] : memref<4x64x128xf32, #tpu.memory_space<vmem>> -> memref<1x64x128xf32, #tpu.memory_space<vmem>>
      %dma_start3A_559 = tpu.memref_squeeze %dma_start3A_558 : memref<1x64x128xf32, #tpu.memory_space<vmem>> -> memref<64x128xf32, #tpu.memory_space<vmem>>
      %dma_start3A_560 = arith.constant 0 : i32
      %dma_start3A_561 = tpu.memref_slice %arg9[%dma_start3A_555, %dma_start3A_560] : memref<16x64xi32, #tpu.memory_space<vmem>> -> memref<1x64xi32, #tpu.memory_space<vmem>>
      %dma_start3A_562 = tpu.memref_squeeze %dma_start3A_561 : memref<1x64xi32, #tpu.memory_space<vmem>> -> memref<64xi32, #tpu.memory_space<vmem>>
      %dma_start3A_563 = arith.constant 0 : i32
      %dma_start3A_564 = arith.constant 0 : i32
      %dma_start3A_565 = tpu.memref_slice %arg7[%dma_start3A_563, %dma_start3A_564] : memref<10240x128xf32, #tpu.memory_space<vmem_shared>> -> memref<10240x128xf32, #tpu.memory_space<vmem_shared>>
      tpu.enqueue_indirect_dma source(%dma_start3A_559 : memref<64x128xf32, #tpu.memory_space<vmem>>) target(%dma_start3A_565 : memref<10240x128xf32, #tpu.memory_space<vmem_shared>>) offsets(%dma_start3A_562 : memref<64xi32, #tpu.memory_space<vmem>>) semaphore(%arg17 : memref<!tpu.dma_semaphore, #tpu.memory_space<semaphore_mem>>) {add = true}
      %get3A_566 = arith.constant 5 : i32
      %get3A_567 = arith.index_cast %get3A_566 : i32 to index
      %get3A_568 = arith.constant 0 : index
      %get3A_569 = tpu.vector_load %arg9[%get3A_567, %get3A_568] {strides = array<i32>} : memref<16x64xi32, #tpu.memory_space<vmem>>, vector<16xi32>,
      tpu.vector_store_idx %arg11[%get3A_569], %broadcast_in_dim3A_2 {add = true} : memref<10240xf32, #tpu.memory_space<vmem>>[vector<16xi32>], vector<16xf32>,
      %get3A_570 = arith.constant 5 : i32
      %get3A_571 = arith.index_cast %get3A_570 : i32 to index
      %get3A_572 = arith.constant 16 : index
      %get3A_573 = tpu.vector_load %arg9[%get3A_571, %get3A_572] {strides = array<i32>} : memref<16x64xi32, #tpu.memory_space<vmem>>, vector<16xi32>,
      tpu.vector_store_idx %arg11[%get3A_573], %broadcast_in_dim3A_2 {add = true} : memref<10240xf32, #tpu.memory_space<vmem>>[vector<16xi32>], vector<16xf32>,
      %get3A_574 = arith.constant 5 : i32
      %get3A_575 = arith.index_cast %get3A_574 : i32 to index
      %get3A_576 = arith.constant 32 : index
      %get3A_577 = tpu.vector_load %arg9[%get3A_575, %get3A_576] {strides = array<i32>} : memref<16x64xi32, #tpu.memory_space<vmem>>, vector<16xi32>,
      tpu.vector_store_idx %arg11[%get3A_577], %broadcast_in_dim3A_2 {add = true} : memref<10240xf32, #tpu.memory_space<vmem>>[vector<16xi32>], vector<16xf32>,
      %get3A_578 = arith.constant 5 : i32
      %get3A_579 = arith.index_cast %get3A_578 : i32 to index
      %get3A_580 = arith.constant 48 : index
      %get3A_581 = tpu.vector_load %arg9[%get3A_579, %get3A_580] {strides = array<i32>} : memref<16x64xi32, #tpu.memory_space<vmem>>, vector<16xi32>,
      tpu.vector_store_idx %arg11[%get3A_581], %broadcast_in_dim3A_2 {add = true} : memref<10240xf32, #tpu.memory_space<vmem>>[vector<16xi32>], vector<16xf32>,
      %dma_wait3A_582 = arith.constant 1 : i32
      %dma_wait3A_583 = arith.constant 5 : i32
      %dma_wait3A_584 = arith.constant 0 : i32
      %dma_wait3A_585 = arith.constant 0 : i32
      %dma_wait3A_586 = tpu.memref_slice %arg10[%dma_wait3A_582, %dma_wait3A_584, %dma_wait3A_585] : memref<4x64x128xf32, #tpu.memory_space<vmem>> -> memref<1x64x128xf32, #tpu.memory_space<vmem>>
      %dma_wait3A_587 = tpu.memref_squeeze %dma_wait3A_586 : memref<1x64x128xf32, #tpu.memory_space<vmem>> -> memref<64x128xf32, #tpu.memory_space<vmem>>
      %dma_wait3A_588 = arith.constant 0 : i32
      %dma_wait3A_589 = tpu.memref_slice %arg9[%dma_wait3A_583, %dma_wait3A_588] : memref<16x64xi32, #tpu.memory_space<vmem>> -> memref<1x64xi32, #tpu.memory_space<vmem>>
      %dma_wait3A_590 = tpu.memref_squeeze %dma_wait3A_589 : memref<1x64xi32, #tpu.memory_space<vmem>> -> memref<64xi32, #tpu.memory_space<vmem>>
      %dma_wait3A_591 = arith.constant 0 : i32
      %dma_wait3A_592 = arith.constant 0 : i32
      %dma_wait3A_593 = tpu.memref_slice %arg7[%dma_wait3A_591, %dma_wait3A_592] : memref<10240x128xf32, #tpu.memory_space<vmem_shared>> -> memref<10240x128xf32, #tpu.memory_space<vmem_shared>>
      tpu.wait_indirect_dma semaphore(%arg17 : memref<!tpu.dma_semaphore, #tpu.memory_space<semaphore_mem>>) src(%dma_wait3A_587 : memref<64x128xf32, #tpu.memory_space<vmem>>) dst(%dma_wait3A_593 : memref<10240x128xf32, #tpu.memory_space<vmem_shared>>)
      %dma_start3A_594 = arith.constant 9 : i32
      %dma_start3A_595 = arith.constant 1 : i32
      %dma_start3A_596 = arith.constant 0 : i32
      %dma_start3A_597 = arith.constant 0 : i32
      %dma_start3A_598 = tpu.memref_slice %arg10[%dma_start3A_595, %dma_start3A_596, %dma_start3A_597] : memref<4x64x128xf32, #tpu.memory_space<vmem>> -> memref<1x64x128xf32, #tpu.memory_space<vmem>>
      %dma_start3A_599 = tpu.memref_squeeze %dma_start3A_598 : memref<1x64x128xf32, #tpu.memory_space<vmem>> -> memref<64x128xf32, #tpu.memory_space<vmem>>
      %dma_start3A_600 = arith.constant 0 : i32
      %dma_start3A_601 = tpu.memref_slice %arg8[%dma_start3A_594, %dma_start3A_600] : memref<16x64xi32, #tpu.memory_space<vmem>> -> memref<1x64xi32, #tpu.memory_space<vmem>>
      %dma_start3A_602 = tpu.memref_squeeze %dma_start3A_601 : memref<1x64xi32, #tpu.memory_space<vmem>> -> memref<64xi32, #tpu.memory_space<vmem>>
      %dma_start3A_603 = arith.constant 0 : i32
      %dma_start3A_604 = arith.constant 0 : i32
      %dma_start3A_605 = tpu.memref_slice %arg2[%dma_start3A_603, %dma_start3A_604] : memref<20000x128xf32, #tpu.memory_space<hbm>> -> memref<20000x128xf32, #tpu.memory_space<hbm>>
      tpu.enqueue_indirect_dma source(%dma_start3A_605 : memref<20000x128xf32, #tpu.memory_space<hbm>>) target(%dma_start3A_599 : memref<64x128xf32, #tpu.memory_space<vmem>>) offsets(%dma_start3A_602 : memref<64xi32, #tpu.memory_space<vmem>>) semaphore(%arg13 : memref<!tpu.dma_semaphore, #tpu.memory_space<semaphore_mem>>)
      %dma_wait3A_606 = arith.constant 6 : i32
      %dma_wait3A_607 = arith.constant 2 : i32
      %dma_wait3A_608 = arith.constant 0 : i32
      %dma_wait3A_609 = arith.constant 0 : i32
      %dma_wait3A_610 = tpu.memref_slice %arg10[%dma_wait3A_607, %dma_wait3A_608, %dma_wait3A_609] : memref<4x64x128xf32, #tpu.memory_space<vmem>> -> memref<1x64x128xf32, #tpu.memory_space<vmem>>
      %dma_wait3A_611 = tpu.memref_squeeze %dma_wait3A_610 : memref<1x64x128xf32, #tpu.memory_space<vmem>> -> memref<64x128xf32, #tpu.memory_space<vmem>>
      %dma_wait3A_612 = arith.constant 0 : i32
      %dma_wait3A_613 = tpu.memref_slice %arg8[%dma_wait3A_606, %dma_wait3A_612] : memref<16x64xi32, #tpu.memory_space<vmem>> -> memref<1x64xi32, #tpu.memory_space<vmem>>
      %dma_wait3A_614 = tpu.memref_squeeze %dma_wait3A_613 : memref<1x64xi32, #tpu.memory_space<vmem>> -> memref<64xi32, #tpu.memory_space<vmem>>
      %dma_wait3A_615 = arith.constant 0 : i32
      %dma_wait3A_616 = arith.constant 0 : i32
      %dma_wait3A_617 = tpu.memref_slice %arg2[%dma_wait3A_615, %dma_wait3A_616] : memref<20000x128xf32, #tpu.memory_space<hbm>> -> memref<20000x128xf32, #tpu.memory_space<hbm>>
      tpu.wait_indirect_dma semaphore(%arg14 : memref<!tpu.dma_semaphore, #tpu.memory_space<semaphore_mem>>) src(%dma_wait3A_617 : memref<20000x128xf32, #tpu.memory_space<hbm>>) dst(%dma_wait3A_611 : memref<64x128xf32, #tpu.memory_space<vmem>>)
      %dma_start3A_618 = arith.constant 2 : i32
      %dma_start3A_619 = arith.constant 6 : i32
      %dma_start3A_620 = arith.constant 0 : i32
      %dma_start3A_621 = arith.constant 0 : i32
      %dma_start3A_622 = tpu.memref_slice %arg10[%dma_start3A_618, %dma_start3A_620, %dma_start3A_621] : memref<4x64x128xf32, #tpu.memory_space<vmem>> -> memref<1x64x128xf32, #tpu.memory_space<vmem>>
      %dma_start3A_623 = tpu.memref_squeeze %dma_start3A_622 : memref<1x64x128xf32, #tpu.memory_space<vmem>> -> memref<64x128xf32, #tpu.memory_space<vmem>>
      %dma_start3A_624 = arith.constant 0 : i32
      %dma_start3A_625 = tpu.memref_slice %arg9[%dma_start3A_619, %dma_start3A_624] : memref<16x64xi32, #tpu.memory_space<vmem>> -> memref<1x64xi32, #tpu.memory_space<vmem>>
      %dma_start3A_626 = tpu.memref_squeeze %dma_start3A_625 : memref<1x64xi32, #tpu.memory_space<vmem>> -> memref<64xi32, #tpu.memory_space<vmem>>
      %dma_start3A_627 = arith.constant 0 : i32
      %dma_start3A_628 = arith.constant 0 : i32
      %dma_start3A_629 = tpu.memref_slice %arg7[%dma_start3A_627, %dma_start3A_628] : memref<10240x128xf32, #tpu.memory_space<vmem_shared>> -> memref<10240x128xf32, #tpu.memory_space<vmem_shared>>
      tpu.enqueue_indirect_dma source(%dma_start3A_623 : memref<64x128xf32, #tpu.memory_space<vmem>>) target(%dma_start3A_629 : memref<10240x128xf32, #tpu.memory_space<vmem_shared>>) offsets(%dma_start3A_626 : memref<64xi32, #tpu.memory_space<vmem>>) semaphore(%arg18 : memref<!tpu.dma_semaphore, #tpu.memory_space<semaphore_mem>>) {add = true}
      %get3A_630 = arith.constant 6 : i32
      %get3A_631 = arith.index_cast %get3A_630 : i32 to index
      %get3A_632 = arith.constant 0 : index
      %get3A_633 = tpu.vector_load %arg9[%get3A_631, %get3A_632] {strides = array<i32>} : memref<16x64xi32, #tpu.memory_space<vmem>>, vector<16xi32>,
      tpu.vector_store_idx %arg11[%get3A_633], %broadcast_in_dim3A_2 {add = true} : memref<10240xf32, #tpu.memory_space<vmem>>[vector<16xi32>], vector<16xf32>,
      %get3A_634 = arith.constant 6 : i32
      %get3A_635 = arith.index_cast %get3A_634 : i32 to index
      %get3A_636 = arith.constant 16 : index
      %get3A_637 = tpu.vector_load %arg9[%get3A_635, %get3A_636] {strides = array<i32>} : memref<16x64xi32, #tpu.memory_space<vmem>>, vector<16xi32>,
      tpu.vector_store_idx %arg11[%get3A_637], %broadcast_in_dim3A_2 {add = true} : memref<10240xf32, #tpu.memory_space<vmem>>[vector<16xi32>], vector<16xf32>,
      %get3A_638 = arith.constant 6 : i32
      %get3A_639 = arith.index_cast %get3A_638 : i32 to index
      %get3A_640 = arith.constant 32 : index
      %get3A_641 = tpu.vector_load %arg9[%get3A_639, %get3A_640] {strides = array<i32>} : memref<16x64xi32, #tpu.memory_space<vmem>>, vector<16xi32>,
      tpu.vector_store_idx %arg11[%get3A_641], %broadcast_in_dim3A_2 {add = true} : memref<10240xf32, #tpu.memory_space<vmem>>[vector<16xi32>], vector<16xf32>,
      %get3A_642 = arith.constant 6 : i32
      %get3A_643 = arith.index_cast %get3A_642 : i32 to index
      %get3A_644 = arith.constant 48 : index
      %get3A_645 = tpu.vector_load %arg9[%get3A_643, %get3A_644] {strides = array<i32>} : memref<16x64xi32, #tpu.memory_space<vmem>>, vector<16xi32>,
      tpu.vector_store_idx %arg11[%get3A_645], %broadcast_in_dim3A_2 {add = true} : memref<10240xf32, #tpu.memory_space<vmem>>[vector<16xi32>], vector<16xf32>,
      %dma_wait3A_646 = arith.constant 2 : i32
      %dma_wait3A_647 = arith.constant 6 : i32
      %dma_wait3A_648 = arith.constant 0 : i32
      %dma_wait3A_649 = arith.constant 0 : i32
      %dma_wait3A_650 = tpu.memref_slice %arg10[%dma_wait3A_646, %dma_wait3A_648, %dma_wait3A_649] : memref<4x64x128xf32, #tpu.memory_space<vmem>> -> memref<1x64x128xf32, #tpu.memory_space<vmem>>
      %dma_wait3A_651 = tpu.memref_squeeze %dma_wait3A_650 : memref<1x64x128xf32, #tpu.memory_space<vmem>> -> memref<64x128xf32, #tpu.memory_space<vmem>>
      %dma_wait3A_652 = arith.constant 0 : i32
      %dma_wait3A_653 = tpu.memref_slice %arg9[%dma_wait3A_647, %dma_wait3A_652] : memref<16x64xi32, #tpu.memory_space<vmem>> -> memref<1x64xi32, #tpu.memory_space<vmem>>
      %dma_wait3A_654 = tpu.memref_squeeze %dma_wait3A_653 : memref<1x64xi32, #tpu.memory_space<vmem>> -> memref<64xi32, #tpu.memory_space<vmem>>
      %dma_wait3A_655 = arith.constant 0 : i32
      %dma_wait3A_656 = arith.constant 0 : i32
      %dma_wait3A_657 = tpu.memref_slice %arg7[%dma_wait3A_655, %dma_wait3A_656] : memref<10240x128xf32, #tpu.memory_space<vmem_shared>> -> memref<10240x128xf32, #tpu.memory_space<vmem_shared>>
      tpu.wait_indirect_dma semaphore(%arg18 : memref<!tpu.dma_semaphore, #tpu.memory_space<semaphore_mem>>) src(%dma_wait3A_651 : memref<64x128xf32, #tpu.memory_space<vmem>>) dst(%dma_wait3A_657 : memref<10240x128xf32, #tpu.memory_space<vmem_shared>>)
      %dma_start3A_658 = arith.constant 10 : i32
      %dma_start3A_659 = arith.constant 2 : i32
      %dma_start3A_660 = arith.constant 0 : i32
      %dma_start3A_661 = arith.constant 0 : i32
      %dma_start3A_662 = tpu.memref_slice %arg10[%dma_start3A_659, %dma_start3A_660, %dma_start3A_661] : memref<4x64x128xf32, #tpu.memory_space<vmem>> -> memref<1x64x128xf32, #tpu.memory_space<vmem>>
      %dma_start3A_663 = tpu.memref_squeeze %dma_start3A_662 : memref<1x64x128xf32, #tpu.memory_space<vmem>> -> memref<64x128xf32, #tpu.memory_space<vmem>>
      %dma_start3A_664 = arith.constant 0 : i32
      %dma_start3A_665 = tpu.memref_slice %arg8[%dma_start3A_658, %dma_start3A_664] : memref<16x64xi32, #tpu.memory_space<vmem>> -> memref<1x64xi32, #tpu.memory_space<vmem>>
      %dma_start3A_666 = tpu.memref_squeeze %dma_start3A_665 : memref<1x64xi32, #tpu.memory_space<vmem>> -> memref<64xi32, #tpu.memory_space<vmem>>
      %dma_start3A_667 = arith.constant 0 : i32
      %dma_start3A_668 = arith.constant 0 : i32
      %dma_start3A_669 = tpu.memref_slice %arg2[%dma_start3A_667, %dma_start3A_668] : memref<20000x128xf32, #tpu.memory_space<hbm>> -> memref<20000x128xf32, #tpu.memory_space<hbm>>
      tpu.enqueue_indirect_dma source(%dma_start3A_669 : memref<20000x128xf32, #tpu.memory_space<hbm>>) target(%dma_start3A_663 : memref<64x128xf32, #tpu.memory_space<vmem>>) offsets(%dma_start3A_666 : memref<64xi32, #tpu.memory_space<vmem>>) semaphore(%arg14 : memref<!tpu.dma_semaphore, #tpu.memory_space<semaphore_mem>>)
      %dma_wait3A_670 = arith.constant 7 : i32
      %dma_wait3A_671 = arith.constant 3 : i32
      %dma_wait3A_672 = arith.constant 0 : i32
      %dma_wait3A_673 = arith.constant 0 : i32
      %dma_wait3A_674 = tpu.memref_slice %arg10[%dma_wait3A_671, %dma_wait3A_672, %dma_wait3A_673] : memref<4x64x128xf32, #tpu.memory_space<vmem>> -> memref<1x64x128xf32, #tpu.memory_space<vmem>>
      %dma_wait3A_675 = tpu.memref_squeeze %dma_wait3A_674 : memref<1x64x128xf32, #tpu.memory_space<vmem>> -> memref<64x128xf32, #tpu.memory_space<vmem>>
      %dma_wait3A_676 = arith.constant 0 : i32
      %dma_wait3A_677 = tpu.memref_slice %arg8[%dma_wait3A_670, %dma_wait3A_676] : memref<16x64xi32, #tpu.memory_space<vmem>> -> memref<1x64xi32, #tpu.memory_space<vmem>>
      %dma_wait3A_678 = tpu.memref_squeeze %dma_wait3A_677 : memref<1x64xi32, #tpu.memory_space<vmem>> -> memref<64xi32, #tpu.memory_space<vmem>>
      %dma_wait3A_679 = arith.constant 0 : i32
      %dma_wait3A_680 = arith.constant 0 : i32
      %dma_wait3A_681 = tpu.memref_slice %arg2[%dma_wait3A_679, %dma_wait3A_680] : memref<20000x128xf32, #tpu.memory_space<hbm>> -> memref<20000x128xf32, #tpu.memory_space<hbm>>
      tpu.wait_indirect_dma semaphore(%arg15 : memref<!tpu.dma_semaphore, #tpu.memory_space<semaphore_mem>>) src(%dma_wait3A_681 : memref<20000x128xf32, #tpu.memory_space<hbm>>) dst(%dma_wait3A_675 : memref<64x128xf32, #tpu.memory_space<vmem>>)
      %dma_start3A_682 = arith.constant 3 : i32
      %dma_start3A_683 = arith.constant 7 : i32
      %dma_start3A_684 = arith.constant 0 : i32
      %dma_start3A_685 = arith.constant 0 : i32
      %dma_start3A_686 = tpu.memref_slice %arg10[%dma_start3A_682, %dma_start3A_684, %dma_start3A_685] : memref<4x64x128xf32, #tpu.memory_space<vmem>> -> memref<1x64x128xf32, #tpu.memory_space<vmem>>
      %dma_start3A_687 = tpu.memref_squeeze %dma_start3A_686 : memref<1x64x128xf32, #tpu.memory_space<vmem>> -> memref<64x128xf32, #tpu.memory_space<vmem>>
      %dma_start3A_688 = arith.constant 0 : i32
      %dma_start3A_689 = tpu.memref_slice %arg9[%dma_start3A_683, %dma_start3A_688] : memref<16x64xi32, #tpu.memory_space<vmem>> -> memref<1x64xi32, #tpu.memory_space<vmem>>
      %dma_start3A_690 = tpu.memref_squeeze %dma_start3A_689 : memref<1x64xi32, #tpu.memory_space<vmem>> -> memref<64xi32, #tpu.memory_space<vmem>>
      %dma_start3A_691 = arith.constant 0 : i32
      %dma_start3A_692 = arith.constant 0 : i32
      %dma_start3A_693 = tpu.memref_slice %arg7[%dma_start3A_691, %dma_start3A_692] : memref<10240x128xf32, #tpu.memory_space<vmem_shared>> -> memref<10240x128xf32, #tpu.memory_space<vmem_shared>>
      tpu.enqueue_indirect_dma source(%dma_start3A_687 : memref<64x128xf32, #tpu.memory_space<vmem>>) target(%dma_start3A_693 : memref<10240x128xf32, #tpu.memory_space<vmem_shared>>) offsets(%dma_start3A_690 : memref<64xi32, #tpu.memory_space<vmem>>) semaphore(%arg19 : memref<!tpu.dma_semaphore, #tpu.memory_space<semaphore_mem>>) {add = true}
      %get3A_694 = arith.constant 7 : i32
      %get3A_695 = arith.index_cast %get3A_694 : i32 to index
      %get3A_696 = arith.constant 0 : index
      %get3A_697 = tpu.vector_load %arg9[%get3A_695, %get3A_696] {strides = array<i32>} : memref<16x64xi32, #tpu.memory_space<vmem>>, vector<16xi32>,
      tpu.vector_store_idx %arg11[%get3A_697], %broadcast_in_dim3A_2 {add = true} : memref<10240xf32, #tpu.memory_space<vmem>>[vector<16xi32>], vector<16xf32>,
      %get3A_698 = arith.constant 7 : i32
      %get3A_699 = arith.index_cast %get3A_698 : i32 to index
      %get3A_700 = arith.constant 16 : index
      %get3A_701 = tpu.vector_load %arg9[%get3A_699, %get3A_700] {strides = array<i32>} : memref<16x64xi32, #tpu.memory_space<vmem>>, vector<16xi32>,
      tpu.vector_store_idx %arg11[%get3A_701], %broadcast_in_dim3A_2 {add = true} : memref<10240xf32, #tpu.memory_space<vmem>>[vector<16xi32>], vector<16xf32>,
      %get3A_702 = arith.constant 7 : i32
      %get3A_703 = arith.index_cast %get3A_702 : i32 to index
      %get3A_704 = arith.constant 32 : index
      %get3A_705 = tpu.vector_load %arg9[%get3A_703, %get3A_704] {strides = array<i32>} : memref<16x64xi32, #tpu.memory_space<vmem>>, vector<16xi32>,
      tpu.vector_store_idx %arg11[%get3A_705], %broadcast_in_dim3A_2 {add = true} : memref<10240xf32, #tpu.memory_space<vmem>>[vector<16xi32>], vector<16xf32>,
      %get3A_706 = arith.constant 7 : i32
      %get3A_707 = arith.index_cast %get3A_706 : i32 to index
      %get3A_708 = arith.constant 48 : index
      %get3A_709 = tpu.vector_load %arg9[%get3A_707, %get3A_708] {strides = array<i32>} : memref<16x64xi32, #tpu.memory_space<vmem>>, vector<16xi32>,
      tpu.vector_store_idx %arg11[%get3A_709], %broadcast_in_dim3A_2 {add = true} : memref<10240xf32, #tpu.memory_space<vmem>>[vector<16xi32>], vector<16xf32>,
      %dma_wait3A_710 = arith.constant 3 : i32
      %dma_wait3A_711 = arith.constant 7 : i32
      %dma_wait3A_712 = arith.constant 0 : i32
      %dma_wait3A_713 = arith.constant 0 : i32
      %dma_wait3A_714 = tpu.memref_slice %arg10[%dma_wait3A_710, %dma_wait3A_712, %dma_wait3A_713] : memref<4x64x128xf32, #tpu.memory_space<vmem>> -> memref<1x64x128xf32, #tpu.memory_space<vmem>>
      %dma_wait3A_715 = tpu.memref_squeeze %dma_wait3A_714 : memref<1x64x128xf32, #tpu.memory_space<vmem>> -> memref<64x128xf32, #tpu.memory_space<vmem>>
      %dma_wait3A_716 = arith.constant 0 : i32
      %dma_wait3A_717 = tpu.memref_slice %arg9[%dma_wait3A_711, %dma_wait3A_716] : memref<16x64xi32, #tpu.memory_space<vmem>> -> memref<1x64xi32, #tpu.memory_space<vmem>>
      %dma_wait3A_718 = tpu.memref_squeeze %dma_wait3A_717 : memref<1x64xi32, #tpu.memory_space<vmem>> -> memref<64xi32, #tpu.memory_space<vmem>>
      %dma_wait3A_719 = arith.constant 0 : i32
      %dma_wait3A_720 = arith.constant 0 : i32
      %dma_wait3A_721 = tpu.memref_slice %arg7[%dma_wait3A_719, %dma_wait3A_720] : memref<10240x128xf32, #tpu.memory_space<vmem_shared>> -> memref<10240x128xf32, #tpu.memory_space<vmem_shared>>
      tpu.wait_indirect_dma semaphore(%arg19 : memref<!tpu.dma_semaphore, #tpu.memory_space<semaphore_mem>>) src(%dma_wait3A_715 : memref<64x128xf32, #tpu.memory_space<vmem>>) dst(%dma_wait3A_721 : memref<10240x128xf32, #tpu.memory_space<vmem_shared>>)
      %dma_start3A_722 = arith.constant 11 : i32
      %dma_start3A_723 = arith.constant 3 : i32
      %dma_start3A_724 = arith.constant 0 : i32
      %dma_start3A_725 = arith.constant 0 : i32
      %dma_start3A_726 = tpu.memref_slice %arg10[%dma_start3A_723, %dma_start3A_724, %dma_start3A_725] : memref<4x64x128xf32, #tpu.memory_space<vmem>> -> memref<1x64x128xf32, #tpu.memory_space<vmem>>
      %dma_start3A_727 = tpu.memref_squeeze %dma_start3A_726 : memref<1x64x128xf32, #tpu.memory_space<vmem>> -> memref<64x128xf32, #tpu.memory_space<vmem>>
      %dma_start3A_728 = arith.constant 0 : i32
      %dma_start3A_729 = tpu.memref_slice %arg8[%dma_start3A_722, %dma_start3A_728] : memref<16x64xi32, #tpu.memory_space<vmem>> -> memref<1x64xi32, #tpu.memory_space<vmem>>
      %dma_start3A_730 = tpu.memref_squeeze %dma_start3A_729 : memref<1x64xi32, #tpu.memory_space<vmem>> -> memref<64xi32, #tpu.memory_space<vmem>>
      %dma_start3A_731 = arith.constant 0 : i32
      %dma_start3A_732 = arith.constant 0 : i32
      %dma_start3A_733 = tpu.memref_slice %arg2[%dma_start3A_731, %dma_start3A_732] : memref<20000x128xf32, #tpu.memory_space<hbm>> -> memref<20000x128xf32, #tpu.memory_space<hbm>>
      tpu.enqueue_indirect_dma source(%dma_start3A_733 : memref<20000x128xf32, #tpu.memory_space<hbm>>) target(%dma_start3A_727 : memref<64x128xf32, #tpu.memory_space<vmem>>) offsets(%dma_start3A_730 : memref<64xi32, #tpu.memory_space<vmem>>) semaphore(%arg15 : memref<!tpu.dma_semaphore, #tpu.memory_space<semaphore_mem>>)
      %dma_wait3A_734 = arith.constant 8 : i32
      %dma_wait3A_735 = arith.constant 0 : i32
      %dma_wait3A_736 = arith.constant 0 : i32
      %dma_wait3A_737 = arith.constant 0 : i32
      %dma_wait3A_738 = tpu.memref_slice %arg10[%dma_wait3A_735, %dma_wait3A_736, %dma_wait3A_737] : memref<4x64x128xf32, #tpu.memory_space<vmem>> -> memref<1x64x128xf32, #tpu.memory_space<vmem>>
      %dma_wait3A_739 = tpu.memref_squeeze %dma_wait3A_738 : memref<1x64x128xf32, #tpu.memory_space<vmem>> -> memref<64x128xf32, #tpu.memory_space<vmem>>
      %dma_wait3A_740 = arith.constant 0 : i32
      %dma_wait3A_741 = tpu.memref_slice %arg8[%dma_wait3A_734, %dma_wait3A_740] : memref<16x64xi32, #tpu.memory_space<vmem>> -> memref<1x64xi32, #tpu.memory_space<vmem>>
      %dma_wait3A_742 = tpu.memref_squeeze %dma_wait3A_741 : memref<1x64xi32, #tpu.memory_space<vmem>> -> memref<64xi32, #tpu.memory_space<vmem>>
      %dma_wait3A_743 = arith.constant 0 : i32
      %dma_wait3A_744 = arith.constant 0 : i32
      %dma_wait3A_745 = tpu.memref_slice %arg2[%dma_wait3A_743, %dma_wait3A_744] : memref<20000x128xf32, #tpu.memory_space<hbm>> -> memref<20000x128xf32, #tpu.memory_space<hbm>>
      tpu.wait_indirect_dma semaphore(%arg12 : memref<!tpu.dma_semaphore, #tpu.memory_space<semaphore_mem>>) src(%dma_wait3A_745 : memref<20000x128xf32, #tpu.memory_space<hbm>>) dst(%dma_wait3A_739 : memref<64x128xf32, #tpu.memory_space<vmem>>)
      %dma_start3A_746 = arith.constant 0 : i32
      %dma_start3A_747 = arith.constant 8 : i32
      %dma_start3A_748 = arith.constant 0 : i32
      %dma_start3A_749 = arith.constant 0 : i32
      %dma_start3A_750 = tpu.memref_slice %arg10[%dma_start3A_746, %dma_start3A_748, %dma_start3A_749] : memref<4x64x128xf32, #tpu.memory_space<vmem>> -> memref<1x64x128xf32, #tpu.memory_space<vmem>>
      %dma_start3A_751 = tpu.memref_squeeze %dma_start3A_750 : memref<1x64x128xf32, #tpu.memory_space<vmem>> -> memref<64x128xf32, #tpu.memory_space<vmem>>
      %dma_start3A_752 = arith.constant 0 : i32
      %dma_start3A_753 = tpu.memref_slice %arg9[%dma_start3A_747, %dma_start3A_752] : memref<16x64xi32, #tpu.memory_space<vmem>> -> memref<1x64xi32, #tpu.memory_space<vmem>>
      %dma_start3A_754 = tpu.memref_squeeze %dma_start3A_753 : memref<1x64xi32, #tpu.memory_space<vmem>> -> memref<64xi32, #tpu.memory_space<vmem>>
      %dma_start3A_755 = arith.constant 0 : i32
      %dma_start3A_756 = arith.constant 0 : i32
      %dma_start3A_757 = tpu.memref_slice %arg7[%dma_start3A_755, %dma_start3A_756] : memref<10240x128xf32, #tpu.memory_space<vmem_shared>> -> memref<10240x128xf32, #tpu.memory_space<vmem_shared>>
      tpu.enqueue_indirect_dma source(%dma_start3A_751 : memref<64x128xf32, #tpu.memory_space<vmem>>) target(%dma_start3A_757 : memref<10240x128xf32, #tpu.memory_space<vmem_shared>>) offsets(%dma_start3A_754 : memref<64xi32, #tpu.memory_space<vmem>>) semaphore(%arg16 : memref<!tpu.dma_semaphore, #tpu.memory_space<semaphore_mem>>) {add = true}
      %get3A_758 = arith.constant 8 : i32
      %get3A_759 = arith.index_cast %get3A_758 : i32 to index
      %get3A_760 = arith.constant 0 : index
      %get3A_761 = tpu.vector_load %arg9[%get3A_759, %get3A_760] {strides = array<i32>} : memref<16x64xi32, #tpu.memory_space<vmem>>, vector<16xi32>,
      tpu.vector_store_idx %arg11[%get3A_761], %broadcast_in_dim3A_2 {add = true} : memref<10240xf32, #tpu.memory_space<vmem>>[vector<16xi32>], vector<16xf32>,
      %get3A_762 = arith.constant 8 : i32
      %get3A_763 = arith.index_cast %get3A_762 : i32 to index
      %get3A_764 = arith.constant 16 : index
      %get3A_765 = tpu.vector_load %arg9[%get3A_763, %get3A_764] {strides = array<i32>} : memref<16x64xi32, #tpu.memory_space<vmem>>, vector<16xi32>,
      tpu.vector_store_idx %arg11[%get3A_765], %broadcast_in_dim3A_2 {add = true} : memref<10240xf32, #tpu.memory_space<vmem>>[vector<16xi32>], vector<16xf32>,
      %get3A_766 = arith.constant 8 : i32
      %get3A_767 = arith.index_cast %get3A_766 : i32 to index
      %get3A_768 = arith.constant 32 : index
      %get3A_769 = tpu.vector_load %arg9[%get3A_767, %get3A_768] {strides = array<i32>} : memref<16x64xi32, #tpu.memory_space<vmem>>, vector<16xi32>,
      tpu.vector_store_idx %arg11[%get3A_769], %broadcast_in_dim3A_2 {add = true} : memref<10240xf32, #tpu.memory_space<vmem>>[vector<16xi32>], vector<16xf32>,
      %get3A_770 = arith.constant 8 : i32
      %get3A_771 = arith.index_cast %get3A_770 : i32 to index
      %get3A_772 = arith.constant 48 : index
      %get3A_773 = tpu.vector_load %arg9[%get3A_771, %get3A_772] {strides = array<i32>} : memref<16x64xi32, #tpu.memory_space<vmem>>, vector<16xi32>,
      tpu.vector_store_idx %arg11[%get3A_773], %broadcast_in_dim3A_2 {add = true} : memref<10240xf32, #tpu.memory_space<vmem>>[vector<16xi32>], vector<16xf32>,
      %dma_wait3A_774 = arith.constant 0 : i32
      %dma_wait3A_775 = arith.constant 8 : i32
      %dma_wait3A_776 = arith.constant 0 : i32
      %dma_wait3A_777 = arith.constant 0 : i32
      %dma_wait3A_778 = tpu.memref_slice %arg10[%dma_wait3A_774, %dma_wait3A_776, %dma_wait3A_777] : memref<4x64x128xf32, #tpu.memory_space<vmem>> -> memref<1x64x128xf32, #tpu.memory_space<vmem>>
      %dma_wait3A_779 = tpu.memref_squeeze %dma_wait3A_778 : memref<1x64x128xf32, #tpu.memory_space<vmem>> -> memref<64x128xf32, #tpu.memory_space<vmem>>
      %dma_wait3A_780 = arith.constant 0 : i32
      %dma_wait3A_781 = tpu.memref_slice %arg9[%dma_wait3A_775, %dma_wait3A_780] : memref<16x64xi32, #tpu.memory_space<vmem>> -> memref<1x64xi32, #tpu.memory_space<vmem>>
      %dma_wait3A_782 = tpu.memref_squeeze %dma_wait3A_781 : memref<1x64xi32, #tpu.memory_space<vmem>> -> memref<64xi32, #tpu.memory_space<vmem>>
      %dma_wait3A_783 = arith.constant 0 : i32
      %dma_wait3A_784 = arith.constant 0 : i32
      %dma_wait3A_785 = tpu.memref_slice %arg7[%dma_wait3A_783, %dma_wait3A_784] : memref<10240x128xf32, #tpu.memory_space<vmem_shared>> -> memref<10240x128xf32, #tpu.memory_space<vmem_shared>>
      tpu.wait_indirect_dma semaphore(%arg16 : memref<!tpu.dma_semaphore, #tpu.memory_space<semaphore_mem>>) src(%dma_wait3A_779 : memref<64x128xf32, #tpu.memory_space<vmem>>) dst(%dma_wait3A_785 : memref<10240x128xf32, #tpu.memory_space<vmem_shared>>)
      %dma_start3A_786 = arith.constant 12 : i32
      %dma_start3A_787 = arith.constant 0 : i32
      %dma_start3A_788 = arith.constant 0 : i32
      %dma_start3A_789 = arith.constant 0 : i32
      %dma_start3A_790 = tpu.memref_slice %arg10[%dma_start3A_787, %dma_start3A_788, %dma_start3A_789] : memref<4x64x128xf32, #tpu.memory_space<vmem>> -> memref<1x64x128xf32, #tpu.memory_space<vmem>>
      %dma_start3A_791 = tpu.memref_squeeze %dma_start3A_790 : memref<1x64x128xf32, #tpu.memory_space<vmem>> -> memref<64x128xf32, #tpu.memory_space<vmem>>
      %dma_start3A_792 = arith.constant 0 : i32
      %dma_start3A_793 = tpu.memref_slice %arg8[%dma_start3A_786, %dma_start3A_792] : memref<16x64xi32, #tpu.memory_space<vmem>> -> memref<1x64xi32, #tpu.memory_space<vmem>>
      %dma_start3A_794 = tpu.memref_squeeze %dma_start3A_793 : memref<1x64xi32, #tpu.memory_space<vmem>> -> memref<64xi32, #tpu.memory_space<vmem>>
      %dma_start3A_795 = arith.constant 0 : i32
      %dma_start3A_796 = arith.constant 0 : i32
      %dma_start3A_797 = tpu.memref_slice %arg2[%dma_start3A_795, %dma_start3A_796] : memref<20000x128xf32, #tpu.memory_space<hbm>> -> memref<20000x128xf32, #tpu.memory_space<hbm>>
      tpu.enqueue_indirect_dma source(%dma_start3A_797 : memref<20000x128xf32, #tpu.memory_space<hbm>>) target(%dma_start3A_791 : memref<64x128xf32, #tpu.memory_space<vmem>>) offsets(%dma_start3A_794 : memref<64xi32, #tpu.memory_space<vmem>>) semaphore(%arg12 : memref<!tpu.dma_semaphore, #tpu.memory_space<semaphore_mem>>)
      %dma_wait3A_798 = arith.constant 9 : i32
      %dma_wait3A_799 = arith.constant 1 : i32
      %dma_wait3A_800 = arith.constant 0 : i32
      %dma_wait3A_801 = arith.constant 0 : i32
      %dma_wait3A_802 = tpu.memref_slice %arg10[%dma_wait3A_799, %dma_wait3A_800, %dma_wait3A_801] : memref<4x64x128xf32, #tpu.memory_space<vmem>> -> memref<1x64x128xf32, #tpu.memory_space<vmem>>
      %dma_wait3A_803 = tpu.memref_squeeze %dma_wait3A_802 : memref<1x64x128xf32, #tpu.memory_space<vmem>> -> memref<64x128xf32, #tpu.memory_space<vmem>>
      %dma_wait3A_804 = arith.constant 0 : i32
      %dma_wait3A_805 = tpu.memref_slice %arg8[%dma_wait3A_798, %dma_wait3A_804] : memref<16x64xi32, #tpu.memory_space<vmem>> -> memref<1x64xi32, #tpu.memory_space<vmem>>
      %dma_wait3A_806 = tpu.memref_squeeze %dma_wait3A_805 : memref<1x64xi32, #tpu.memory_space<vmem>> -> memref<64xi32, #tpu.memory_space<vmem>>
      %dma_wait3A_807 = arith.constant 0 : i32
      %dma_wait3A_808 = arith.constant 0 : i32
      %dma_wait3A_809 = tpu.memref_slice %arg2[%dma_wait3A_807, %dma_wait3A_808] : memref<20000x128xf32, #tpu.memory_space<hbm>> -> memref<20000x128xf32, #tpu.memory_space<hbm>>
      tpu.wait_indirect_dma semaphore(%arg13 : memref<!tpu.dma_semaphore, #tpu.memory_space<semaphore_mem>>) src(%dma_wait3A_809 : memref<20000x128xf32, #tpu.memory_space<hbm>>) dst(%dma_wait3A_803 : memref<64x128xf32, #tpu.memory_space<vmem>>)
      %dma_start3A_810 = arith.constant 1 : i32
      %dma_start3A_811 = arith.constant 9 : i32
      %dma_start3A_812 = arith.constant 0 : i32
      %dma_start3A_813 = arith.constant 0 : i32
      %dma_start3A_814 = tpu.memref_slice %arg10[%dma_start3A_810, %dma_start3A_812, %dma_start3A_813] : memref<4x64x128xf32, #tpu.memory_space<vmem>> -> memref<1x64x128xf32, #tpu.memory_space<vmem>>
      %dma_start3A_815 = tpu.memref_squeeze %dma_start3A_814 : memref<1x64x128xf32, #tpu.memory_space<vmem>> -> memref<64x128xf32, #tpu.memory_space<vmem>>
      %dma_start3A_816 = arith.constant 0 : i32
      %dma_start3A_817 = tpu.memref_slice %arg9[%dma_start3A_811, %dma_start3A_816] : memref<16x64xi32, #tpu.memory_space<vmem>> -> memref<1x64xi32, #tpu.memory_space<vmem>>
      %dma_start3A_818 = tpu.memref_squeeze %dma_start3A_817 : memref<1x64xi32, #tpu.memory_space<vmem>> -> memref<64xi32, #tpu.memory_space<vmem>>
      %dma_start3A_819 = arith.constant 0 : i32
      %dma_start3A_820 = arith.constant 0 : i32
      %dma_start3A_821 = tpu.memref_slice %arg7[%dma_start3A_819, %dma_start3A_820] : memref<10240x128xf32, #tpu.memory_space<vmem_shared>> -> memref<10240x128xf32, #tpu.memory_space<vmem_shared>>
      tpu.enqueue_indirect_dma source(%dma_start3A_815 : memref<64x128xf32, #tpu.memory_space<vmem>>) target(%dma_start3A_821 : memref<10240x128xf32, #tpu.memory_space<vmem_shared>>) offsets(%dma_start3A_818 : memref<64xi32, #tpu.memory_space<vmem>>) semaphore(%arg17 : memref<!tpu.dma_semaphore, #tpu.memory_space<semaphore_mem>>) {add = true}
      %get3A_822 = arith.constant 9 : i32
      %get3A_823 = arith.index_cast %get3A_822 : i32 to index
      %get3A_824 = arith.constant 0 : index
      %get3A_825 = tpu.vector_load %arg9[%get3A_823, %get3A_824] {strides = array<i32>} : memref<16x64xi32, #tpu.memory_space<vmem>>, vector<16xi32>,
      tpu.vector_store_idx %arg11[%get3A_825], %broadcast_in_dim3A_2 {add = true} : memref<10240xf32, #tpu.memory_space<vmem>>[vector<16xi32>], vector<16xf32>,
      %get3A_826 = arith.constant 9 : i32
      %get3A_827 = arith.index_cast %get3A_826 : i32 to index
      %get3A_828 = arith.constant 16 : index
      %get3A_829 = tpu.vector_load %arg9[%get3A_827, %get3A_828] {strides = array<i32>} : memref<16x64xi32, #tpu.memory_space<vmem>>, vector<16xi32>,
      tpu.vector_store_idx %arg11[%get3A_829], %broadcast_in_dim3A_2 {add = true} : memref<10240xf32, #tpu.memory_space<vmem>>[vector<16xi32>], vector<16xf32>,
      %get3A_830 = arith.constant 9 : i32
      %get3A_831 = arith.index_cast %get3A_830 : i32 to index
      %get3A_832 = arith.constant 32 : index
      %get3A_833 = tpu.vector_load %arg9[%get3A_831, %get3A_832] {strides = array<i32>} : memref<16x64xi32, #tpu.memory_space<vmem>>, vector<16xi32>,
      tpu.vector_store_idx %arg11[%get3A_833], %broadcast_in_dim3A_2 {add = true} : memref<10240xf32, #tpu.memory_space<vmem>>[vector<16xi32>], vector<16xf32>,
      %get3A_834 = arith.constant 9 : i32
      %get3A_835 = arith.index_cast %get3A_834 : i32 to index
      %get3A_836 = arith.constant 48 : index
      %get3A_837 = tpu.vector_load %arg9[%get3A_835, %get3A_836] {strides = array<i32>} : memref<16x64xi32, #tpu.memory_space<vmem>>, vector<16xi32>,
      tpu.vector_store_idx %arg11[%get3A_837], %broadcast_in_dim3A_2 {add = true} : memref<10240xf32, #tpu.memory_space<vmem>>[vector<16xi32>], vector<16xf32>,
      %dma_wait3A_838 = arith.constant 1 : i32
      %dma_wait3A_839 = arith.constant 9 : i32
      %dma_wait3A_840 = arith.constant 0 : i32
      %dma_wait3A_841 = arith.constant 0 : i32
      %dma_wait3A_842 = tpu.memref_slice %arg10[%dma_wait3A_838, %dma_wait3A_840, %dma_wait3A_841] : memref<4x64x128xf32, #tpu.memory_space<vmem>> -> memref<1x64x128xf32, #tpu.memory_space<vmem>>
      %dma_wait3A_843 = tpu.memref_squeeze %dma_wait3A_842 : memref<1x64x128xf32, #tpu.memory_space<vmem>> -> memref<64x128xf32, #tpu.memory_space<vmem>>
      %dma_wait3A_844 = arith.constant 0 : i32
      %dma_wait3A_845 = tpu.memref_slice %arg9[%dma_wait3A_839, %dma_wait3A_844] : memref<16x64xi32, #tpu.memory_space<vmem>> -> memref<1x64xi32, #tpu.memory_space<vmem>>
      %dma_wait3A_846 = tpu.memref_squeeze %dma_wait3A_845 : memref<1x64xi32, #tpu.memory_space<vmem>> -> memref<64xi32, #tpu.memory_space<vmem>>
      %dma_wait3A_847 = arith.constant 0 : i32
      %dma_wait3A_848 = arith.constant 0 : i32
      %dma_wait3A_849 = tpu.memref_slice %arg7[%dma_wait3A_847, %dma_wait3A_848] : memref<10240x128xf32, #tpu.memory_space<vmem_shared>> -> memref<10240x128xf32, #tpu.memory_space<vmem_shared>>
      tpu.wait_indirect_dma semaphore(%arg17 : memref<!tpu.dma_semaphore, #tpu.memory_space<semaphore_mem>>) src(%dma_wait3A_843 : memref<64x128xf32, #tpu.memory_space<vmem>>) dst(%dma_wait3A_849 : memref<10240x128xf32, #tpu.memory_space<vmem_shared>>)
      %dma_start3A_850 = arith.constant 13 : i32
      %dma_start3A_851 = arith.constant 1 : i32
      %dma_start3A_852 = arith.constant 0 : i32
      %dma_start3A_853 = arith.constant 0 : i32
      %dma_start3A_854 = tpu.memref_slice %arg10[%dma_start3A_851, %dma_start3A_852, %dma_start3A_853] : memref<4x64x128xf32, #tpu.memory_space<vmem>> -> memref<1x64x128xf32, #tpu.memory_space<vmem>>
      %dma_start3A_855 = tpu.memref_squeeze %dma_start3A_854 : memref<1x64x128xf32, #tpu.memory_space<vmem>> -> memref<64x128xf32, #tpu.memory_space<vmem>>
      %dma_start3A_856 = arith.constant 0 : i32
      %dma_start3A_857 = tpu.memref_slice %arg8[%dma_start3A_850, %dma_start3A_856] : memref<16x64xi32, #tpu.memory_space<vmem>> -> memref<1x64xi32, #tpu.memory_space<vmem>>
      %dma_start3A_858 = tpu.memref_squeeze %dma_start3A_857 : memref<1x64xi32, #tpu.memory_space<vmem>> -> memref<64xi32, #tpu.memory_space<vmem>>
      %dma_start3A_859 = arith.constant 0 : i32
      %dma_start3A_860 = arith.constant 0 : i32
      %dma_start3A_861 = tpu.memref_slice %arg2[%dma_start3A_859, %dma_start3A_860] : memref<20000x128xf32, #tpu.memory_space<hbm>> -> memref<20000x128xf32, #tpu.memory_space<hbm>>
      tpu.enqueue_indirect_dma source(%dma_start3A_861 : memref<20000x128xf32, #tpu.memory_space<hbm>>) target(%dma_start3A_855 : memref<64x128xf32, #tpu.memory_space<vmem>>) offsets(%dma_start3A_858 : memref<64xi32, #tpu.memory_space<vmem>>) semaphore(%arg13 : memref<!tpu.dma_semaphore, #tpu.memory_space<semaphore_mem>>)
      %dma_wait3A_862 = arith.constant 10 : i32
      %dma_wait3A_863 = arith.constant 2 : i32
      %dma_wait3A_864 = arith.constant 0 : i32
      %dma_wait3A_865 = arith.constant 0 : i32
      %dma_wait3A_866 = tpu.memref_slice %arg10[%dma_wait3A_863, %dma_wait3A_864, %dma_wait3A_865] : memref<4x64x128xf32, #tpu.memory_space<vmem>> -> memref<1x64x128xf32, #tpu.memory_space<vmem>>
      %dma_wait3A_867 = tpu.memref_squeeze %dma_wait3A_866 : memref<1x64x128xf32, #tpu.memory_space<vmem>> -> memref<64x128xf32, #tpu.memory_space<vmem>>
      %dma_wait3A_868 = arith.constant 0 : i32
      %dma_wait3A_869 = tpu.memref_slice %arg8[%dma_wait3A_862, %dma_wait3A_868] : memref<16x64xi32, #tpu.memory_space<vmem>> -> memref<1x64xi32, #tpu.memory_space<vmem>>
      %dma_wait3A_870 = tpu.memref_squeeze %dma_wait3A_869 : memref<1x64xi32, #tpu.memory_space<vmem>> -> memref<64xi32, #tpu.memory_space<vmem>>
      %dma_wait3A_871 = arith.constant 0 : i32
      %dma_wait3A_872 = arith.constant 0 : i32
      %dma_wait3A_873 = tpu.memref_slice %arg2[%dma_wait3A_871, %dma_wait3A_872] : memref<20000x128xf32, #tpu.memory_space<hbm>> -> memref<20000x128xf32, #tpu.memory_space<hbm>>
      tpu.wait_indirect_dma semaphore(%arg14 : memref<!tpu.dma_semaphore, #tpu.memory_space<semaphore_mem>>) src(%dma_wait3A_873 : memref<20000x128xf32, #tpu.memory_space<hbm>>) dst(%dma_wait3A_867 : memref<64x128xf32, #tpu.memory_space<vmem>>)
      %dma_start3A_874 = arith.constant 2 : i32
      %dma_start3A_875 = arith.constant 10 : i32
      %dma_start3A_876 = arith.constant 0 : i32
      %dma_start3A_877 = arith.constant 0 : i32
      %dma_start3A_878 = tpu.memref_slice %arg10[%dma_start3A_874, %dma_start3A_876, %dma_start3A_877] : memref<4x64x128xf32, #tpu.memory_space<vmem>> -> memref<1x64x128xf32, #tpu.memory_space<vmem>>
      %dma_start3A_879 = tpu.memref_squeeze %dma_start3A_878 : memref<1x64x128xf32, #tpu.memory_space<vmem>> -> memref<64x128xf32, #tpu.memory_space<vmem>>
      %dma_start3A_880 = arith.constant 0 : i32
      %dma_start3A_881 = tpu.memref_slice %arg9[%dma_start3A_875, %dma_start3A_880] : memref<16x64xi32, #tpu.memory_space<vmem>> -> memref<1x64xi32, #tpu.memory_space<vmem>>
      %dma_start3A_882 = tpu.memref_squeeze %dma_start3A_881 : memref<1x64xi32, #tpu.memory_space<vmem>> -> memref<64xi32, #tpu.memory_space<vmem>>
      %dma_start3A_883 = arith.constant 0 : i32
      %dma_start3A_884 = arith.constant 0 : i32
      %dma_start3A_885 = tpu.memref_slice %arg7[%dma_start3A_883, %dma_start3A_884] : memref<10240x128xf32, #tpu.memory_space<vmem_shared>> -> memref<10240x128xf32, #tpu.memory_space<vmem_shared>>
      tpu.enqueue_indirect_dma source(%dma_start3A_879 : memref<64x128xf32, #tpu.memory_space<vmem>>) target(%dma_start3A_885 : memref<10240x128xf32, #tpu.memory_space<vmem_shared>>) offsets(%dma_start3A_882 : memref<64xi32, #tpu.memory_space<vmem>>) semaphore(%arg18 : memref<!tpu.dma_semaphore, #tpu.memory_space<semaphore_mem>>) {add = true}
      %get3A_886 = arith.constant 10 : i32
      %get3A_887 = arith.index_cast %get3A_886 : i32 to index
      %get3A_888 = arith.constant 0 : index
      %get3A_889 = tpu.vector_load %arg9[%get3A_887, %get3A_888] {strides = array<i32>} : memref<16x64xi32, #tpu.memory_space<vmem>>, vector<16xi32>,
      tpu.vector_store_idx %arg11[%get3A_889], %broadcast_in_dim3A_2 {add = true} : memref<10240xf32, #tpu.memory_space<vmem>>[vector<16xi32>], vector<16xf32>,
      %get3A_890 = arith.constant 10 : i32
      %get3A_891 = arith.index_cast %get3A_890 : i32 to index
      %get3A_892 = arith.constant 16 : index
      %get3A_893 = tpu.vector_load %arg9[%get3A_891, %get3A_892] {strides = array<i32>} : memref<16x64xi32, #tpu.memory_space<vmem>>, vector<16xi32>,
      tpu.vector_store_idx %arg11[%get3A_893], %broadcast_in_dim3A_2 {add = true} : memref<10240xf32, #tpu.memory_space<vmem>>[vector<16xi32>], vector<16xf32>,
      %get3A_894 = arith.constant 10 : i32
      %get3A_895 = arith.index_cast %get3A_894 : i32 to index
      %get3A_896 = arith.constant 32 : index
      %get3A_897 = tpu.vector_load %arg9[%get3A_895, %get3A_896] {strides = array<i32>} : memref<16x64xi32, #tpu.memory_space<vmem>>, vector<16xi32>,
      tpu.vector_store_idx %arg11[%get3A_897], %broadcast_in_dim3A_2 {add = true} : memref<10240xf32, #tpu.memory_space<vmem>>[vector<16xi32>], vector<16xf32>,
      %get3A_898 = arith.constant 10 : i32
      %get3A_899 = arith.index_cast %get3A_898 : i32 to index
      %get3A_900 = arith.constant 48 : index
      %get3A_901 = tpu.vector_load %arg9[%get3A_899, %get3A_900] {strides = array<i32>} : memref<16x64xi32, #tpu.memory_space<vmem>>, vector<16xi32>,
      tpu.vector_store_idx %arg11[%get3A_901], %broadcast_in_dim3A_2 {add = true} : memref<10240xf32, #tpu.memory_space<vmem>>[vector<16xi32>], vector<16xf32>,
      %dma_wait3A_902 = arith.constant 2 : i32
      %dma_wait3A_903 = arith.constant 10 : i32
      %dma_wait3A_904 = arith.constant 0 : i32
      %dma_wait3A_905 = arith.constant 0 : i32
      %dma_wait3A_906 = tpu.memref_slice %arg10[%dma_wait3A_902, %dma_wait3A_904, %dma_wait3A_905] : memref<4x64x128xf32, #tpu.memory_space<vmem>> -> memref<1x64x128xf32, #tpu.memory_space<vmem>>
      %dma_wait3A_907 = tpu.memref_squeeze %dma_wait3A_906 : memref<1x64x128xf32, #tpu.memory_space<vmem>> -> memref<64x128xf32, #tpu.memory_space<vmem>>
      %dma_wait3A_908 = arith.constant 0 : i32
      %dma_wait3A_909 = tpu.memref_slice %arg9[%dma_wait3A_903, %dma_wait3A_908] : memref<16x64xi32, #tpu.memory_space<vmem>> -> memref<1x64xi32, #tpu.memory_space<vmem>>
      %dma_wait3A_910 = tpu.memref_squeeze %dma_wait3A_909 : memref<1x64xi32, #tpu.memory_space<vmem>> -> memref<64xi32, #tpu.memory_space<vmem>>
      %dma_wait3A_911 = arith.constant 0 : i32
      %dma_wait3A_912 = arith.constant 0 : i32
      %dma_wait3A_913 = tpu.memref_slice %arg7[%dma_wait3A_911, %dma_wait3A_912] : memref<10240x128xf32, #tpu.memory_space<vmem_shared>> -> memref<10240x128xf32, #tpu.memory_space<vmem_shared>>
      tpu.wait_indirect_dma semaphore(%arg18 : memref<!tpu.dma_semaphore, #tpu.memory_space<semaphore_mem>>) src(%dma_wait3A_907 : memref<64x128xf32, #tpu.memory_space<vmem>>) dst(%dma_wait3A_913 : memref<10240x128xf32, #tpu.memory_space<vmem_shared>>)
      %dma_start3A_914 = arith.constant 14 : i32
      %dma_start3A_915 = arith.constant 2 : i32
      %dma_start3A_916 = arith.constant 0 : i32
      %dma_start3A_917 = arith.constant 0 : i32
      %dma_start3A_918 = tpu.memref_slice %arg10[%dma_start3A_915, %dma_start3A_916, %dma_start3A_917] : memref<4x64x128xf32, #tpu.memory_space<vmem>> -> memref<1x64x128xf32, #tpu.memory_space<vmem>>
      %dma_start3A_919 = tpu.memref_squeeze %dma_start3A_918 : memref<1x64x128xf32, #tpu.memory_space<vmem>> -> memref<64x128xf32, #tpu.memory_space<vmem>>
      %dma_start3A_920 = arith.constant 0 : i32
      %dma_start3A_921 = tpu.memref_slice %arg8[%dma_start3A_914, %dma_start3A_920] : memref<16x64xi32, #tpu.memory_space<vmem>> -> memref<1x64xi32, #tpu.memory_space<vmem>>
      %dma_start3A_922 = tpu.memref_squeeze %dma_start3A_921 : memref<1x64xi32, #tpu.memory_space<vmem>> -> memref<64xi32, #tpu.memory_space<vmem>>
      %dma_start3A_923 = arith.constant 0 : i32
      %dma_start3A_924 = arith.constant 0 : i32
      %dma_start3A_925 = tpu.memref_slice %arg2[%dma_start3A_923, %dma_start3A_924] : memref<20000x128xf32, #tpu.memory_space<hbm>> -> memref<20000x128xf32, #tpu.memory_space<hbm>>
      tpu.enqueue_indirect_dma source(%dma_start3A_925 : memref<20000x128xf32, #tpu.memory_space<hbm>>) target(%dma_start3A_919 : memref<64x128xf32, #tpu.memory_space<vmem>>) offsets(%dma_start3A_922 : memref<64xi32, #tpu.memory_space<vmem>>) semaphore(%arg14 : memref<!tpu.dma_semaphore, #tpu.memory_space<semaphore_mem>>)
      %dma_wait3A_926 = arith.constant 11 : i32
      %dma_wait3A_927 = arith.constant 3 : i32
      %dma_wait3A_928 = arith.constant 0 : i32
      %dma_wait3A_929 = arith.constant 0 : i32
      %dma_wait3A_930 = tpu.memref_slice %arg10[%dma_wait3A_927, %dma_wait3A_928, %dma_wait3A_929] : memref<4x64x128xf32, #tpu.memory_space<vmem>> -> memref<1x64x128xf32, #tpu.memory_space<vmem>>
      %dma_wait3A_931 = tpu.memref_squeeze %dma_wait3A_930 : memref<1x64x128xf32, #tpu.memory_space<vmem>> -> memref<64x128xf32, #tpu.memory_space<vmem>>
      %dma_wait3A_932 = arith.constant 0 : i32
      %dma_wait3A_933 = tpu.memref_slice %arg8[%dma_wait3A_926, %dma_wait3A_932] : memref<16x64xi32, #tpu.memory_space<vmem>> -> memref<1x64xi32, #tpu.memory_space<vmem>>
      %dma_wait3A_934 = tpu.memref_squeeze %dma_wait3A_933 : memref<1x64xi32, #tpu.memory_space<vmem>> -> memref<64xi32, #tpu.memory_space<vmem>>
      %dma_wait3A_935 = arith.constant 0 : i32
      %dma_wait3A_936 = arith.constant 0 : i32
      %dma_wait3A_937 = tpu.memref_slice %arg2[%dma_wait3A_935, %dma_wait3A_936] : memref<20000x128xf32, #tpu.memory_space<hbm>> -> memref<20000x128xf32, #tpu.memory_space<hbm>>
      tpu.wait_indirect_dma semaphore(%arg15 : memref<!tpu.dma_semaphore, #tpu.memory_space<semaphore_mem>>) src(%dma_wait3A_937 : memref<20000x128xf32, #tpu.memory_space<hbm>>) dst(%dma_wait3A_931 : memref<64x128xf32, #tpu.memory_space<vmem>>)
      %dma_start3A_938 = arith.constant 3 : i32
      %dma_start3A_939 = arith.constant 11 : i32
      %dma_start3A_940 = arith.constant 0 : i32
      %dma_start3A_941 = arith.constant 0 : i32
      %dma_start3A_942 = tpu.memref_slice %arg10[%dma_start3A_938, %dma_start3A_940, %dma_start3A_941] : memref<4x64x128xf32, #tpu.memory_space<vmem>> -> memref<1x64x128xf32, #tpu.memory_space<vmem>>
      %dma_start3A_943 = tpu.memref_squeeze %dma_start3A_942 : memref<1x64x128xf32, #tpu.memory_space<vmem>> -> memref<64x128xf32, #tpu.memory_space<vmem>>
      %dma_start3A_944 = arith.constant 0 : i32
      %dma_start3A_945 = tpu.memref_slice %arg9[%dma_start3A_939, %dma_start3A_944] : memref<16x64xi32, #tpu.memory_space<vmem>> -> memref<1x64xi32, #tpu.memory_space<vmem>>
      %dma_start3A_946 = tpu.memref_squeeze %dma_start3A_945 : memref<1x64xi32, #tpu.memory_space<vmem>> -> memref<64xi32, #tpu.memory_space<vmem>>
      %dma_start3A_947 = arith.constant 0 : i32
      %dma_start3A_948 = arith.constant 0 : i32
      %dma_start3A_949 = tpu.memref_slice %arg7[%dma_start3A_947, %dma_start3A_948] : memref<10240x128xf32, #tpu.memory_space<vmem_shared>> -> memref<10240x128xf32, #tpu.memory_space<vmem_shared>>
      tpu.enqueue_indirect_dma source(%dma_start3A_943 : memref<64x128xf32, #tpu.memory_space<vmem>>) target(%dma_start3A_949 : memref<10240x128xf32, #tpu.memory_space<vmem_shared>>) offsets(%dma_start3A_946 : memref<64xi32, #tpu.memory_space<vmem>>) semaphore(%arg19 : memref<!tpu.dma_semaphore, #tpu.memory_space<semaphore_mem>>) {add = true}
      %get3A_950 = arith.constant 11 : i32
      %get3A_951 = arith.index_cast %get3A_950 : i32 to index
      %get3A_952 = arith.constant 0 : index
      %get3A_953 = tpu.vector_load %arg9[%get3A_951, %get3A_952] {strides = array<i32>} : memref<16x64xi32, #tpu.memory_space<vmem>>, vector<16xi32>,
      tpu.vector_store_idx %arg11[%get3A_953], %broadcast_in_dim3A_2 {add = true} : memref<10240xf32, #tpu.memory_space<vmem>>[vector<16xi32>], vector<16xf32>,
      %get3A_954 = arith.constant 11 : i32
      %get3A_955 = arith.index_cast %get3A_954 : i32 to index
      %get3A_956 = arith.constant 16 : index
      %get3A_957 = tpu.vector_load %arg9[%get3A_955, %get3A_956] {strides = array<i32>} : memref<16x64xi32, #tpu.memory_space<vmem>>, vector<16xi32>,
      tpu.vector_store_idx %arg11[%get3A_957], %broadcast_in_dim3A_2 {add = true} : memref<10240xf32, #tpu.memory_space<vmem>>[vector<16xi32>], vector<16xf32>,
      %get3A_958 = arith.constant 11 : i32
      %get3A_959 = arith.index_cast %get3A_958 : i32 to index
      %get3A_960 = arith.constant 32 : index
      %get3A_961 = tpu.vector_load %arg9[%get3A_959, %get3A_960] {strides = array<i32>} : memref<16x64xi32, #tpu.memory_space<vmem>>, vector<16xi32>,
      tpu.vector_store_idx %arg11[%get3A_961], %broadcast_in_dim3A_2 {add = true} : memref<10240xf32, #tpu.memory_space<vmem>>[vector<16xi32>], vector<16xf32>,
      %get3A_962 = arith.constant 11 : i32
      %get3A_963 = arith.index_cast %get3A_962 : i32 to index
      %get3A_964 = arith.constant 48 : index
      %get3A_965 = tpu.vector_load %arg9[%get3A_963, %get3A_964] {strides = array<i32>} : memref<16x64xi32, #tpu.memory_space<vmem>>, vector<16xi32>,
      tpu.vector_store_idx %arg11[%get3A_965], %broadcast_in_dim3A_2 {add = true} : memref<10240xf32, #tpu.memory_space<vmem>>[vector<16xi32>], vector<16xf32>,
      %dma_wait3A_966 = arith.constant 3 : i32
      %dma_wait3A_967 = arith.constant 11 : i32
      %dma_wait3A_968 = arith.constant 0 : i32
      %dma_wait3A_969 = arith.constant 0 : i32
      %dma_wait3A_970 = tpu.memref_slice %arg10[%dma_wait3A_966, %dma_wait3A_968, %dma_wait3A_969] : memref<4x64x128xf32, #tpu.memory_space<vmem>> -> memref<1x64x128xf32, #tpu.memory_space<vmem>>
      %dma_wait3A_971 = tpu.memref_squeeze %dma_wait3A_970 : memref<1x64x128xf32, #tpu.memory_space<vmem>> -> memref<64x128xf32, #tpu.memory_space<vmem>>
      %dma_wait3A_972 = arith.constant 0 : i32
      %dma_wait3A_973 = tpu.memref_slice %arg9[%dma_wait3A_967, %dma_wait3A_972] : memref<16x64xi32, #tpu.memory_space<vmem>> -> memref<1x64xi32, #tpu.memory_space<vmem>>
      %dma_wait3A_974 = tpu.memref_squeeze %dma_wait3A_973 : memref<1x64xi32, #tpu.memory_space<vmem>> -> memref<64xi32, #tpu.memory_space<vmem>>
      %dma_wait3A_975 = arith.constant 0 : i32
      %dma_wait3A_976 = arith.constant 0 : i32
      %dma_wait3A_977 = tpu.memref_slice %arg7[%dma_wait3A_975, %dma_wait3A_976] : memref<10240x128xf32, #tpu.memory_space<vmem_shared>> -> memref<10240x128xf32, #tpu.memory_space<vmem_shared>>
      tpu.wait_indirect_dma semaphore(%arg19 : memref<!tpu.dma_semaphore, #tpu.memory_space<semaphore_mem>>) src(%dma_wait3A_971 : memref<64x128xf32, #tpu.memory_space<vmem>>) dst(%dma_wait3A_977 : memref<10240x128xf32, #tpu.memory_space<vmem_shared>>)
      %dma_start3A_978 = arith.constant 15 : i32
      %dma_start3A_979 = arith.constant 3 : i32
      %dma_start3A_980 = arith.constant 0 : i32
      %dma_start3A_981 = arith.constant 0 : i32
      %dma_start3A_982 = tpu.memref_slice %arg10[%dma_start3A_979, %dma_start3A_980, %dma_start3A_981] : memref<4x64x128xf32, #tpu.memory_space<vmem>> -> memref<1x64x128xf32, #tpu.memory_space<vmem>>
      %dma_start3A_983 = tpu.memref_squeeze %dma_start3A_982 : memref<1x64x128xf32, #tpu.memory_space<vmem>> -> memref<64x128xf32, #tpu.memory_space<vmem>>
      %dma_start3A_984 = arith.constant 0 : i32
      %dma_start3A_985 = tpu.memref_slice %arg8[%dma_start3A_978, %dma_start3A_984] : memref<16x64xi32, #tpu.memory_space<vmem>> -> memref<1x64xi32, #tpu.memory_space<vmem>>
      %dma_start3A_986 = tpu.memref_squeeze %dma_start3A_985 : memref<1x64xi32, #tpu.memory_space<vmem>> -> memref<64xi32, #tpu.memory_space<vmem>>
      %dma_start3A_987 = arith.constant 0 : i32
      %dma_start3A_988 = arith.constant 0 : i32
      %dma_start3A_989 = tpu.memref_slice %arg2[%dma_start3A_987, %dma_start3A_988] : memref<20000x128xf32, #tpu.memory_space<hbm>> -> memref<20000x128xf32, #tpu.memory_space<hbm>>
      tpu.enqueue_indirect_dma source(%dma_start3A_989 : memref<20000x128xf32, #tpu.memory_space<hbm>>) target(%dma_start3A_983 : memref<64x128xf32, #tpu.memory_space<vmem>>) offsets(%dma_start3A_986 : memref<64xi32, #tpu.memory_space<vmem>>) semaphore(%arg15 : memref<!tpu.dma_semaphore, #tpu.memory_space<semaphore_mem>>)
      %dma_wait3A_990 = arith.constant 12 : i32
      %dma_wait3A_991 = arith.constant 0 : i32
      %dma_wait3A_992 = arith.constant 0 : i32
      %dma_wait3A_993 = arith.constant 0 : i32
      %dma_wait3A_994 = tpu.memref_slice %arg10[%dma_wait3A_991, %dma_wait3A_992, %dma_wait3A_993] : memref<4x64x128xf32, #tpu.memory_space<vmem>> -> memref<1x64x128xf32, #tpu.memory_space<vmem>>
      %dma_wait3A_995 = tpu.memref_squeeze %dma_wait3A_994 : memref<1x64x128xf32, #tpu.memory_space<vmem>> -> memref<64x128xf32, #tpu.memory_space<vmem>>
      %dma_wait3A_996 = arith.constant 0 : i32
      %dma_wait3A_997 = tpu.memref_slice %arg8[%dma_wait3A_990, %dma_wait3A_996] : memref<16x64xi32, #tpu.memory_space<vmem>> -> memref<1x64xi32, #tpu.memory_space<vmem>>
      %dma_wait3A_998 = tpu.memref_squeeze %dma_wait3A_997 : memref<1x64xi32, #tpu.memory_space<vmem>> -> memref<64xi32, #tpu.memory_space<vmem>>
      %dma_wait3A_999 = arith.constant 0 : i32
      %dma_wait3A_1000 = arith.constant 0 : i32
      %dma_wait3A_1001 = tpu.memref_slice %arg2[%dma_wait3A_999, %dma_wait3A_1000] : memref<20000x128xf32, #tpu.memory_space<hbm>> -> memref<20000x128xf32, #tpu.memory_space<hbm>>
      tpu.wait_indirect_dma semaphore(%arg12 : memref<!tpu.dma_semaphore, #tpu.memory_space<semaphore_mem>>) src(%dma_wait3A_1001 : memref<20000x128xf32, #tpu.memory_space<hbm>>) dst(%dma_wait3A_995 : memref<64x128xf32, #tpu.memory_space<vmem>>)
      %dma_start3A_1002 = arith.constant 0 : i32
      %dma_start3A_1003 = arith.constant 12 : i32
      %dma_start3A_1004 = arith.constant 0 : i32
      %dma_start3A_1005 = arith.constant 0 : i32
      %dma_start3A_1006 = tpu.memref_slice %arg10[%dma_start3A_1002, %dma_start3A_1004, %dma_start3A_1005] : memref<4x64x128xf32, #tpu.memory_space<vmem>> -> memref<1x64x128xf32, #tpu.memory_space<vmem>>
      %dma_start3A_1007 = tpu.memref_squeeze %dma_start3A_1006 : memref<1x64x128xf32, #tpu.memory_space<vmem>> -> memref<64x128xf32, #tpu.memory_space<vmem>>
      %dma_start3A_1008 = arith.constant 0 : i32
      %dma_start3A_1009 = tpu.memref_slice %arg9[%dma_start3A_1003, %dma_start3A_1008] : memref<16x64xi32, #tpu.memory_space<vmem>> -> memref<1x64xi32, #tpu.memory_space<vmem>>
      %dma_start3A_1010 = tpu.memref_squeeze %dma_start3A_1009 : memref<1x64xi32, #tpu.memory_space<vmem>> -> memref<64xi32, #tpu.memory_space<vmem>>
      %dma_start3A_1011 = arith.constant 0 : i32
      %dma_start3A_1012 = arith.constant 0 : i32
      %dma_start3A_1013 = tpu.memref_slice %arg7[%dma_start3A_1011, %dma_start3A_1012] : memref<10240x128xf32, #tpu.memory_space<vmem_shared>> -> memref<10240x128xf32, #tpu.memory_space<vmem_shared>>
      tpu.enqueue_indirect_dma source(%dma_start3A_1007 : memref<64x128xf32, #tpu.memory_space<vmem>>) target(%dma_start3A_1013 : memref<10240x128xf32, #tpu.memory_space<vmem_shared>>) offsets(%dma_start3A_1010 : memref<64xi32, #tpu.memory_space<vmem>>) semaphore(%arg16 : memref<!tpu.dma_semaphore, #tpu.memory_space<semaphore_mem>>) {add = true}
      %get3A_1014 = arith.constant 12 : i32
      %get3A_1015 = arith.index_cast %get3A_1014 : i32 to index
      %get3A_1016 = arith.constant 0 : index
      %get3A_1017 = tpu.vector_load %arg9[%get3A_1015, %get3A_1016] {strides = array<i32>} : memref<16x64xi32, #tpu.memory_space<vmem>>, vector<16xi32>,
      tpu.vector_store_idx %arg11[%get3A_1017], %broadcast_in_dim3A_2 {add = true} : memref<10240xf32, #tpu.memory_space<vmem>>[vector<16xi32>], vector<16xf32>,
      %get3A_1018 = arith.constant 12 : i32
      %get3A_1019 = arith.index_cast %get3A_1018 : i32 to index
      %get3A_1020 = arith.constant 16 : index
      %get3A_1021 = tpu.vector_load %arg9[%get3A_1019, %get3A_1020] {strides = array<i32>} : memref<16x64xi32, #tpu.memory_space<vmem>>, vector<16xi32>,
      tpu.vector_store_idx %arg11[%get3A_1021], %broadcast_in_dim3A_2 {add = true} : memref<10240xf32, #tpu.memory_space<vmem>>[vector<16xi32>], vector<16xf32>,
      %get3A_1022 = arith.constant 12 : i32
      %get3A_1023 = arith.index_cast %get3A_1022 : i32 to index
      %get3A_1024 = arith.constant 32 : index
      %get3A_1025 = tpu.vector_load %arg9[%get3A_1023, %get3A_1024] {strides = array<i32>} : memref<16x64xi32, #tpu.memory_space<vmem>>, vector<16xi32>,
      tpu.vector_store_idx %arg11[%get3A_1025], %broadcast_in_dim3A_2 {add = true} : memref<10240xf32, #tpu.memory_space<vmem>>[vector<16xi32>], vector<16xf32>,
      %get3A_1026 = arith.constant 12 : i32
      %get3A_1027 = arith.index_cast %get3A_1026 : i32 to index
      %get3A_1028 = arith.constant 48 : index
      %get3A_1029 = tpu.vector_load %arg9[%get3A_1027, %get3A_1028] {strides = array<i32>} : memref<16x64xi32, #tpu.memory_space<vmem>>, vector<16xi32>,
      tpu.vector_store_idx %arg11[%get3A_1029], %broadcast_in_dim3A_2 {add = true} : memref<10240xf32, #tpu.memory_space<vmem>>[vector<16xi32>], vector<16xf32>,
      %dma_wait3A_1030 = arith.constant 13 : i32
      %dma_wait3A_1031 = arith.constant 1 : i32
      %dma_wait3A_1032 = arith.constant 0 : i32
      %dma_wait3A_1033 = arith.constant 0 : i32
      %dma_wait3A_1034 = tpu.memref_slice %arg10[%dma_wait3A_1031, %dma_wait3A_1032, %dma_wait3A_1033] : memref<4x64x128xf32, #tpu.memory_space<vmem>> -> memref<1x64x128xf32, #tpu.memory_space<vmem>>
      %dma_wait3A_1035 = tpu.memref_squeeze %dma_wait3A_1034 : memref<1x64x128xf32, #tpu.memory_space<vmem>> -> memref<64x128xf32, #tpu.memory_space<vmem>>
      %dma_wait3A_1036 = arith.constant 0 : i32
      %dma_wait3A_1037 = tpu.memref_slice %arg8[%dma_wait3A_1030, %dma_wait3A_1036] : memref<16x64xi32, #tpu.memory_space<vmem>> -> memref<1x64xi32, #tpu.memory_space<vmem>>
      %dma_wait3A_1038 = tpu.memref_squeeze %dma_wait3A_1037 : memref<1x64xi32, #tpu.memory_space<vmem>> -> memref<64xi32, #tpu.memory_space<vmem>>
      %dma_wait3A_1039 = arith.constant 0 : i32
      %dma_wait3A_1040 = arith.constant 0 : i32
      %dma_wait3A_1041 = tpu.memref_slice %arg2[%dma_wait3A_1039, %dma_wait3A_1040] : memref<20000x128xf32, #tpu.memory_space<hbm>> -> memref<20000x128xf32, #tpu.memory_space<hbm>>
      tpu.wait_indirect_dma semaphore(%arg13 : memref<!tpu.dma_semaphore, #tpu.memory_space<semaphore_mem>>) src(%dma_wait3A_1041 : memref<20000x128xf32, #tpu.memory_space<hbm>>) dst(%dma_wait3A_1035 : memref<64x128xf32, #tpu.memory_space<vmem>>)
      %dma_start3A_1042 = arith.constant 1 : i32
      %dma_start3A_1043 = arith.constant 13 : i32
      %dma_start3A_1044 = arith.constant 0 : i32
      %dma_start3A_1045 = arith.constant 0 : i32
      %dma_start3A_1046 = tpu.memref_slice %arg10[%dma_start3A_1042, %dma_start3A_1044, %dma_start3A_1045] : memref<4x64x128xf32, #tpu.memory_space<vmem>> -> memref<1x64x128xf32, #tpu.memory_space<vmem>>
      %dma_start3A_1047 = tpu.memref_squeeze %dma_start3A_1046 : memref<1x64x128xf32, #tpu.memory_space<vmem>> -> memref<64x128xf32, #tpu.memory_space<vmem>>
      %dma_start3A_1048 = arith.constant 0 : i32
      %dma_start3A_1049 = tpu.memref_slice %arg9[%dma_start3A_1043, %dma_start3A_1048] : memref<16x64xi32, #tpu.memory_space<vmem>> -> memref<1x64xi32, #tpu.memory_space<vmem>>
      %dma_start3A_1050 = tpu.memref_squeeze %dma_start3A_1049 : memref<1x64xi32, #tpu.memory_space<vmem>> -> memref<64xi32, #tpu.memory_space<vmem>>
      %dma_start3A_1051 = arith.constant 0 : i32
      %dma_start3A_1052 = arith.constant 0 : i32
      %dma_start3A_1053 = tpu.memref_slice %arg7[%dma_start3A_1051, %dma_start3A_1052] : memref<10240x128xf32, #tpu.memory_space<vmem_shared>> -> memref<10240x128xf32, #tpu.memory_space<vmem_shared>>
      tpu.enqueue_indirect_dma source(%dma_start3A_1047 : memref<64x128xf32, #tpu.memory_space<vmem>>) target(%dma_start3A_1053 : memref<10240x128xf32, #tpu.memory_space<vmem_shared>>) offsets(%dma_start3A_1050 : memref<64xi32, #tpu.memory_space<vmem>>) semaphore(%arg17 : memref<!tpu.dma_semaphore, #tpu.memory_space<semaphore_mem>>) {add = true}
      %get3A_1054 = arith.constant 13 : i32
      %get3A_1055 = arith.index_cast %get3A_1054 : i32 to index
      %get3A_1056 = arith.constant 0 : index
      %get3A_1057 = tpu.vector_load %arg9[%get3A_1055, %get3A_1056] {strides = array<i32>} : memref<16x64xi32, #tpu.memory_space<vmem>>, vector<16xi32>,
      tpu.vector_store_idx %arg11[%get3A_1057], %broadcast_in_dim3A_2 {add = true} : memref<10240xf32, #tpu.memory_space<vmem>>[vector<16xi32>], vector<16xf32>,
      %get3A_1058 = arith.constant 13 : i32
      %get3A_1059 = arith.index_cast %get3A_1058 : i32 to index
      %get3A_1060 = arith.constant 16 : index
      %get3A_1061 = tpu.vector_load %arg9[%get3A_1059, %get3A_1060] {strides = array<i32>} : memref<16x64xi32, #tpu.memory_space<vmem>>, vector<16xi32>,
      tpu.vector_store_idx %arg11[%get3A_1061], %broadcast_in_dim3A_2 {add = true} : memref<10240xf32, #tpu.memory_space<vmem>>[vector<16xi32>], vector<16xf32>,
      %get3A_1062 = arith.constant 13 : i32
      %get3A_1063 = arith.index_cast %get3A_1062 : i32 to index
      %get3A_1064 = arith.constant 32 : index
      %get3A_1065 = tpu.vector_load %arg9[%get3A_1063, %get3A_1064] {strides = array<i32>} : memref<16x64xi32, #tpu.memory_space<vmem>>, vector<16xi32>,
      tpu.vector_store_idx %arg11[%get3A_1065], %broadcast_in_dim3A_2 {add = true} : memref<10240xf32, #tpu.memory_space<vmem>>[vector<16xi32>], vector<16xf32>,
      %get3A_1066 = arith.constant 13 : i32
      %get3A_1067 = arith.index_cast %get3A_1066 : i32 to index
      %get3A_1068 = arith.constant 48 : index
      %get3A_1069 = tpu.vector_load %arg9[%get3A_1067, %get3A_1068] {strides = array<i32>} : memref<16x64xi32, #tpu.memory_space<vmem>>, vector<16xi32>,
      tpu.vector_store_idx %arg11[%get3A_1069], %broadcast_in_dim3A_2 {add = true} : memref<10240xf32, #tpu.memory_space<vmem>>[vector<16xi32>], vector<16xf32>,
      %dma_wait3A_1070 = arith.constant 14 : i32
      %dma_wait3A_1071 = arith.constant 2 : i32
      %dma_wait3A_1072 = arith.constant 0 : i32
      %dma_wait3A_1073 = arith.constant 0 : i32
      %dma_wait3A_1074 = tpu.memref_slice %arg10[%dma_wait3A_1071, %dma_wait3A_1072, %dma_wait3A_1073] : memref<4x64x128xf32, #tpu.memory_space<vmem>> -> memref<1x64x128xf32, #tpu.memory_space<vmem>>
      %dma_wait3A_1075 = tpu.memref_squeeze %dma_wait3A_1074 : memref<1x64x128xf32, #tpu.memory_space<vmem>> -> memref<64x128xf32, #tpu.memory_space<vmem>>
      %dma_wait3A_1076 = arith.constant 0 : i32
      %dma_wait3A_1077 = tpu.memref_slice %arg8[%dma_wait3A_1070, %dma_wait3A_1076] : memref<16x64xi32, #tpu.memory_space<vmem>> -> memref<1x64xi32, #tpu.memory_space<vmem>>
      %dma_wait3A_1078 = tpu.memref_squeeze %dma_wait3A_1077 : memref<1x64xi32, #tpu.memory_space<vmem>> -> memref<64xi32, #tpu.memory_space<vmem>>
      %dma_wait3A_1079 = arith.constant 0 : i32
      %dma_wait3A_1080 = arith.constant 0 : i32
      %dma_wait3A_1081 = tpu.memref_slice %arg2[%dma_wait3A_1079, %dma_wait3A_1080] : memref<20000x128xf32, #tpu.memory_space<hbm>> -> memref<20000x128xf32, #tpu.memory_space<hbm>>
      tpu.wait_indirect_dma semaphore(%arg14 : memref<!tpu.dma_semaphore, #tpu.memory_space<semaphore_mem>>) src(%dma_wait3A_1081 : memref<20000x128xf32, #tpu.memory_space<hbm>>) dst(%dma_wait3A_1075 : memref<64x128xf32, #tpu.memory_space<vmem>>)
      %dma_start3A_1082 = arith.constant 2 : i32
      %dma_start3A_1083 = arith.constant 14 : i32
      %dma_start3A_1084 = arith.constant 0 : i32
      %dma_start3A_1085 = arith.constant 0 : i32
      %dma_start3A_1086 = tpu.memref_slice %arg10[%dma_start3A_1082, %dma_start3A_1084, %dma_start3A_1085] : memref<4x64x128xf32, #tpu.memory_space<vmem>> -> memref<1x64x128xf32, #tpu.memory_space<vmem>>
      %dma_start3A_1087 = tpu.memref_squeeze %dma_start3A_1086 : memref<1x64x128xf32, #tpu.memory_space<vmem>> -> memref<64x128xf32, #tpu.memory_space<vmem>>
      %dma_start3A_1088 = arith.constant 0 : i32
      %dma_start3A_1089 = tpu.memref_slice %arg9[%dma_start3A_1083, %dma_start3A_1088] : memref<16x64xi32, #tpu.memory_space<vmem>> -> memref<1x64xi32, #tpu.memory_space<vmem>>
      %dma_start3A_1090 = tpu.memref_squeeze %dma_start3A_1089 : memref<1x64xi32, #tpu.memory_space<vmem>> -> memref<64xi32, #tpu.memory_space<vmem>>
      %dma_start3A_1091 = arith.constant 0 : i32
      %dma_start3A_1092 = arith.constant 0 : i32
      %dma_start3A_1093 = tpu.memref_slice %arg7[%dma_start3A_1091, %dma_start3A_1092] : memref<10240x128xf32, #tpu.memory_space<vmem_shared>> -> memref<10240x128xf32, #tpu.memory_space<vmem_shared>>
      tpu.enqueue_indirect_dma source(%dma_start3A_1087 : memref<64x128xf32, #tpu.memory_space<vmem>>) target(%dma_start3A_1093 : memref<10240x128xf32, #tpu.memory_space<vmem_shared>>) offsets(%dma_start3A_1090 : memref<64xi32, #tpu.memory_space<vmem>>) semaphore(%arg18 : memref<!tpu.dma_semaphore, #tpu.memory_space<semaphore_mem>>) {add = true}
      %get3A_1094 = arith.constant 14 : i32
      %get3A_1095 = arith.index_cast %get3A_1094 : i32 to index
      %get3A_1096 = arith.constant 0 : index
      %get3A_1097 = tpu.vector_load %arg9[%get3A_1095, %get3A_1096] {strides = array<i32>} : memref<16x64xi32, #tpu.memory_space<vmem>>, vector<16xi32>,
      tpu.vector_store_idx %arg11[%get3A_1097], %broadcast_in_dim3A_2 {add = true} : memref<10240xf32, #tpu.memory_space<vmem>>[vector<16xi32>], vector<16xf32>,
      %get3A_1098 = arith.constant 14 : i32
      %get3A_1099 = arith.index_cast %get3A_1098 : i32 to index
      %get3A_1100 = arith.constant 16 : index
      %get3A_1101 = tpu.vector_load %arg9[%get3A_1099, %get3A_1100] {strides = array<i32>} : memref<16x64xi32, #tpu.memory_space<vmem>>, vector<16xi32>,
      tpu.vector_store_idx %arg11[%get3A_1101], %broadcast_in_dim3A_2 {add = true} : memref<10240xf32, #tpu.memory_space<vmem>>[vector<16xi32>], vector<16xf32>,
      %get3A_1102 = arith.constant 14 : i32
      %get3A_1103 = arith.index_cast %get3A_1102 : i32 to index
      %get3A_1104 = arith.constant 32 : index
      %get3A_1105 = tpu.vector_load %arg9[%get3A_1103, %get3A_1104] {strides = array<i32>} : memref<16x64xi32, #tpu.memory_space<vmem>>, vector<16xi32>,
      tpu.vector_store_idx %arg11[%get3A_1105], %broadcast_in_dim3A_2 {add = true} : memref<10240xf32, #tpu.memory_space<vmem>>[vector<16xi32>], vector<16xf32>,
      %get3A_1106 = arith.constant 14 : i32
      %get3A_1107 = arith.index_cast %get3A_1106 : i32 to index
      %get3A_1108 = arith.constant 48 : index
      %get3A_1109 = tpu.vector_load %arg9[%get3A_1107, %get3A_1108] {strides = array<i32>} : memref<16x64xi32, #tpu.memory_space<vmem>>, vector<16xi32>,
      tpu.vector_store_idx %arg11[%get3A_1109], %broadcast_in_dim3A_2 {add = true} : memref<10240xf32, #tpu.memory_space<vmem>>[vector<16xi32>], vector<16xf32>,
      %dma_wait3A_1110 = arith.constant 15 : i32
      %dma_wait3A_1111 = arith.constant 3 : i32
      %dma_wait3A_1112 = arith.constant 0 : i32
      %dma_wait3A_1113 = arith.constant 0 : i32
      %dma_wait3A_1114 = tpu.memref_slice %arg10[%dma_wait3A_1111, %dma_wait3A_1112, %dma_wait3A_1113] : memref<4x64x128xf32, #tpu.memory_space<vmem>> -> memref<1x64x128xf32, #tpu.memory_space<vmem>>
      %dma_wait3A_1115 = tpu.memref_squeeze %dma_wait3A_1114 : memref<1x64x128xf32, #tpu.memory_space<vmem>> -> memref<64x128xf32, #tpu.memory_space<vmem>>
      %dma_wait3A_1116 = arith.constant 0 : i32
      %dma_wait3A_1117 = tpu.memref_slice %arg8[%dma_wait3A_1110, %dma_wait3A_1116] : memref<16x64xi32, #tpu.memory_space<vmem>> -> memref<1x64xi32, #tpu.memory_space<vmem>>
      %dma_wait3A_1118 = tpu.memref_squeeze %dma_wait3A_1117 : memref<1x64xi32, #tpu.memory_space<vmem>> -> memref<64xi32, #tpu.memory_space<vmem>>
      %dma_wait3A_1119 = arith.constant 0 : i32
      %dma_wait3A_1120 = arith.constant 0 : i32
      %dma_wait3A_1121 = tpu.memref_slice %arg2[%dma_wait3A_1119, %dma_wait3A_1120] : memref<20000x128xf32, #tpu.memory_space<hbm>> -> memref<20000x128xf32, #tpu.memory_space<hbm>>
      tpu.wait_indirect_dma semaphore(%arg15 : memref<!tpu.dma_semaphore, #tpu.memory_space<semaphore_mem>>) src(%dma_wait3A_1121 : memref<20000x128xf32, #tpu.memory_space<hbm>>) dst(%dma_wait3A_1115 : memref<64x128xf32, #tpu.memory_space<vmem>>)
      %dma_start3A_1122 = arith.constant 3 : i32
      %dma_start3A_1123 = arith.constant 15 : i32
      %dma_start3A_1124 = arith.constant 0 : i32
      %dma_start3A_1125 = arith.constant 0 : i32
      %dma_start3A_1126 = tpu.memref_slice %arg10[%dma_start3A_1122, %dma_start3A_1124, %dma_start3A_1125] : memref<4x64x128xf32, #tpu.memory_space<vmem>> -> memref<1x64x128xf32, #tpu.memory_space<vmem>>
      %dma_start3A_1127 = tpu.memref_squeeze %dma_start3A_1126 : memref<1x64x128xf32, #tpu.memory_space<vmem>> -> memref<64x128xf32, #tpu.memory_space<vmem>>
      %dma_start3A_1128 = arith.constant 0 : i32
      %dma_start3A_1129 = tpu.memref_slice %arg9[%dma_start3A_1123, %dma_start3A_1128] : memref<16x64xi32, #tpu.memory_space<vmem>> -> memref<1x64xi32, #tpu.memory_space<vmem>>
      %dma_start3A_1130 = tpu.memref_squeeze %dma_start3A_1129 : memref<1x64xi32, #tpu.memory_space<vmem>> -> memref<64xi32, #tpu.memory_space<vmem>>
      %dma_start3A_1131 = arith.constant 0 : i32
      %dma_start3A_1132 = arith.constant 0 : i32
      %dma_start3A_1133 = tpu.memref_slice %arg7[%dma_start3A_1131, %dma_start3A_1132] : memref<10240x128xf32, #tpu.memory_space<vmem_shared>> -> memref<10240x128xf32, #tpu.memory_space<vmem_shared>>
      tpu.enqueue_indirect_dma source(%dma_start3A_1127 : memref<64x128xf32, #tpu.memory_space<vmem>>) target(%dma_start3A_1133 : memref<10240x128xf32, #tpu.memory_space<vmem_shared>>) offsets(%dma_start3A_1130 : memref<64xi32, #tpu.memory_space<vmem>>) semaphore(%arg19 : memref<!tpu.dma_semaphore, #tpu.memory_space<semaphore_mem>>) {add = true}
      %get3A_1134 = arith.constant 15 : i32
      %get3A_1135 = arith.index_cast %get3A_1134 : i32 to index
      %get3A_1136 = arith.constant 0 : index
      %get3A_1137 = tpu.vector_load %arg9[%get3A_1135, %get3A_1136] {strides = array<i32>} : memref<16x64xi32, #tpu.memory_space<vmem>>, vector<16xi32>,
      tpu.vector_store_idx %arg11[%get3A_1137], %broadcast_in_dim3A_2 {add = true} : memref<10240xf32, #tpu.memory_space<vmem>>[vector<16xi32>], vector<16xf32>,
      %get3A_1138 = arith.constant 15 : i32
      %get3A_1139 = arith.index_cast %get3A_1138 : i32 to index
      %get3A_1140 = arith.constant 16 : index
      %get3A_1141 = tpu.vector_load %arg9[%get3A_1139, %get3A_1140] {strides = array<i32>} : memref<16x64xi32, #tpu.memory_space<vmem>>, vector<16xi32>,
      tpu.vector_store_idx %arg11[%get3A_1141], %broadcast_in_dim3A_2 {add = true} : memref<10240xf32, #tpu.memory_space<vmem>>[vector<16xi32>], vector<16xf32>,
      %get3A_1142 = arith.constant 15 : i32
      %get3A_1143 = arith.index_cast %get3A_1142 : i32 to index
      %get3A_1144 = arith.constant 32 : index
      %get3A_1145 = tpu.vector_load %arg9[%get3A_1143, %get3A_1144] {strides = array<i32>} : memref<16x64xi32, #tpu.memory_space<vmem>>, vector<16xi32>,
      tpu.vector_store_idx %arg11[%get3A_1145], %broadcast_in_dim3A_2 {add = true} : memref<10240xf32, #tpu.memory_space<vmem>>[vector<16xi32>], vector<16xf32>,
      %get3A_1146 = arith.constant 15 : i32
      %get3A_1147 = arith.index_cast %get3A_1146 : i32 to index
      %get3A_1148 = arith.constant 48 : index
      %get3A_1149 = tpu.vector_load %arg9[%get3A_1147, %get3A_1148] {strides = array<i32>} : memref<16x64xi32, #tpu.memory_space<vmem>>, vector<16xi32>,
      tpu.vector_store_idx %arg11[%get3A_1149], %broadcast_in_dim3A_2 {add = true} : memref<10240xf32, #tpu.memory_space<vmem>>[vector<16xi32>], vector<16xf32>,
      %dma_wait3A_1150 = arith.constant 0 : i32
      %dma_wait3A_1151 = arith.constant 12 : i32
      %dma_wait3A_1152 = arith.constant 0 : i32
      %dma_wait3A_1153 = arith.constant 0 : i32
      %dma_wait3A_1154 = tpu.memref_slice %arg10[%dma_wait3A_1150, %dma_wait3A_1152, %dma_wait3A_1153] : memref<4x64x128xf32, #tpu.memory_space<vmem>> -> memref<1x64x128xf32, #tpu.memory_space<vmem>>
      %dma_wait3A_1155 = tpu.memref_squeeze %dma_wait3A_1154 : memref<1x64x128xf32, #tpu.memory_space<vmem>> -> memref<64x128xf32, #tpu.memory_space<vmem>>
      %dma_wait3A_1156 = arith.constant 0 : i32
      %dma_wait3A_1157 = tpu.memref_slice %arg9[%dma_wait3A_1151, %dma_wait3A_1156] : memref<16x64xi32, #tpu.memory_space<vmem>> -> memref<1x64xi32, #tpu.memory_space<vmem>>
      %dma_wait3A_1158 = tpu.memref_squeeze %dma_wait3A_1157 : memref<1x64xi32, #tpu.memory_space<vmem>> -> memref<64xi32, #tpu.memory_space<vmem>>
      %dma_wait3A_1159 = arith.constant 0 : i32
      %dma_wait3A_1160 = arith.constant 0 : i32
      %dma_wait3A_1161 = tpu.memref_slice %arg7[%dma_wait3A_1159, %dma_wait3A_1160] : memref<10240x128xf32, #tpu.memory_space<vmem_shared>> -> memref<10240x128xf32, #tpu.memory_space<vmem_shared>>
      tpu.wait_indirect_dma semaphore(%arg16 : memref<!tpu.dma_semaphore, #tpu.memory_space<semaphore_mem>>) src(%dma_wait3A_1155 : memref<64x128xf32, #tpu.memory_space<vmem>>) dst(%dma_wait3A_1161 : memref<10240x128xf32, #tpu.memory_space<vmem_shared>>)
      %dma_wait3A_1162 = arith.constant 1 : i32
      %dma_wait3A_1163 = arith.constant 13 : i32
      %dma_wait3A_1164 = arith.constant 0 : i32
      %dma_wait3A_1165 = arith.constant 0 : i32
      %dma_wait3A_1166 = tpu.memref_slice %arg10[%dma_wait3A_1162, %dma_wait3A_1164, %dma_wait3A_1165] : memref<4x64x128xf32, #tpu.memory_space<vmem>> -> memref<1x64x128xf32, #tpu.memory_space<vmem>>
      %dma_wait3A_1167 = tpu.memref_squeeze %dma_wait3A_1166 : memref<1x64x128xf32, #tpu.memory_space<vmem>> -> memref<64x128xf32, #tpu.memory_space<vmem>>
      %dma_wait3A_1168 = arith.constant 0 : i32
      %dma_wait3A_1169 = tpu.memref_slice %arg9[%dma_wait3A_1163, %dma_wait3A_1168] : memref<16x64xi32, #tpu.memory_space<vmem>> -> memref<1x64xi32, #tpu.memory_space<vmem>>
      %dma_wait3A_1170 = tpu.memref_squeeze %dma_wait3A_1169 : memref<1x64xi32, #tpu.memory_space<vmem>> -> memref<64xi32, #tpu.memory_space<vmem>>
      %dma_wait3A_1171 = arith.constant 0 : i32
      %dma_wait3A_1172 = arith.constant 0 : i32
      %dma_wait3A_1173 = tpu.memref_slice %arg7[%dma_wait3A_1171, %dma_wait3A_1172] : memref<10240x128xf32, #tpu.memory_space<vmem_shared>> -> memref<10240x128xf32, #tpu.memory_space<vmem_shared>>
      tpu.wait_indirect_dma semaphore(%arg17 : memref<!tpu.dma_semaphore, #tpu.memory_space<semaphore_mem>>) src(%dma_wait3A_1167 : memref<64x128xf32, #tpu.memory_space<vmem>>) dst(%dma_wait3A_1173 : memref<10240x128xf32, #tpu.memory_space<vmem_shared>>)
      %dma_wait3A_1174 = arith.constant 2 : i32
      %dma_wait3A_1175 = arith.constant 14 : i32
      %dma_wait3A_1176 = arith.constant 0 : i32
      %dma_wait3A_1177 = arith.constant 0 : i32
      %dma_wait3A_1178 = tpu.memref_slice %arg10[%dma_wait3A_1174, %dma_wait3A_1176, %dma_wait3A_1177] : memref<4x64x128xf32, #tpu.memory_space<vmem>> -> memref<1x64x128xf32, #tpu.memory_space<vmem>>
      %dma_wait3A_1179 = tpu.memref_squeeze %dma_wait3A_1178 : memref<1x64x128xf32, #tpu.memory_space<vmem>> -> memref<64x128xf32, #tpu.memory_space<vmem>>
      %dma_wait3A_1180 = arith.constant 0 : i32
      %dma_wait3A_1181 = tpu.memref_slice %arg9[%dma_wait3A_1175, %dma_wait3A_1180] : memref<16x64xi32, #tpu.memory_space<vmem>> -> memref<1x64xi32, #tpu.memory_space<vmem>>
      %dma_wait3A_1182 = tpu.memref_squeeze %dma_wait3A_1181 : memref<1x64xi32, #tpu.memory_space<vmem>> -> memref<64xi32, #tpu.memory_space<vmem>>
      %dma_wait3A_1183 = arith.constant 0 : i32
      %dma_wait3A_1184 = arith.constant 0 : i32
      %dma_wait3A_1185 = tpu.memref_slice %arg7[%dma_wait3A_1183, %dma_wait3A_1184] : memref<10240x128xf32, #tpu.memory_space<vmem_shared>> -> memref<10240x128xf32, #tpu.memory_space<vmem_shared>>
      tpu.wait_indirect_dma semaphore(%arg18 : memref<!tpu.dma_semaphore, #tpu.memory_space<semaphore_mem>>) src(%dma_wait3A_1179 : memref<64x128xf32, #tpu.memory_space<vmem>>) dst(%dma_wait3A_1185 : memref<10240x128xf32, #tpu.memory_space<vmem_shared>>)
      %dma_wait3A_1186 = arith.constant 3 : i32
      %dma_wait3A_1187 = arith.constant 15 : i32
      %dma_wait3A_1188 = arith.constant 0 : i32
      %dma_wait3A_1189 = arith.constant 0 : i32
      %dma_wait3A_1190 = tpu.memref_slice %arg10[%dma_wait3A_1186, %dma_wait3A_1188, %dma_wait3A_1189] : memref<4x64x128xf32, #tpu.memory_space<vmem>> -> memref<1x64x128xf32, #tpu.memory_space<vmem>>
      %dma_wait3A_1191 = tpu.memref_squeeze %dma_wait3A_1190 : memref<1x64x128xf32, #tpu.memory_space<vmem>> -> memref<64x128xf32, #tpu.memory_space<vmem>>
      %dma_wait3A_1192 = arith.constant 0 : i32
      %dma_wait3A_1193 = tpu.memref_slice %arg9[%dma_wait3A_1187, %dma_wait3A_1192] : memref<16x64xi32, #tpu.memory_space<vmem>> -> memref<1x64xi32, #tpu.memory_space<vmem>>
      %dma_wait3A_1194 = tpu.memref_squeeze %dma_wait3A_1193 : memref<1x64xi32, #tpu.memory_space<vmem>> -> memref<64xi32, #tpu.memory_space<vmem>>
      %dma_wait3A_1195 = arith.constant 0 : i32
      %dma_wait3A_1196 = arith.constant 0 : i32
      %dma_wait3A_1197 = tpu.memref_slice %arg7[%dma_wait3A_1195, %dma_wait3A_1196] : memref<10240x128xf32, #tpu.memory_space<vmem_shared>> -> memref<10240x128xf32, #tpu.memory_space<vmem_shared>>
      tpu.wait_indirect_dma semaphore(%arg19 : memref<!tpu.dma_semaphore, #tpu.memory_space<semaphore_mem>>) src(%dma_wait3A_1191 : memref<64x128xf32, #tpu.memory_space<vmem>>) dst(%dma_wait3A_1197 : memref<10240x128xf32, #tpu.memory_space<vmem_shared>>)
    }
    %scan3A_63 = arith.constant 10 : i32
    %barrier3A_64 = arith.constant 0 : index
    tpu.barrier barrier_id(%barrier3A_64)
    %mul3A_65 = arith.constant 640 : i32
    %mul3A_66 = arith.muli %arg1, %mul3A_65 : i32
    %eq3A = arith.constant 0 : i32
    %eq3A_67 = arith.cmpi eq, %arg0, %eq3A : i32
    %convert_element_type3A = arith.extui %eq3A_67 : i1 to i32
    %cond3A = arith.constant 0 : i32
    %cond3A_68 = arith.cmpi ne, %convert_element_type3A, %cond3A : i32
    scf.if %cond3A_68 {
      "tpu.region"() ({
        %run_scoped3A_159 = tpu.sem_alloc : memref<!tpu.dma_semaphore, #tpu.memory_space<semaphore_mem>>
        %dma_start3A = arith.constant 0 : i32
        %dma_start3A_160 = tpu.memref_slice %arg6[%arg1, %dma_start3A] : memref<16x10240xf32, #tpu.memory_space<hbm>> -> memref<1x10240xf32, #tpu.memory_space<hbm>>
        %dma_start3A_161 = tpu.memref_squeeze %dma_start3A_160 : memref<1x10240xf32, #tpu.memory_space<hbm>> -> memref<10240xf32, #tpu.memory_space<hbm>>
        %dma_start3A_162 = arith.constant 0 : i32
        %dma_start3A_163 = tpu.memref_slice %arg6[%arg1, %dma_start3A_162] : memref<16x10240xf32, #tpu.memory_space<hbm>> -> memref<1x10240xf32, #tpu.memory_space<hbm>>
        %dma_start3A_164 = tpu.memref_squeeze %dma_start3A_163 : memref<1x10240xf32, #tpu.memory_space<hbm>> -> memref<10240xf32, #tpu.memory_space<hbm>>
        tpu.enqueue_dma source(%arg11 : memref<10240xf32, #tpu.memory_space<vmem>>) target(%dma_start3A_164 : memref<10240xf32, #tpu.memory_space<hbm>>) target_semaphore(%run_scoped3A_159 : memref<!tpu.dma_semaphore, #tpu.memory_space<semaphore_mem>>)
        %dma_wait3A = arith.constant 0 : i32
        %dma_wait3A_165 = tpu.memref_slice %arg6[%arg1, %dma_wait3A] : memref<16x10240xf32, #tpu.memory_space<hbm>> -> memref<1x10240xf32, #tpu.memory_space<hbm>>
        %dma_wait3A_166 = tpu.memref_squeeze %dma_wait3A_165 : memref<1x10240xf32, #tpu.memory_space<hbm>> -> memref<10240xf32, #tpu.memory_space<hbm>>
        %dma_wait3A_167 = arith.constant 0 : i32
        %dma_wait3A_168 = tpu.memref_slice %arg6[%arg1, %dma_wait3A_167] : memref<16x10240xf32, #tpu.memory_space<hbm>> -> memref<1x10240xf32, #tpu.memory_space<hbm>>
        %dma_wait3A_169 = tpu.memref_squeeze %dma_wait3A_168 : memref<1x10240xf32, #tpu.memory_space<hbm>> -> memref<10240xf32, #tpu.memory_space<hbm>>
        tpu.wait_dma2 semaphore(%run_scoped3A_159 : memref<!tpu.dma_semaphore, #tpu.memory_space<semaphore_mem>>) src(%arg11 : memref<10240xf32, #tpu.memory_space<vmem>>) dst(%dma_wait3A_169 : memref<10240xf32, #tpu.memory_space<hbm>>)
        tpu.yield
      }) : () -> ()
    } else {
    }
    %add3A_69 = arith.constant 0 : i32
    %add3A_70 = arith.addi %mul3A_66, %add3A_69 : i32
    %run_scoped3A_71 = arith.constant 0 : i32
    "tpu.region"() ({
      %run_scoped3A_159 = tpu.sem_alloc : memref<!tpu.dma_semaphore, #tpu.memory_space<semaphore_mem>>
      %dma_start3A = arith.constant 0 : i32
      %dma_start3A_160 = arith.constant 0 : i32
      %dma_start3A_161 = tpu.memref_slice %arg10[%run_scoped3A_71, %dma_start3A, %dma_start3A_160] : memref<4x64x128xf32, #tpu.memory_space<vmem>> -> memref<1x64x128xf32, #tpu.memory_space<vmem>>
      %dma_start3A_162 = tpu.memref_squeeze %dma_start3A_161 : memref<1x64x128xf32, #tpu.memory_space<vmem>> -> memref<64x128xf32, #tpu.memory_space<vmem>>
      %dma_start3A_163 = arith.constant 0 : i32
      %dma_start3A_164 = tpu.memref_slice %arg7[%add3A_70, %dma_start3A_163] : memref<10240x128xf32, #tpu.memory_space<vmem_shared>> -> memref<64x128xf32, #tpu.memory_space<vmem_shared>>
      %dma_start3A_165 = arith.constant 0 : i32
      %dma_start3A_166 = arith.constant 0 : i32
      %dma_start3A_167 = tpu.memref_slice %arg10[%run_scoped3A_71, %dma_start3A_165, %dma_start3A_166] : memref<4x64x128xf32, #tpu.memory_space<vmem>> -> memref<1x64x128xf32, #tpu.memory_space<vmem>>
      %dma_start3A_168 = tpu.memref_squeeze %dma_start3A_167 : memref<1x64x128xf32, #tpu.memory_space<vmem>> -> memref<64x128xf32, #tpu.memory_space<vmem>>
      %dma_start3A_169 = arith.constant 0 : i32
      %dma_start3A_170 = tpu.memref_slice %arg7[%add3A_70, %dma_start3A_169] : memref<10240x128xf32, #tpu.memory_space<vmem_shared>> -> memref<64x128xf32, #tpu.memory_space<vmem_shared>>
      tpu.enqueue_dma source(%dma_start3A_170 : memref<64x128xf32, #tpu.memory_space<vmem_shared>>) target(%dma_start3A_168 : memref<64x128xf32, #tpu.memory_space<vmem>>) target_semaphore(%run_scoped3A_159 : memref<!tpu.dma_semaphore, #tpu.memory_space<semaphore_mem>>)
      %dma_wait3A = arith.constant 0 : i32
      %dma_wait3A_171 = arith.constant 0 : i32
      %dma_wait3A_172 = tpu.memref_slice %arg10[%run_scoped3A_71, %dma_wait3A, %dma_wait3A_171] : memref<4x64x128xf32, #tpu.memory_space<vmem>> -> memref<1x64x128xf32, #tpu.memory_space<vmem>>
      %dma_wait3A_173 = tpu.memref_squeeze %dma_wait3A_172 : memref<1x64x128xf32, #tpu.memory_space<vmem>> -> memref<64x128xf32, #tpu.memory_space<vmem>>
      %dma_wait3A_174 = arith.constant 0 : i32
      %dma_wait3A_175 = tpu.memref_slice %arg7[%add3A_70, %dma_wait3A_174] : memref<10240x128xf32, #tpu.memory_space<vmem_shared>> -> memref<64x128xf32, #tpu.memory_space<vmem_shared>>
      %dma_wait3A_176 = arith.constant 0 : i32
      %dma_wait3A_177 = arith.constant 0 : i32
      %dma_wait3A_178 = tpu.memref_slice %arg10[%run_scoped3A_71, %dma_wait3A_176, %dma_wait3A_177] : memref<4x64x128xf32, #tpu.memory_space<vmem>> -> memref<1x64x128xf32, #tpu.memory_space<vmem>>
      %dma_wait3A_179 = tpu.memref_squeeze %dma_wait3A_178 : memref<1x64x128xf32, #tpu.memory_space<vmem>> -> memref<64x128xf32, #tpu.memory_space<vmem>>
      %dma_wait3A_180 = arith.constant 0 : i32
      %dma_wait3A_181 = tpu.memref_slice %arg7[%add3A_70, %dma_wait3A_180] : memref<10240x128xf32, #tpu.memory_space<vmem_shared>> -> memref<64x128xf32, #tpu.memory_space<vmem_shared>>
      tpu.wait_dma2 semaphore(%run_scoped3A_159 : memref<!tpu.dma_semaphore, #tpu.memory_space<semaphore_mem>>) src(%dma_wait3A_181 : memref<64x128xf32, #tpu.memory_space<vmem_shared>>) dst(%dma_wait3A_179 : memref<64x128xf32, #tpu.memory_space<vmem>>)
      tpu.yield
    }) : () -> ()
    %mul3A_72 = arith.constant 10240 : i32
    %mul3A_73 = arith.muli %arg0, %mul3A_72 : i32
    %add3A_74 = arith.addi %mul3A_73, %mul3A_66 : i32
    %add3A_75 = arith.constant 0 : i32
    %add3A_76 = arith.addi %add3A_74, %add3A_75 : i32
    %run_scoped3A_77 = arith.constant 0 : i32
    "tpu.region"() ({
      %run_scoped3A_159 = tpu.sem_alloc : memref<!tpu.dma_semaphore, #tpu.memory_space<semaphore_mem>>
      %dma_start3A = arith.constant 0 : i32
      %dma_start3A_160 = arith.constant 0 : i32
      %dma_start3A_161 = tpu.memref_slice %arg10[%run_scoped3A_77, %dma_start3A, %dma_start3A_160] : memref<4x64x128xf32, #tpu.memory_space<vmem>> -> memref<1x64x128xf32, #tpu.memory_space<vmem>>
      %dma_start3A_162 = tpu.memref_squeeze %dma_start3A_161 : memref<1x64x128xf32, #tpu.memory_space<vmem>> -> memref<64x128xf32, #tpu.memory_space<vmem>>
      %dma_start3A_163 = arith.constant 0 : i32
      %dma_start3A_164 = tpu.memref_slice %arg5[%add3A_76, %dma_start3A_163] : memref<20480x128xf32, #tpu.memory_space<hbm>> -> memref<64x128xf32, #tpu.memory_space<hbm>>
      %dma_start3A_165 = arith.constant 0 : i32
      %dma_start3A_166 = tpu.memref_slice %arg5[%add3A_76, %dma_start3A_165] : memref<20480x128xf32, #tpu.memory_space<hbm>> -> memref<64x128xf32, #tpu.memory_space<hbm>>
      %dma_start3A_167 = arith.constant 0 : i32
      %dma_start3A_168 = arith.constant 0 : i32
      %dma_start3A_169 = tpu.memref_slice %arg10[%run_scoped3A_77, %dma_start3A_167, %dma_start3A_168] : memref<4x64x128xf32, #tpu.memory_space<vmem>> -> memref<1x64x128xf32, #tpu.memory_space<vmem>>
      %dma_start3A_170 = tpu.memref_squeeze %dma_start3A_169 : memref<1x64x128xf32, #tpu.memory_space<vmem>> -> memref<64x128xf32, #tpu.memory_space<vmem>>
      tpu.enqueue_dma source(%dma_start3A_170 : memref<64x128xf32, #tpu.memory_space<vmem>>) target(%dma_start3A_166 : memref<64x128xf32, #tpu.memory_space<hbm>>) target_semaphore(%run_scoped3A_159 : memref<!tpu.dma_semaphore, #tpu.memory_space<semaphore_mem>>)
      %dma_wait3A = arith.constant 0 : i32
      %dma_wait3A_171 = arith.constant 0 : i32
      %dma_wait3A_172 = tpu.memref_slice %arg10[%run_scoped3A_77, %dma_wait3A, %dma_wait3A_171] : memref<4x64x128xf32, #tpu.memory_space<vmem>> -> memref<1x64x128xf32, #tpu.memory_space<vmem>>
      %dma_wait3A_173 = tpu.memref_squeeze %dma_wait3A_172 : memref<1x64x128xf32, #tpu.memory_space<vmem>> -> memref<64x128xf32, #tpu.memory_space<vmem>>
      %dma_wait3A_174 = arith.constant 0 : i32
      %dma_wait3A_175 = tpu.memref_slice %arg5[%add3A_76, %dma_wait3A_174] : memref<20480x128xf32, #tpu.memory_space<hbm>> -> memref<64x128xf32, #tpu.memory_space<hbm>>
      %dma_wait3A_176 = arith.constant 0 : i32
      %dma_wait3A_177 = tpu.memref_slice %arg5[%add3A_76, %dma_wait3A_176] : memref<20480x128xf32, #tpu.memory_space<hbm>> -> memref<64x128xf32, #tpu.memory_space<hbm>>
      %dma_wait3A_178 = arith.constant 0 : i32
      %dma_wait3A_179 = arith.constant 0 : i32
      %dma_wait3A_180 = tpu.memref_slice %arg10[%run_scoped3A_77, %dma_wait3A_178, %dma_wait3A_179] : memref<4x64x128xf32, #tpu.memory_space<vmem>> -> memref<1x64x128xf32, #tpu.memory_space<vmem>>
      %dma_wait3A_181 = tpu.memref_squeeze %dma_wait3A_180 : memref<1x64x128xf32, #tpu.memory_space<vmem>> -> memref<64x128xf32, #tpu.memory_space<vmem>>
      tpu.wait_dma2 semaphore(%run_scoped3A_159 : memref<!tpu.dma_semaphore, #tpu.memory_space<semaphore_mem>>) src(%dma_wait3A_181 : memref<64x128xf32, #tpu.memory_space<vmem>>) dst(%dma_wait3A_177 : memref<64x128xf32, #tpu.memory_space<hbm>>)
      tpu.yield
    }) : () -> ()
    %add3A_78 = arith.constant 64 : i32
    %add3A_79 = arith.addi %mul3A_66, %add3A_78 : i32
    %run_scoped3A_80 = arith.constant 0 : i32
    "tpu.region"() ({
      %run_scoped3A_159 = tpu.sem_alloc : memref<!tpu.dma_semaphore, #tpu.memory_space<semaphore_mem>>
      %dma_start3A = arith.constant 0 : i32
      %dma_start3A_160 = arith.constant 0 : i32
      %dma_start3A_161 = tpu.memref_slice %arg10[%run_scoped3A_80, %dma_start3A, %dma_start3A_160] : memref<4x64x128xf32, #tpu.memory_space<vmem>> -> memref<1x64x128xf32, #tpu.memory_space<vmem>>
      %dma_start3A_162 = tpu.memref_squeeze %dma_start3A_161 : memref<1x64x128xf32, #tpu.memory_space<vmem>> -> memref<64x128xf32, #tpu.memory_space<vmem>>
      %dma_start3A_163 = arith.constant 0 : i32
      %dma_start3A_164 = tpu.memref_slice %arg7[%add3A_79, %dma_start3A_163] : memref<10240x128xf32, #tpu.memory_space<vmem_shared>> -> memref<64x128xf32, #tpu.memory_space<vmem_shared>>
      %dma_start3A_165 = arith.constant 0 : i32
      %dma_start3A_166 = arith.constant 0 : i32
      %dma_start3A_167 = tpu.memref_slice %arg10[%run_scoped3A_80, %dma_start3A_165, %dma_start3A_166] : memref<4x64x128xf32, #tpu.memory_space<vmem>> -> memref<1x64x128xf32, #tpu.memory_space<vmem>>
      %dma_start3A_168 = tpu.memref_squeeze %dma_start3A_167 : memref<1x64x128xf32, #tpu.memory_space<vmem>> -> memref<64x128xf32, #tpu.memory_space<vmem>>
      %dma_start3A_169 = arith.constant 0 : i32
      %dma_start3A_170 = tpu.memref_slice %arg7[%add3A_79, %dma_start3A_169] : memref<10240x128xf32, #tpu.memory_space<vmem_shared>> -> memref<64x128xf32, #tpu.memory_space<vmem_shared>>
      tpu.enqueue_dma source(%dma_start3A_170 : memref<64x128xf32, #tpu.memory_space<vmem_shared>>) target(%dma_start3A_168 : memref<64x128xf32, #tpu.memory_space<vmem>>) target_semaphore(%run_scoped3A_159 : memref<!tpu.dma_semaphore, #tpu.memory_space<semaphore_mem>>)
      %dma_wait3A = arith.constant 0 : i32
      %dma_wait3A_171 = arith.constant 0 : i32
      %dma_wait3A_172 = tpu.memref_slice %arg10[%run_scoped3A_80, %dma_wait3A, %dma_wait3A_171] : memref<4x64x128xf32, #tpu.memory_space<vmem>> -> memref<1x64x128xf32, #tpu.memory_space<vmem>>
      %dma_wait3A_173 = tpu.memref_squeeze %dma_wait3A_172 : memref<1x64x128xf32, #tpu.memory_space<vmem>> -> memref<64x128xf32, #tpu.memory_space<vmem>>
      %dma_wait3A_174 = arith.constant 0 : i32
      %dma_wait3A_175 = tpu.memref_slice %arg7[%add3A_79, %dma_wait3A_174] : memref<10240x128xf32, #tpu.memory_space<vmem_shared>> -> memref<64x128xf32, #tpu.memory_space<vmem_shared>>
      %dma_wait3A_176 = arith.constant 0 : i32
      %dma_wait3A_177 = arith.constant 0 : i32
      %dma_wait3A_178 = tpu.memref_slice %arg10[%run_scoped3A_80, %dma_wait3A_176, %dma_wait3A_177] : memref<4x64x128xf32, #tpu.memory_space<vmem>> -> memref<1x64x128xf32, #tpu.memory_space<vmem>>
      %dma_wait3A_179 = tpu.memref_squeeze %dma_wait3A_178 : memref<1x64x128xf32, #tpu.memory_space<vmem>> -> memref<64x128xf32, #tpu.memory_space<vmem>>
      %dma_wait3A_180 = arith.constant 0 : i32
      %dma_wait3A_181 = tpu.memref_slice %arg7[%add3A_79, %dma_wait3A_180] : memref<10240x128xf32, #tpu.memory_space<vmem_shared>> -> memref<64x128xf32, #tpu.memory_space<vmem_shared>>
      tpu.wait_dma2 semaphore(%run_scoped3A_159 : memref<!tpu.dma_semaphore, #tpu.memory_space<semaphore_mem>>) src(%dma_wait3A_181 : memref<64x128xf32, #tpu.memory_space<vmem_shared>>) dst(%dma_wait3A_179 : memref<64x128xf32, #tpu.memory_space<vmem>>)
      tpu.yield
    }) : () -> ()
    %mul3A_81 = arith.constant 10240 : i32
    %mul3A_82 = arith.muli %arg0, %mul3A_81 : i32
    %add3A_83 = arith.addi %mul3A_82, %mul3A_66 : i32
    %add3A_84 = arith.constant 64 : i32
    %add3A_85 = arith.addi %add3A_83, %add3A_84 : i32
    %run_scoped3A_86 = arith.constant 0 : i32
    "tpu.region"() ({
      %run_scoped3A_159 = tpu.sem_alloc : memref<!tpu.dma_semaphore, #tpu.memory_space<semaphore_mem>>
      %dma_start3A = arith.constant 0 : i32
      %dma_start3A_160 = arith.constant 0 : i32
      %dma_start3A_161 = tpu.memref_slice %arg10[%run_scoped3A_86, %dma_start3A, %dma_start3A_160] : memref<4x64x128xf32, #tpu.memory_space<vmem>> -> memref<1x64x128xf32, #tpu.memory_space<vmem>>
      %dma_start3A_162 = tpu.memref_squeeze %dma_start3A_161 : memref<1x64x128xf32, #tpu.memory_space<vmem>> -> memref<64x128xf32, #tpu.memory_space<vmem>>
      %dma_start3A_163 = arith.constant 0 : i32
      %dma_start3A_164 = tpu.memref_slice %arg5[%add3A_85, %dma_start3A_163] : memref<20480x128xf32, #tpu.memory_space<hbm>> -> memref<64x128xf32, #tpu.memory_space<hbm>>
      %dma_start3A_165 = arith.constant 0 : i32
      %dma_start3A_166 = tpu.memref_slice %arg5[%add3A_85, %dma_start3A_165] : memref<20480x128xf32, #tpu.memory_space<hbm>> -> memref<64x128xf32, #tpu.memory_space<hbm>>
      %dma_start3A_167 = arith.constant 0 : i32
      %dma_start3A_168 = arith.constant 0 : i32
      %dma_start3A_169 = tpu.memref_slice %arg10[%run_scoped3A_86, %dma_start3A_167, %dma_start3A_168] : memref<4x64x128xf32, #tpu.memory_space<vmem>> -> memref<1x64x128xf32, #tpu.memory_space<vmem>>
      %dma_start3A_170 = tpu.memref_squeeze %dma_start3A_169 : memref<1x64x128xf32, #tpu.memory_space<vmem>> -> memref<64x128xf32, #tpu.memory_space<vmem>>
      tpu.enqueue_dma source(%dma_start3A_170 : memref<64x128xf32, #tpu.memory_space<vmem>>) target(%dma_start3A_166 : memref<64x128xf32, #tpu.memory_space<hbm>>) target_semaphore(%run_scoped3A_159 : memref<!tpu.dma_semaphore, #tpu.memory_space<semaphore_mem>>)
      %dma_wait3A = arith.constant 0 : i32
      %dma_wait3A_171 = arith.constant 0 : i32
      %dma_wait3A_172 = tpu.memref_slice %arg10[%run_scoped3A_86, %dma_wait3A, %dma_wait3A_171] : memref<4x64x128xf32, #tpu.memory_space<vmem>> -> memref<1x64x128xf32, #tpu.memory_space<vmem>>
      %dma_wait3A_173 = tpu.memref_squeeze %dma_wait3A_172 : memref<1x64x128xf32, #tpu.memory_space<vmem>> -> memref<64x128xf32, #tpu.memory_space<vmem>>
      %dma_wait3A_174 = arith.constant 0 : i32
      %dma_wait3A_175 = tpu.memref_slice %arg5[%add3A_85, %dma_wait3A_174] : memref<20480x128xf32, #tpu.memory_space<hbm>> -> memref<64x128xf32, #tpu.memory_space<hbm>>
      %dma_wait3A_176 = arith.constant 0 : i32
      %dma_wait3A_177 = tpu.memref_slice %arg5[%add3A_85, %dma_wait3A_176] : memref<20480x128xf32, #tpu.memory_space<hbm>> -> memref<64x128xf32, #tpu.memory_space<hbm>>
      %dma_wait3A_178 = arith.constant 0 : i32
      %dma_wait3A_179 = arith.constant 0 : i32
      %dma_wait3A_180 = tpu.memref_slice %arg10[%run_scoped3A_86, %dma_wait3A_178, %dma_wait3A_179] : memref<4x64x128xf32, #tpu.memory_space<vmem>> -> memref<1x64x128xf32, #tpu.memory_space<vmem>>
      %dma_wait3A_181 = tpu.memref_squeeze %dma_wait3A_180 : memref<1x64x128xf32, #tpu.memory_space<vmem>> -> memref<64x128xf32, #tpu.memory_space<vmem>>
      tpu.wait_dma2 semaphore(%run_scoped3A_159 : memref<!tpu.dma_semaphore, #tpu.memory_space<semaphore_mem>>) src(%dma_wait3A_181 : memref<64x128xf32, #tpu.memory_space<vmem>>) dst(%dma_wait3A_177 : memref<64x128xf32, #tpu.memory_space<hbm>>)
      tpu.yield
    }) : () -> ()
    %add3A_87 = arith.constant 128 : i32
    %add3A_88 = arith.addi %mul3A_66, %add3A_87 : i32
    %run_scoped3A_89 = arith.constant 0 : i32
    "tpu.region"() ({
      %run_scoped3A_159 = tpu.sem_alloc : memref<!tpu.dma_semaphore, #tpu.memory_space<semaphore_mem>>
      %dma_start3A = arith.constant 0 : i32
      %dma_start3A_160 = arith.constant 0 : i32
      %dma_start3A_161 = tpu.memref_slice %arg10[%run_scoped3A_89, %dma_start3A, %dma_start3A_160] : memref<4x64x128xf32, #tpu.memory_space<vmem>> -> memref<1x64x128xf32, #tpu.memory_space<vmem>>
      %dma_start3A_162 = tpu.memref_squeeze %dma_start3A_161 : memref<1x64x128xf32, #tpu.memory_space<vmem>> -> memref<64x128xf32, #tpu.memory_space<vmem>>
      %dma_start3A_163 = arith.constant 0 : i32
      %dma_start3A_164 = tpu.memref_slice %arg7[%add3A_88, %dma_start3A_163] : memref<10240x128xf32, #tpu.memory_space<vmem_shared>> -> memref<64x128xf32, #tpu.memory_space<vmem_shared>>
      %dma_start3A_165 = arith.constant 0 : i32
      %dma_start3A_166 = arith.constant 0 : i32
      %dma_start3A_167 = tpu.memref_slice %arg10[%run_scoped3A_89, %dma_start3A_165, %dma_start3A_166] : memref<4x64x128xf32, #tpu.memory_space<vmem>> -> memref<1x64x128xf32, #tpu.memory_space<vmem>>
      %dma_start3A_168 = tpu.memref_squeeze %dma_start3A_167 : memref<1x64x128xf32, #tpu.memory_space<vmem>> -> memref<64x128xf32, #tpu.memory_space<vmem>>
      %dma_start3A_169 = arith.constant 0 : i32
      %dma_start3A_170 = tpu.memref_slice %arg7[%add3A_88, %dma_start3A_169] : memref<10240x128xf32, #tpu.memory_space<vmem_shared>> -> memref<64x128xf32, #tpu.memory_space<vmem_shared>>
      tpu.enqueue_dma source(%dma_start3A_170 : memref<64x128xf32, #tpu.memory_space<vmem_shared>>) target(%dma_start3A_168 : memref<64x128xf32, #tpu.memory_space<vmem>>) target_semaphore(%run_scoped3A_159 : memref<!tpu.dma_semaphore, #tpu.memory_space<semaphore_mem>>)
      %dma_wait3A = arith.constant 0 : i32
      %dma_wait3A_171 = arith.constant 0 : i32
      %dma_wait3A_172 = tpu.memref_slice %arg10[%run_scoped3A_89, %dma_wait3A, %dma_wait3A_171] : memref<4x64x128xf32, #tpu.memory_space<vmem>> -> memref<1x64x128xf32, #tpu.memory_space<vmem>>
      %dma_wait3A_173 = tpu.memref_squeeze %dma_wait3A_172 : memref<1x64x128xf32, #tpu.memory_space<vmem>> -> memref<64x128xf32, #tpu.memory_space<vmem>>
      %dma_wait3A_174 = arith.constant 0 : i32
      %dma_wait3A_175 = tpu.memref_slice %arg7[%add3A_88, %dma_wait3A_174] : memref<10240x128xf32, #tpu.memory_space<vmem_shared>> -> memref<64x128xf32, #tpu.memory_space<vmem_shared>>
      %dma_wait3A_176 = arith.constant 0 : i32
      %dma_wait3A_177 = arith.constant 0 : i32
      %dma_wait3A_178 = tpu.memref_slice %arg10[%run_scoped3A_89, %dma_wait3A_176, %dma_wait3A_177] : memref<4x64x128xf32, #tpu.memory_space<vmem>> -> memref<1x64x128xf32, #tpu.memory_space<vmem>>
      %dma_wait3A_179 = tpu.memref_squeeze %dma_wait3A_178 : memref<1x64x128xf32, #tpu.memory_space<vmem>> -> memref<64x128xf32, #tpu.memory_space<vmem>>
      %dma_wait3A_180 = arith.constant 0 : i32
      %dma_wait3A_181 = tpu.memref_slice %arg7[%add3A_88, %dma_wait3A_180] : memref<10240x128xf32, #tpu.memory_space<vmem_shared>> -> memref<64x128xf32, #tpu.memory_space<vmem_shared>>
      tpu.wait_dma2 semaphore(%run_scoped3A_159 : memref<!tpu.dma_semaphore, #tpu.memory_space<semaphore_mem>>) src(%dma_wait3A_181 : memref<64x128xf32, #tpu.memory_space<vmem_shared>>) dst(%dma_wait3A_179 : memref<64x128xf32, #tpu.memory_space<vmem>>)
      tpu.yield
    }) : () -> ()
    %mul3A_90 = arith.constant 10240 : i32
    %mul3A_91 = arith.muli %arg0, %mul3A_90 : i32
    %add3A_92 = arith.addi %mul3A_91, %mul3A_66 : i32
    %add3A_93 = arith.constant 128 : i32
    %add3A_94 = arith.addi %add3A_92, %add3A_93 : i32
    %run_scoped3A_95 = arith.constant 0 : i32
    "tpu.region"() ({
      %run_scoped3A_159 = tpu.sem_alloc : memref<!tpu.dma_semaphore, #tpu.memory_space<semaphore_mem>>
      %dma_start3A = arith.constant 0 : i32
      %dma_start3A_160 = arith.constant 0 : i32
      %dma_start3A_161 = tpu.memref_slice %arg10[%run_scoped3A_95, %dma_start3A, %dma_start3A_160] : memref<4x64x128xf32, #tpu.memory_space<vmem>> -> memref<1x64x128xf32, #tpu.memory_space<vmem>>
      %dma_start3A_162 = tpu.memref_squeeze %dma_start3A_161 : memref<1x64x128xf32, #tpu.memory_space<vmem>> -> memref<64x128xf32, #tpu.memory_space<vmem>>
      %dma_start3A_163 = arith.constant 0 : i32
      %dma_start3A_164 = tpu.memref_slice %arg5[%add3A_94, %dma_start3A_163] : memref<20480x128xf32, #tpu.memory_space<hbm>> -> memref<64x128xf32, #tpu.memory_space<hbm>>
      %dma_start3A_165 = arith.constant 0 : i32
      %dma_start3A_166 = tpu.memref_slice %arg5[%add3A_94, %dma_start3A_165] : memref<20480x128xf32, #tpu.memory_space<hbm>> -> memref<64x128xf32, #tpu.memory_space<hbm>>
      %dma_start3A_167 = arith.constant 0 : i32
      %dma_start3A_168 = arith.constant 0 : i32
      %dma_start3A_169 = tpu.memref_slice %arg10[%run_scoped3A_95, %dma_start3A_167, %dma_start3A_168] : memref<4x64x128xf32, #tpu.memory_space<vmem>> -> memref<1x64x128xf32, #tpu.memory_space<vmem>>
      %dma_start3A_170 = tpu.memref_squeeze %dma_start3A_169 : memref<1x64x128xf32, #tpu.memory_space<vmem>> -> memref<64x128xf32, #tpu.memory_space<vmem>>
      tpu.enqueue_dma source(%dma_start3A_170 : memref<64x128xf32, #tpu.memory_space<vmem>>) target(%dma_start3A_166 : memref<64x128xf32, #tpu.memory_space<hbm>>) target_semaphore(%run_scoped3A_159 : memref<!tpu.dma_semaphore, #tpu.memory_space<semaphore_mem>>)
      %dma_wait3A = arith.constant 0 : i32
      %dma_wait3A_171 = arith.constant 0 : i32
      %dma_wait3A_172 = tpu.memref_slice %arg10[%run_scoped3A_95, %dma_wait3A, %dma_wait3A_171] : memref<4x64x128xf32, #tpu.memory_space<vmem>> -> memref<1x64x128xf32, #tpu.memory_space<vmem>>
      %dma_wait3A_173 = tpu.memref_squeeze %dma_wait3A_172 : memref<1x64x128xf32, #tpu.memory_space<vmem>> -> memref<64x128xf32, #tpu.memory_space<vmem>>
      %dma_wait3A_174 = arith.constant 0 : i32
      %dma_wait3A_175 = tpu.memref_slice %arg5[%add3A_94, %dma_wait3A_174] : memref<20480x128xf32, #tpu.memory_space<hbm>> -> memref<64x128xf32, #tpu.memory_space<hbm>>
      %dma_wait3A_176 = arith.constant 0 : i32
      %dma_wait3A_177 = tpu.memref_slice %arg5[%add3A_94, %dma_wait3A_176] : memref<20480x128xf32, #tpu.memory_space<hbm>> -> memref<64x128xf32, #tpu.memory_space<hbm>>
      %dma_wait3A_178 = arith.constant 0 : i32
      %dma_wait3A_179 = arith.constant 0 : i32
      %dma_wait3A_180 = tpu.memref_slice %arg10[%run_scoped3A_95, %dma_wait3A_178, %dma_wait3A_179] : memref<4x64x128xf32, #tpu.memory_space<vmem>> -> memref<1x64x128xf32, #tpu.memory_space<vmem>>
      %dma_wait3A_181 = tpu.memref_squeeze %dma_wait3A_180 : memref<1x64x128xf32, #tpu.memory_space<vmem>> -> memref<64x128xf32, #tpu.memory_space<vmem>>
      tpu.wait_dma2 semaphore(%run_scoped3A_159 : memref<!tpu.dma_semaphore, #tpu.memory_space<semaphore_mem>>) src(%dma_wait3A_181 : memref<64x128xf32, #tpu.memory_space<vmem>>) dst(%dma_wait3A_177 : memref<64x128xf32, #tpu.memory_space<hbm>>)
      tpu.yield
    }) : () -> ()
    %add3A_96 = arith.constant 192 : i32
    %add3A_97 = arith.addi %mul3A_66, %add3A_96 : i32
    %run_scoped3A_98 = arith.constant 0 : i32
    "tpu.region"() ({
      %run_scoped3A_159 = tpu.sem_alloc : memref<!tpu.dma_semaphore, #tpu.memory_space<semaphore_mem>>
      %dma_start3A = arith.constant 0 : i32
      %dma_start3A_160 = arith.constant 0 : i32
      %dma_start3A_161 = tpu.memref_slice %arg10[%run_scoped3A_98, %dma_start3A, %dma_start3A_160] : memref<4x64x128xf32, #tpu.memory_space<vmem>> -> memref<1x64x128xf32, #tpu.memory_space<vmem>>
      %dma_start3A_162 = tpu.memref_squeeze %dma_start3A_161 : memref<1x64x128xf32, #tpu.memory_space<vmem>> -> memref<64x128xf32, #tpu.memory_space<vmem>>
      %dma_start3A_163 = arith.constant 0 : i32
      %dma_start3A_164 = tpu.memref_slice %arg7[%add3A_97, %dma_start3A_163] : memref<10240x128xf32, #tpu.memory_space<vmem_shared>> -> memref<64x128xf32, #tpu.memory_space<vmem_shared>>
      %dma_start3A_165 = arith.constant 0 : i32
      %dma_start3A_166 = arith.constant 0 : i32
      %dma_start3A_167 = tpu.memref_slice %arg10[%run_scoped3A_98, %dma_start3A_165, %dma_start3A_166] : memref<4x64x128xf32, #tpu.memory_space<vmem>> -> memref<1x64x128xf32, #tpu.memory_space<vmem>>
      %dma_start3A_168 = tpu.memref_squeeze %dma_start3A_167 : memref<1x64x128xf32, #tpu.memory_space<vmem>> -> memref<64x128xf32, #tpu.memory_space<vmem>>
      %dma_start3A_169 = arith.constant 0 : i32
      %dma_start3A_170 = tpu.memref_slice %arg7[%add3A_97, %dma_start3A_169] : memref<10240x128xf32, #tpu.memory_space<vmem_shared>> -> memref<64x128xf32, #tpu.memory_space<vmem_shared>>
      tpu.enqueue_dma source(%dma_start3A_170 : memref<64x128xf32, #tpu.memory_space<vmem_shared>>) target(%dma_start3A_168 : memref<64x128xf32, #tpu.memory_space<vmem>>) target_semaphore(%run_scoped3A_159 : memref<!tpu.dma_semaphore, #tpu.memory_space<semaphore_mem>>)
      %dma_wait3A = arith.constant 0 : i32
      %dma_wait3A_171 = arith.constant 0 : i32
      %dma_wait3A_172 = tpu.memref_slice %arg10[%run_scoped3A_98, %dma_wait3A, %dma_wait3A_171] : memref<4x64x128xf32, #tpu.memory_space<vmem>> -> memref<1x64x128xf32, #tpu.memory_space<vmem>>
      %dma_wait3A_173 = tpu.memref_squeeze %dma_wait3A_172 : memref<1x64x128xf32, #tpu.memory_space<vmem>> -> memref<64x128xf32, #tpu.memory_space<vmem>>
      %dma_wait3A_174 = arith.constant 0 : i32
      %dma_wait3A_175 = tpu.memref_slice %arg7[%add3A_97, %dma_wait3A_174] : memref<10240x128xf32, #tpu.memory_space<vmem_shared>> -> memref<64x128xf32, #tpu.memory_space<vmem_shared>>
      %dma_wait3A_176 = arith.constant 0 : i32
      %dma_wait3A_177 = arith.constant 0 : i32
      %dma_wait3A_178 = tpu.memref_slice %arg10[%run_scoped3A_98, %dma_wait3A_176, %dma_wait3A_177] : memref<4x64x128xf32, #tpu.memory_space<vmem>> -> memref<1x64x128xf32, #tpu.memory_space<vmem>>
      %dma_wait3A_179 = tpu.memref_squeeze %dma_wait3A_178 : memref<1x64x128xf32, #tpu.memory_space<vmem>> -> memref<64x128xf32, #tpu.memory_space<vmem>>
      %dma_wait3A_180 = arith.constant 0 : i32
      %dma_wait3A_181 = tpu.memref_slice %arg7[%add3A_97, %dma_wait3A_180] : memref<10240x128xf32, #tpu.memory_space<vmem_shared>> -> memref<64x128xf32, #tpu.memory_space<vmem_shared>>
      tpu.wait_dma2 semaphore(%run_scoped3A_159 : memref<!tpu.dma_semaphore, #tpu.memory_space<semaphore_mem>>) src(%dma_wait3A_181 : memref<64x128xf32, #tpu.memory_space<vmem_shared>>) dst(%dma_wait3A_179 : memref<64x128xf32, #tpu.memory_space<vmem>>)
      tpu.yield
    }) : () -> ()
    %mul3A_99 = arith.constant 10240 : i32
    %mul3A_100 = arith.muli %arg0, %mul3A_99 : i32
    %add3A_101 = arith.addi %mul3A_100, %mul3A_66 : i32
    %add3A_102 = arith.constant 192 : i32
    %add3A_103 = arith.addi %add3A_101, %add3A_102 : i32
    %run_scoped3A_104 = arith.constant 0 : i32
    "tpu.region"() ({
      %run_scoped3A_159 = tpu.sem_alloc : memref<!tpu.dma_semaphore, #tpu.memory_space<semaphore_mem>>
      %dma_start3A = arith.constant 0 : i32
      %dma_start3A_160 = arith.constant 0 : i32
      %dma_start3A_161 = tpu.memref_slice %arg10[%run_scoped3A_104, %dma_start3A, %dma_start3A_160] : memref<4x64x128xf32, #tpu.memory_space<vmem>> -> memref<1x64x128xf32, #tpu.memory_space<vmem>>
      %dma_start3A_162 = tpu.memref_squeeze %dma_start3A_161 : memref<1x64x128xf32, #tpu.memory_space<vmem>> -> memref<64x128xf32, #tpu.memory_space<vmem>>
      %dma_start3A_163 = arith.constant 0 : i32
      %dma_start3A_164 = tpu.memref_slice %arg5[%add3A_103, %dma_start3A_163] : memref<20480x128xf32, #tpu.memory_space<hbm>> -> memref<64x128xf32, #tpu.memory_space<hbm>>
      %dma_start3A_165 = arith.constant 0 : i32
      %dma_start3A_166 = tpu.memref_slice %arg5[%add3A_103, %dma_start3A_165] : memref<20480x128xf32, #tpu.memory_space<hbm>> -> memref<64x128xf32, #tpu.memory_space<hbm>>
      %dma_start3A_167 = arith.constant 0 : i32
      %dma_start3A_168 = arith.constant 0 : i32
      %dma_start3A_169 = tpu.memref_slice %arg10[%run_scoped3A_104, %dma_start3A_167, %dma_start3A_168] : memref<4x64x128xf32, #tpu.memory_space<vmem>> -> memref<1x64x128xf32, #tpu.memory_space<vmem>>
      %dma_start3A_170 = tpu.memref_squeeze %dma_start3A_169 : memref<1x64x128xf32, #tpu.memory_space<vmem>> -> memref<64x128xf32, #tpu.memory_space<vmem>>
      tpu.enqueue_dma source(%dma_start3A_170 : memref<64x128xf32, #tpu.memory_space<vmem>>) target(%dma_start3A_166 : memref<64x128xf32, #tpu.memory_space<hbm>>) target_semaphore(%run_scoped3A_159 : memref<!tpu.dma_semaphore, #tpu.memory_space<semaphore_mem>>)
      %dma_wait3A = arith.constant 0 : i32
      %dma_wait3A_171 = arith.constant 0 : i32
      %dma_wait3A_172 = tpu.memref_slice %arg10[%run_scoped3A_104, %dma_wait3A, %dma_wait3A_171] : memref<4x64x128xf32, #tpu.memory_space<vmem>> -> memref<1x64x128xf32, #tpu.memory_space<vmem>>
      %dma_wait3A_173 = tpu.memref_squeeze %dma_wait3A_172 : memref<1x64x128xf32, #tpu.memory_space<vmem>> -> memref<64x128xf32, #tpu.memory_space<vmem>>
      %dma_wait3A_174 = arith.constant 0 : i32
      %dma_wait3A_175 = tpu.memref_slice %arg5[%add3A_103, %dma_wait3A_174] : memref<20480x128xf32, #tpu.memory_space<hbm>> -> memref<64x128xf32, #tpu.memory_space<hbm>>
      %dma_wait3A_176 = arith.constant 0 : i32
      %dma_wait3A_177 = tpu.memref_slice %arg5[%add3A_103, %dma_wait3A_176] : memref<20480x128xf32, #tpu.memory_space<hbm>> -> memref<64x128xf32, #tpu.memory_space<hbm>>
      %dma_wait3A_178 = arith.constant 0 : i32
      %dma_wait3A_179 = arith.constant 0 : i32
      %dma_wait3A_180 = tpu.memref_slice %arg10[%run_scoped3A_104, %dma_wait3A_178, %dma_wait3A_179] : memref<4x64x128xf32, #tpu.memory_space<vmem>> -> memref<1x64x128xf32, #tpu.memory_space<vmem>>
      %dma_wait3A_181 = tpu.memref_squeeze %dma_wait3A_180 : memref<1x64x128xf32, #tpu.memory_space<vmem>> -> memref<64x128xf32, #tpu.memory_space<vmem>>
      tpu.wait_dma2 semaphore(%run_scoped3A_159 : memref<!tpu.dma_semaphore, #tpu.memory_space<semaphore_mem>>) src(%dma_wait3A_181 : memref<64x128xf32, #tpu.memory_space<vmem>>) dst(%dma_wait3A_177 : memref<64x128xf32, #tpu.memory_space<hbm>>)
      tpu.yield
    }) : () -> ()
    %add3A_105 = arith.constant 256 : i32
    %add3A_106 = arith.addi %mul3A_66, %add3A_105 : i32
    %run_scoped3A_107 = arith.constant 0 : i32
    "tpu.region"() ({
      %run_scoped3A_159 = tpu.sem_alloc : memref<!tpu.dma_semaphore, #tpu.memory_space<semaphore_mem>>
      %dma_start3A = arith.constant 0 : i32
      %dma_start3A_160 = arith.constant 0 : i32
      %dma_start3A_161 = tpu.memref_slice %arg10[%run_scoped3A_107, %dma_start3A, %dma_start3A_160] : memref<4x64x128xf32, #tpu.memory_space<vmem>> -> memref<1x64x128xf32, #tpu.memory_space<vmem>>
      %dma_start3A_162 = tpu.memref_squeeze %dma_start3A_161 : memref<1x64x128xf32, #tpu.memory_space<vmem>> -> memref<64x128xf32, #tpu.memory_space<vmem>>
      %dma_start3A_163 = arith.constant 0 : i32
      %dma_start3A_164 = tpu.memref_slice %arg7[%add3A_106, %dma_start3A_163] : memref<10240x128xf32, #tpu.memory_space<vmem_shared>> -> memref<64x128xf32, #tpu.memory_space<vmem_shared>>
      %dma_start3A_165 = arith.constant 0 : i32
      %dma_start3A_166 = arith.constant 0 : i32
      %dma_start3A_167 = tpu.memref_slice %arg10[%run_scoped3A_107, %dma_start3A_165, %dma_start3A_166] : memref<4x64x128xf32, #tpu.memory_space<vmem>> -> memref<1x64x128xf32, #tpu.memory_space<vmem>>
      %dma_start3A_168 = tpu.memref_squeeze %dma_start3A_167 : memref<1x64x128xf32, #tpu.memory_space<vmem>> -> memref<64x128xf32, #tpu.memory_space<vmem>>
      %dma_start3A_169 = arith.constant 0 : i32
      %dma_start3A_170 = tpu.memref_slice %arg7[%add3A_106, %dma_start3A_169] : memref<10240x128xf32, #tpu.memory_space<vmem_shared>> -> memref<64x128xf32, #tpu.memory_space<vmem_shared>>
      tpu.enqueue_dma source(%dma_start3A_170 : memref<64x128xf32, #tpu.memory_space<vmem_shared>>) target(%dma_start3A_168 : memref<64x128xf32, #tpu.memory_space<vmem>>) target_semaphore(%run_scoped3A_159 : memref<!tpu.dma_semaphore, #tpu.memory_space<semaphore_mem>>)
      %dma_wait3A = arith.constant 0 : i32
      %dma_wait3A_171 = arith.constant 0 : i32
      %dma_wait3A_172 = tpu.memref_slice %arg10[%run_scoped3A_107, %dma_wait3A, %dma_wait3A_171] : memref<4x64x128xf32, #tpu.memory_space<vmem>> -> memref<1x64x128xf32, #tpu.memory_space<vmem>>
      %dma_wait3A_173 = tpu.memref_squeeze %dma_wait3A_172 : memref<1x64x128xf32, #tpu.memory_space<vmem>> -> memref<64x128xf32, #tpu.memory_space<vmem>>
      %dma_wait3A_174 = arith.constant 0 : i32
      %dma_wait3A_175 = tpu.memref_slice %arg7[%add3A_106, %dma_wait3A_174] : memref<10240x128xf32, #tpu.memory_space<vmem_shared>> -> memref<64x128xf32, #tpu.memory_space<vmem_shared>>
      %dma_wait3A_176 = arith.constant 0 : i32
      %dma_wait3A_177 = arith.constant 0 : i32
      %dma_wait3A_178 = tpu.memref_slice %arg10[%run_scoped3A_107, %dma_wait3A_176, %dma_wait3A_177] : memref<4x64x128xf32, #tpu.memory_space<vmem>> -> memref<1x64x128xf32, #tpu.memory_space<vmem>>
      %dma_wait3A_179 = tpu.memref_squeeze %dma_wait3A_178 : memref<1x64x128xf32, #tpu.memory_space<vmem>> -> memref<64x128xf32, #tpu.memory_space<vmem>>
      %dma_wait3A_180 = arith.constant 0 : i32
      %dma_wait3A_181 = tpu.memref_slice %arg7[%add3A_106, %dma_wait3A_180] : memref<10240x128xf32, #tpu.memory_space<vmem_shared>> -> memref<64x128xf32, #tpu.memory_space<vmem_shared>>
      tpu.wait_dma2 semaphore(%run_scoped3A_159 : memref<!tpu.dma_semaphore, #tpu.memory_space<semaphore_mem>>) src(%dma_wait3A_181 : memref<64x128xf32, #tpu.memory_space<vmem_shared>>) dst(%dma_wait3A_179 : memref<64x128xf32, #tpu.memory_space<vmem>>)
      tpu.yield
    }) : () -> ()
    %mul3A_108 = arith.constant 10240 : i32
    %mul3A_109 = arith.muli %arg0, %mul3A_108 : i32
    %add3A_110 = arith.addi %mul3A_109, %mul3A_66 : i32
    %add3A_111 = arith.constant 256 : i32
    %add3A_112 = arith.addi %add3A_110, %add3A_111 : i32
    %run_scoped3A_113 = arith.constant 0 : i32
    "tpu.region"() ({
      %run_scoped3A_159 = tpu.sem_alloc : memref<!tpu.dma_semaphore, #tpu.memory_space<semaphore_mem>>
      %dma_start3A = arith.constant 0 : i32
      %dma_start3A_160 = arith.constant 0 : i32
      %dma_start3A_161 = tpu.memref_slice %arg10[%run_scoped3A_113, %dma_start3A, %dma_start3A_160] : memref<4x64x128xf32, #tpu.memory_space<vmem>> -> memref<1x64x128xf32, #tpu.memory_space<vmem>>
      %dma_start3A_162 = tpu.memref_squeeze %dma_start3A_161 : memref<1x64x128xf32, #tpu.memory_space<vmem>> -> memref<64x128xf32, #tpu.memory_space<vmem>>
      %dma_start3A_163 = arith.constant 0 : i32
      %dma_start3A_164 = tpu.memref_slice %arg5[%add3A_112, %dma_start3A_163] : memref<20480x128xf32, #tpu.memory_space<hbm>> -> memref<64x128xf32, #tpu.memory_space<hbm>>
      %dma_start3A_165 = arith.constant 0 : i32
      %dma_start3A_166 = tpu.memref_slice %arg5[%add3A_112, %dma_start3A_165] : memref<20480x128xf32, #tpu.memory_space<hbm>> -> memref<64x128xf32, #tpu.memory_space<hbm>>
      %dma_start3A_167 = arith.constant 0 : i32
      %dma_start3A_168 = arith.constant 0 : i32
      %dma_start3A_169 = tpu.memref_slice %arg10[%run_scoped3A_113, %dma_start3A_167, %dma_start3A_168] : memref<4x64x128xf32, #tpu.memory_space<vmem>> -> memref<1x64x128xf32, #tpu.memory_space<vmem>>
      %dma_start3A_170 = tpu.memref_squeeze %dma_start3A_169 : memref<1x64x128xf32, #tpu.memory_space<vmem>> -> memref<64x128xf32, #tpu.memory_space<vmem>>
      tpu.enqueue_dma source(%dma_start3A_170 : memref<64x128xf32, #tpu.memory_space<vmem>>) target(%dma_start3A_166 : memref<64x128xf32, #tpu.memory_space<hbm>>) target_semaphore(%run_scoped3A_159 : memref<!tpu.dma_semaphore, #tpu.memory_space<semaphore_mem>>)
      %dma_wait3A = arith.constant 0 : i32
      %dma_wait3A_171 = arith.constant 0 : i32
      %dma_wait3A_172 = tpu.memref_slice %arg10[%run_scoped3A_113, %dma_wait3A, %dma_wait3A_171] : memref<4x64x128xf32, #tpu.memory_space<vmem>> -> memref<1x64x128xf32, #tpu.memory_space<vmem>>
      %dma_wait3A_173 = tpu.memref_squeeze %dma_wait3A_172 : memref<1x64x128xf32, #tpu.memory_space<vmem>> -> memref<64x128xf32, #tpu.memory_space<vmem>>
      %dma_wait3A_174 = arith.constant 0 : i32
      %dma_wait3A_175 = tpu.memref_slice %arg5[%add3A_112, %dma_wait3A_174] : memref<20480x128xf32, #tpu.memory_space<hbm>> -> memref<64x128xf32, #tpu.memory_space<hbm>>
      %dma_wait3A_176 = arith.constant 0 : i32
      %dma_wait3A_177 = tpu.memref_slice %arg5[%add3A_112, %dma_wait3A_176] : memref<20480x128xf32, #tpu.memory_space<hbm>> -> memref<64x128xf32, #tpu.memory_space<hbm>>
      %dma_wait3A_178 = arith.constant 0 : i32
      %dma_wait3A_179 = arith.constant 0 : i32
      %dma_wait3A_180 = tpu.memref_slice %arg10[%run_scoped3A_113, %dma_wait3A_178, %dma_wait3A_179] : memref<4x64x128xf32, #tpu.memory_space<vmem>> -> memref<1x64x128xf32, #tpu.memory_space<vmem>>
      %dma_wait3A_181 = tpu.memref_squeeze %dma_wait3A_180 : memref<1x64x128xf32, #tpu.memory_space<vmem>> -> memref<64x128xf32, #tpu.memory_space<vmem>>
      tpu.wait_dma2 semaphore(%run_scoped3A_159 : memref<!tpu.dma_semaphore, #tpu.memory_space<semaphore_mem>>) src(%dma_wait3A_181 : memref<64x128xf32, #tpu.memory_space<vmem>>) dst(%dma_wait3A_177 : memref<64x128xf32, #tpu.memory_space<hbm>>)
      tpu.yield
    }) : () -> ()
    %add3A_114 = arith.constant 320 : i32
    %add3A_115 = arith.addi %mul3A_66, %add3A_114 : i32
    %run_scoped3A_116 = arith.constant 0 : i32
    "tpu.region"() ({
      %run_scoped3A_159 = tpu.sem_alloc : memref<!tpu.dma_semaphore, #tpu.memory_space<semaphore_mem>>
      %dma_start3A = arith.constant 0 : i32
      %dma_start3A_160 = arith.constant 0 : i32
      %dma_start3A_161 = tpu.memref_slice %arg10[%run_scoped3A_116, %dma_start3A, %dma_start3A_160] : memref<4x64x128xf32, #tpu.memory_space<vmem>> -> memref<1x64x128xf32, #tpu.memory_space<vmem>>
      %dma_start3A_162 = tpu.memref_squeeze %dma_start3A_161 : memref<1x64x128xf32, #tpu.memory_space<vmem>> -> memref<64x128xf32, #tpu.memory_space<vmem>>
      %dma_start3A_163 = arith.constant 0 : i32
      %dma_start3A_164 = tpu.memref_slice %arg7[%add3A_115, %dma_start3A_163] : memref<10240x128xf32, #tpu.memory_space<vmem_shared>> -> memref<64x128xf32, #tpu.memory_space<vmem_shared>>
      %dma_start3A_165 = arith.constant 0 : i32
      %dma_start3A_166 = arith.constant 0 : i32
      %dma_start3A_167 = tpu.memref_slice %arg10[%run_scoped3A_116, %dma_start3A_165, %dma_start3A_166] : memref<4x64x128xf32, #tpu.memory_space<vmem>> -> memref<1x64x128xf32, #tpu.memory_space<vmem>>
      %dma_start3A_168 = tpu.memref_squeeze %dma_start3A_167 : memref<1x64x128xf32, #tpu.memory_space<vmem>> -> memref<64x128xf32, #tpu.memory_space<vmem>>
      %dma_start3A_169 = arith.constant 0 : i32
      %dma_start3A_170 = tpu.memref_slice %arg7[%add3A_115, %dma_start3A_169] : memref<10240x128xf32, #tpu.memory_space<vmem_shared>> -> memref<64x128xf32, #tpu.memory_space<vmem_shared>>
      tpu.enqueue_dma source(%dma_start3A_170 : memref<64x128xf32, #tpu.memory_space<vmem_shared>>) target(%dma_start3A_168 : memref<64x128xf32, #tpu.memory_space<vmem>>) target_semaphore(%run_scoped3A_159 : memref<!tpu.dma_semaphore, #tpu.memory_space<semaphore_mem>>)
      %dma_wait3A = arith.constant 0 : i32
      %dma_wait3A_171 = arith.constant 0 : i32
      %dma_wait3A_172 = tpu.memref_slice %arg10[%run_scoped3A_116, %dma_wait3A, %dma_wait3A_171] : memref<4x64x128xf32, #tpu.memory_space<vmem>> -> memref<1x64x128xf32, #tpu.memory_space<vmem>>
      %dma_wait3A_173 = tpu.memref_squeeze %dma_wait3A_172 : memref<1x64x128xf32, #tpu.memory_space<vmem>> -> memref<64x128xf32, #tpu.memory_space<vmem>>
      %dma_wait3A_174 = arith.constant 0 : i32
      %dma_wait3A_175 = tpu.memref_slice %arg7[%add3A_115, %dma_wait3A_174] : memref<10240x128xf32, #tpu.memory_space<vmem_shared>> -> memref<64x128xf32, #tpu.memory_space<vmem_shared>>
      %dma_wait3A_176 = arith.constant 0 : i32
      %dma_wait3A_177 = arith.constant 0 : i32
      %dma_wait3A_178 = tpu.memref_slice %arg10[%run_scoped3A_116, %dma_wait3A_176, %dma_wait3A_177] : memref<4x64x128xf32, #tpu.memory_space<vmem>> -> memref<1x64x128xf32, #tpu.memory_space<vmem>>
      %dma_wait3A_179 = tpu.memref_squeeze %dma_wait3A_178 : memref<1x64x128xf32, #tpu.memory_space<vmem>> -> memref<64x128xf32, #tpu.memory_space<vmem>>
      %dma_wait3A_180 = arith.constant 0 : i32
      %dma_wait3A_181 = tpu.memref_slice %arg7[%add3A_115, %dma_wait3A_180] : memref<10240x128xf32, #tpu.memory_space<vmem_shared>> -> memref<64x128xf32, #tpu.memory_space<vmem_shared>>
      tpu.wait_dma2 semaphore(%run_scoped3A_159 : memref<!tpu.dma_semaphore, #tpu.memory_space<semaphore_mem>>) src(%dma_wait3A_181 : memref<64x128xf32, #tpu.memory_space<vmem_shared>>) dst(%dma_wait3A_179 : memref<64x128xf32, #tpu.memory_space<vmem>>)
      tpu.yield
    }) : () -> ()
    %mul3A_117 = arith.constant 10240 : i32
    %mul3A_118 = arith.muli %arg0, %mul3A_117 : i32
    %add3A_119 = arith.addi %mul3A_118, %mul3A_66 : i32
    %add3A_120 = arith.constant 320 : i32
    %add3A_121 = arith.addi %add3A_119, %add3A_120 : i32
    %run_scoped3A_122 = arith.constant 0 : i32
    "tpu.region"() ({
      %run_scoped3A_159 = tpu.sem_alloc : memref<!tpu.dma_semaphore, #tpu.memory_space<semaphore_mem>>
      %dma_start3A = arith.constant 0 : i32
      %dma_start3A_160 = arith.constant 0 : i32
      %dma_start3A_161 = tpu.memref_slice %arg10[%run_scoped3A_122, %dma_start3A, %dma_start3A_160] : memref<4x64x128xf32, #tpu.memory_space<vmem>> -> memref<1x64x128xf32, #tpu.memory_space<vmem>>
      %dma_start3A_162 = tpu.memref_squeeze %dma_start3A_161 : memref<1x64x128xf32, #tpu.memory_space<vmem>> -> memref<64x128xf32, #tpu.memory_space<vmem>>
      %dma_start3A_163 = arith.constant 0 : i32
      %dma_start3A_164 = tpu.memref_slice %arg5[%add3A_121, %dma_start3A_163] : memref<20480x128xf32, #tpu.memory_space<hbm>> -> memref<64x128xf32, #tpu.memory_space<hbm>>
      %dma_start3A_165 = arith.constant 0 : i32
      %dma_start3A_166 = tpu.memref_slice %arg5[%add3A_121, %dma_start3A_165] : memref<20480x128xf32, #tpu.memory_space<hbm>> -> memref<64x128xf32, #tpu.memory_space<hbm>>
      %dma_start3A_167 = arith.constant 0 : i32
      %dma_start3A_168 = arith.constant 0 : i32
      %dma_start3A_169 = tpu.memref_slice %arg10[%run_scoped3A_122, %dma_start3A_167, %dma_start3A_168] : memref<4x64x128xf32, #tpu.memory_space<vmem>> -> memref<1x64x128xf32, #tpu.memory_space<vmem>>
      %dma_start3A_170 = tpu.memref_squeeze %dma_start3A_169 : memref<1x64x128xf32, #tpu.memory_space<vmem>> -> memref<64x128xf32, #tpu.memory_space<vmem>>
      tpu.enqueue_dma source(%dma_start3A_170 : memref<64x128xf32, #tpu.memory_space<vmem>>) target(%dma_start3A_166 : memref<64x128xf32, #tpu.memory_space<hbm>>) target_semaphore(%run_scoped3A_159 : memref<!tpu.dma_semaphore, #tpu.memory_space<semaphore_mem>>)
      %dma_wait3A = arith.constant 0 : i32
      %dma_wait3A_171 = arith.constant 0 : i32
      %dma_wait3A_172 = tpu.memref_slice %arg10[%run_scoped3A_122, %dma_wait3A, %dma_wait3A_171] : memref<4x64x128xf32, #tpu.memory_space<vmem>> -> memref<1x64x128xf32, #tpu.memory_space<vmem>>
      %dma_wait3A_173 = tpu.memref_squeeze %dma_wait3A_172 : memref<1x64x128xf32, #tpu.memory_space<vmem>> -> memref<64x128xf32, #tpu.memory_space<vmem>>
      %dma_wait3A_174 = arith.constant 0 : i32
      %dma_wait3A_175 = tpu.memref_slice %arg5[%add3A_121, %dma_wait3A_174] : memref<20480x128xf32, #tpu.memory_space<hbm>> -> memref<64x128xf32, #tpu.memory_space<hbm>>
      %dma_wait3A_176 = arith.constant 0 : i32
      %dma_wait3A_177 = tpu.memref_slice %arg5[%add3A_121, %dma_wait3A_176] : memref<20480x128xf32, #tpu.memory_space<hbm>> -> memref<64x128xf32, #tpu.memory_space<hbm>>
      %dma_wait3A_178 = arith.constant 0 : i32
      %dma_wait3A_179 = arith.constant 0 : i32
      %dma_wait3A_180 = tpu.memref_slice %arg10[%run_scoped3A_122, %dma_wait3A_178, %dma_wait3A_179] : memref<4x64x128xf32, #tpu.memory_space<vmem>> -> memref<1x64x128xf32, #tpu.memory_space<vmem>>
      %dma_wait3A_181 = tpu.memref_squeeze %dma_wait3A_180 : memref<1x64x128xf32, #tpu.memory_space<vmem>> -> memref<64x128xf32, #tpu.memory_space<vmem>>
      tpu.wait_dma2 semaphore(%run_scoped3A_159 : memref<!tpu.dma_semaphore, #tpu.memory_space<semaphore_mem>>) src(%dma_wait3A_181 : memref<64x128xf32, #tpu.memory_space<vmem>>) dst(%dma_wait3A_177 : memref<64x128xf32, #tpu.memory_space<hbm>>)
      tpu.yield
    }) : () -> ()
    %add3A_123 = arith.constant 384 : i32
    %add3A_124 = arith.addi %mul3A_66, %add3A_123 : i32
    %run_scoped3A_125 = arith.constant 0 : i32
    "tpu.region"() ({
      %run_scoped3A_159 = tpu.sem_alloc : memref<!tpu.dma_semaphore, #tpu.memory_space<semaphore_mem>>
      %dma_start3A = arith.constant 0 : i32
      %dma_start3A_160 = arith.constant 0 : i32
      %dma_start3A_161 = tpu.memref_slice %arg10[%run_scoped3A_125, %dma_start3A, %dma_start3A_160] : memref<4x64x128xf32, #tpu.memory_space<vmem>> -> memref<1x64x128xf32, #tpu.memory_space<vmem>>
      %dma_start3A_162 = tpu.memref_squeeze %dma_start3A_161 : memref<1x64x128xf32, #tpu.memory_space<vmem>> -> memref<64x128xf32, #tpu.memory_space<vmem>>
      %dma_start3A_163 = arith.constant 0 : i32
      %dma_start3A_164 = tpu.memref_slice %arg7[%add3A_124, %dma_start3A_163] : memref<10240x128xf32, #tpu.memory_space<vmem_shared>> -> memref<64x128xf32, #tpu.memory_space<vmem_shared>>
      %dma_start3A_165 = arith.constant 0 : i32
      %dma_start3A_166 = arith.constant 0 : i32
      %dma_start3A_167 = tpu.memref_slice %arg10[%run_scoped3A_125, %dma_start3A_165, %dma_start3A_166] : memref<4x64x128xf32, #tpu.memory_space<vmem>> -> memref<1x64x128xf32, #tpu.memory_space<vmem>>
      %dma_start3A_168 = tpu.memref_squeeze %dma_start3A_167 : memref<1x64x128xf32, #tpu.memory_space<vmem>> -> memref<64x128xf32, #tpu.memory_space<vmem>>
      %dma_start3A_169 = arith.constant 0 : i32
      %dma_start3A_170 = tpu.memref_slice %arg7[%add3A_124, %dma_start3A_169] : memref<10240x128xf32, #tpu.memory_space<vmem_shared>> -> memref<64x128xf32, #tpu.memory_space<vmem_shared>>
      tpu.enqueue_dma source(%dma_start3A_170 : memref<64x128xf32, #tpu.memory_space<vmem_shared>>) target(%dma_start3A_168 : memref<64x128xf32, #tpu.memory_space<vmem>>) target_semaphore(%run_scoped3A_159 : memref<!tpu.dma_semaphore, #tpu.memory_space<semaphore_mem>>)
      %dma_wait3A = arith.constant 0 : i32
      %dma_wait3A_171 = arith.constant 0 : i32
      %dma_wait3A_172 = tpu.memref_slice %arg10[%run_scoped3A_125, %dma_wait3A, %dma_wait3A_171] : memref<4x64x128xf32, #tpu.memory_space<vmem>> -> memref<1x64x128xf32, #tpu.memory_space<vmem>>
      %dma_wait3A_173 = tpu.memref_squeeze %dma_wait3A_172 : memref<1x64x128xf32, #tpu.memory_space<vmem>> -> memref<64x128xf32, #tpu.memory_space<vmem>>
      %dma_wait3A_174 = arith.constant 0 : i32
      %dma_wait3A_175 = tpu.memref_slice %arg7[%add3A_124, %dma_wait3A_174] : memref<10240x128xf32, #tpu.memory_space<vmem_shared>> -> memref<64x128xf32, #tpu.memory_space<vmem_shared>>
      %dma_wait3A_176 = arith.constant 0 : i32
      %dma_wait3A_177 = arith.constant 0 : i32
      %dma_wait3A_178 = tpu.memref_slice %arg10[%run_scoped3A_125, %dma_wait3A_176, %dma_wait3A_177] : memref<4x64x128xf32, #tpu.memory_space<vmem>> -> memref<1x64x128xf32, #tpu.memory_space<vmem>>
      %dma_wait3A_179 = tpu.memref_squeeze %dma_wait3A_178 : memref<1x64x128xf32, #tpu.memory_space<vmem>> -> memref<64x128xf32, #tpu.memory_space<vmem>>
      %dma_wait3A_180 = arith.constant 0 : i32
      %dma_wait3A_181 = tpu.memref_slice %arg7[%add3A_124, %dma_wait3A_180] : memref<10240x128xf32, #tpu.memory_space<vmem_shared>> -> memref<64x128xf32, #tpu.memory_space<vmem_shared>>
      tpu.wait_dma2 semaphore(%run_scoped3A_159 : memref<!tpu.dma_semaphore, #tpu.memory_space<semaphore_mem>>) src(%dma_wait3A_181 : memref<64x128xf32, #tpu.memory_space<vmem_shared>>) dst(%dma_wait3A_179 : memref<64x128xf32, #tpu.memory_space<vmem>>)
      tpu.yield
    }) : () -> ()
    %mul3A_126 = arith.constant 10240 : i32
    %mul3A_127 = arith.muli %arg0, %mul3A_126 : i32
    %add3A_128 = arith.addi %mul3A_127, %mul3A_66 : i32
    %add3A_129 = arith.constant 384 : i32
    %add3A_130 = arith.addi %add3A_128, %add3A_129 : i32
    %run_scoped3A_131 = arith.constant 0 : i32
    "tpu.region"() ({
      %run_scoped3A_159 = tpu.sem_alloc : memref<!tpu.dma_semaphore, #tpu.memory_space<semaphore_mem>>
      %dma_start3A = arith.constant 0 : i32
      %dma_start3A_160 = arith.constant 0 : i32
      %dma_start3A_161 = tpu.memref_slice %arg10[%run_scoped3A_131, %dma_start3A, %dma_start3A_160] : memref<4x64x128xf32, #tpu.memory_space<vmem>> -> memref<1x64x128xf32, #tpu.memory_space<vmem>>
      %dma_start3A_162 = tpu.memref_squeeze %dma_start3A_161 : memref<1x64x128xf32, #tpu.memory_space<vmem>> -> memref<64x128xf32, #tpu.memory_space<vmem>>
      %dma_start3A_163 = arith.constant 0 : i32
      %dma_start3A_164 = tpu.memref_slice %arg5[%add3A_130, %dma_start3A_163] : memref<20480x128xf32, #tpu.memory_space<hbm>> -> memref<64x128xf32, #tpu.memory_space<hbm>>
      %dma_start3A_165 = arith.constant 0 : i32
      %dma_start3A_166 = tpu.memref_slice %arg5[%add3A_130, %dma_start3A_165] : memref<20480x128xf32, #tpu.memory_space<hbm>> -> memref<64x128xf32, #tpu.memory_space<hbm>>
      %dma_start3A_167 = arith.constant 0 : i32
      %dma_start3A_168 = arith.constant 0 : i32
      %dma_start3A_169 = tpu.memref_slice %arg10[%run_scoped3A_131, %dma_start3A_167, %dma_start3A_168] : memref<4x64x128xf32, #tpu.memory_space<vmem>> -> memref<1x64x128xf32, #tpu.memory_space<vmem>>
      %dma_start3A_170 = tpu.memref_squeeze %dma_start3A_169 : memref<1x64x128xf32, #tpu.memory_space<vmem>> -> memref<64x128xf32, #tpu.memory_space<vmem>>
      tpu.enqueue_dma source(%dma_start3A_170 : memref<64x128xf32, #tpu.memory_space<vmem>>) target(%dma_start3A_166 : memref<64x128xf32, #tpu.memory_space<hbm>>) target_semaphore(%run_scoped3A_159 : memref<!tpu.dma_semaphore, #tpu.memory_space<semaphore_mem>>)
      %dma_wait3A = arith.constant 0 : i32
      %dma_wait3A_171 = arith.constant 0 : i32
      %dma_wait3A_172 = tpu.memref_slice %arg10[%run_scoped3A_131, %dma_wait3A, %dma_wait3A_171] : memref<4x64x128xf32, #tpu.memory_space<vmem>> -> memref<1x64x128xf32, #tpu.memory_space<vmem>>
      %dma_wait3A_173 = tpu.memref_squeeze %dma_wait3A_172 : memref<1x64x128xf32, #tpu.memory_space<vmem>> -> memref<64x128xf32, #tpu.memory_space<vmem>>
      %dma_wait3A_174 = arith.constant 0 : i32
      %dma_wait3A_175 = tpu.memref_slice %arg5[%add3A_130, %dma_wait3A_174] : memref<20480x128xf32, #tpu.memory_space<hbm>> -> memref<64x128xf32, #tpu.memory_space<hbm>>
      %dma_wait3A_176 = arith.constant 0 : i32
      %dma_wait3A_177 = tpu.memref_slice %arg5[%add3A_130, %dma_wait3A_176] : memref<20480x128xf32, #tpu.memory_space<hbm>> -> memref<64x128xf32, #tpu.memory_space<hbm>>
      %dma_wait3A_178 = arith.constant 0 : i32
      %dma_wait3A_179 = arith.constant 0 : i32
      %dma_wait3A_180 = tpu.memref_slice %arg10[%run_scoped3A_131, %dma_wait3A_178, %dma_wait3A_179] : memref<4x64x128xf32, #tpu.memory_space<vmem>> -> memref<1x64x128xf32, #tpu.memory_space<vmem>>
      %dma_wait3A_181 = tpu.memref_squeeze %dma_wait3A_180 : memref<1x64x128xf32, #tpu.memory_space<vmem>> -> memref<64x128xf32, #tpu.memory_space<vmem>>
      tpu.wait_dma2 semaphore(%run_scoped3A_159 : memref<!tpu.dma_semaphore, #tpu.memory_space<semaphore_mem>>) src(%dma_wait3A_181 : memref<64x128xf32, #tpu.memory_space<vmem>>) dst(%dma_wait3A_177 : memref<64x128xf32, #tpu.memory_space<hbm>>)
      tpu.yield
    }) : () -> ()
    %add3A_132 = arith.constant 448 : i32
    %add3A_133 = arith.addi %mul3A_66, %add3A_132 : i32
    %run_scoped3A_134 = arith.constant 0 : i32
    "tpu.region"() ({
      %run_scoped3A_159 = tpu.sem_alloc : memref<!tpu.dma_semaphore, #tpu.memory_space<semaphore_mem>>
      %dma_start3A = arith.constant 0 : i32
      %dma_start3A_160 = arith.constant 0 : i32
      %dma_start3A_161 = tpu.memref_slice %arg10[%run_scoped3A_134, %dma_start3A, %dma_start3A_160] : memref<4x64x128xf32, #tpu.memory_space<vmem>> -> memref<1x64x128xf32, #tpu.memory_space<vmem>>
      %dma_start3A_162 = tpu.memref_squeeze %dma_start3A_161 : memref<1x64x128xf32, #tpu.memory_space<vmem>> -> memref<64x128xf32, #tpu.memory_space<vmem>>
      %dma_start3A_163 = arith.constant 0 : i32
      %dma_start3A_164 = tpu.memref_slice %arg7[%add3A_133, %dma_start3A_163] : memref<10240x128xf32, #tpu.memory_space<vmem_shared>> -> memref<64x128xf32, #tpu.memory_space<vmem_shared>>
      %dma_start3A_165 = arith.constant 0 : i32
      %dma_start3A_166 = arith.constant 0 : i32
      %dma_start3A_167 = tpu.memref_slice %arg10[%run_scoped3A_134, %dma_start3A_165, %dma_start3A_166] : memref<4x64x128xf32, #tpu.memory_space<vmem>> -> memref<1x64x128xf32, #tpu.memory_space<vmem>>
      %dma_start3A_168 = tpu.memref_squeeze %dma_start3A_167 : memref<1x64x128xf32, #tpu.memory_space<vmem>> -> memref<64x128xf32, #tpu.memory_space<vmem>>
      %dma_start3A_169 = arith.constant 0 : i32
      %dma_start3A_170 = tpu.memref_slice %arg7[%add3A_133, %dma_start3A_169] : memref<10240x128xf32, #tpu.memory_space<vmem_shared>> -> memref<64x128xf32, #tpu.memory_space<vmem_shared>>
      tpu.enqueue_dma source(%dma_start3A_170 : memref<64x128xf32, #tpu.memory_space<vmem_shared>>) target(%dma_start3A_168 : memref<64x128xf32, #tpu.memory_space<vmem>>) target_semaphore(%run_scoped3A_159 : memref<!tpu.dma_semaphore, #tpu.memory_space<semaphore_mem>>)
      %dma_wait3A = arith.constant 0 : i32
      %dma_wait3A_171 = arith.constant 0 : i32
      %dma_wait3A_172 = tpu.memref_slice %arg10[%run_scoped3A_134, %dma_wait3A, %dma_wait3A_171] : memref<4x64x128xf32, #tpu.memory_space<vmem>> -> memref<1x64x128xf32, #tpu.memory_space<vmem>>
      %dma_wait3A_173 = tpu.memref_squeeze %dma_wait3A_172 : memref<1x64x128xf32, #tpu.memory_space<vmem>> -> memref<64x128xf32, #tpu.memory_space<vmem>>
      %dma_wait3A_174 = arith.constant 0 : i32
      %dma_wait3A_175 = tpu.memref_slice %arg7[%add3A_133, %dma_wait3A_174] : memref<10240x128xf32, #tpu.memory_space<vmem_shared>> -> memref<64x128xf32, #tpu.memory_space<vmem_shared>>
      %dma_wait3A_176 = arith.constant 0 : i32
      %dma_wait3A_177 = arith.constant 0 : i32
      %dma_wait3A_178 = tpu.memref_slice %arg10[%run_scoped3A_134, %dma_wait3A_176, %dma_wait3A_177] : memref<4x64x128xf32, #tpu.memory_space<vmem>> -> memref<1x64x128xf32, #tpu.memory_space<vmem>>
      %dma_wait3A_179 = tpu.memref_squeeze %dma_wait3A_178 : memref<1x64x128xf32, #tpu.memory_space<vmem>> -> memref<64x128xf32, #tpu.memory_space<vmem>>
      %dma_wait3A_180 = arith.constant 0 : i32
      %dma_wait3A_181 = tpu.memref_slice %arg7[%add3A_133, %dma_wait3A_180] : memref<10240x128xf32, #tpu.memory_space<vmem_shared>> -> memref<64x128xf32, #tpu.memory_space<vmem_shared>>
      tpu.wait_dma2 semaphore(%run_scoped3A_159 : memref<!tpu.dma_semaphore, #tpu.memory_space<semaphore_mem>>) src(%dma_wait3A_181 : memref<64x128xf32, #tpu.memory_space<vmem_shared>>) dst(%dma_wait3A_179 : memref<64x128xf32, #tpu.memory_space<vmem>>)
      tpu.yield
    }) : () -> ()
    %mul3A_135 = arith.constant 10240 : i32
    %mul3A_136 = arith.muli %arg0, %mul3A_135 : i32
    %add3A_137 = arith.addi %mul3A_136, %mul3A_66 : i32
    %add3A_138 = arith.constant 448 : i32
    %add3A_139 = arith.addi %add3A_137, %add3A_138 : i32
    %run_scoped3A_140 = arith.constant 0 : i32
    "tpu.region"() ({
      %run_scoped3A_159 = tpu.sem_alloc : memref<!tpu.dma_semaphore, #tpu.memory_space<semaphore_mem>>
      %dma_start3A = arith.constant 0 : i32
      %dma_start3A_160 = arith.constant 0 : i32
      %dma_start3A_161 = tpu.memref_slice %arg10[%run_scoped3A_140, %dma_start3A, %dma_start3A_160] : memref<4x64x128xf32, #tpu.memory_space<vmem>> -> memref<1x64x128xf32, #tpu.memory_space<vmem>>
      %dma_start3A_162 = tpu.memref_squeeze %dma_start3A_161 : memref<1x64x128xf32, #tpu.memory_space<vmem>> -> memref<64x128xf32, #tpu.memory_space<vmem>>
      %dma_start3A_163 = arith.constant 0 : i32
      %dma_start3A_164 = tpu.memref_slice %arg5[%add3A_139, %dma_start3A_163] : memref<20480x128xf32, #tpu.memory_space<hbm>> -> memref<64x128xf32, #tpu.memory_space<hbm>>
      %dma_start3A_165 = arith.constant 0 : i32
      %dma_start3A_166 = tpu.memref_slice %arg5[%add3A_139, %dma_start3A_165] : memref<20480x128xf32, #tpu.memory_space<hbm>> -> memref<64x128xf32, #tpu.memory_space<hbm>>
      %dma_start3A_167 = arith.constant 0 : i32
      %dma_start3A_168 = arith.constant 0 : i32
      %dma_start3A_169 = tpu.memref_slice %arg10[%run_scoped3A_140, %dma_start3A_167, %dma_start3A_168] : memref<4x64x128xf32, #tpu.memory_space<vmem>> -> memref<1x64x128xf32, #tpu.memory_space<vmem>>
      %dma_start3A_170 = tpu.memref_squeeze %dma_start3A_169 : memref<1x64x128xf32, #tpu.memory_space<vmem>> -> memref<64x128xf32, #tpu.memory_space<vmem>>
      tpu.enqueue_dma source(%dma_start3A_170 : memref<64x128xf32, #tpu.memory_space<vmem>>) target(%dma_start3A_166 : memref<64x128xf32, #tpu.memory_space<hbm>>) target_semaphore(%run_scoped3A_159 : memref<!tpu.dma_semaphore, #tpu.memory_space<semaphore_mem>>)
      %dma_wait3A = arith.constant 0 : i32
      %dma_wait3A_171 = arith.constant 0 : i32
      %dma_wait3A_172 = tpu.memref_slice %arg10[%run_scoped3A_140, %dma_wait3A, %dma_wait3A_171] : memref<4x64x128xf32, #tpu.memory_space<vmem>> -> memref<1x64x128xf32, #tpu.memory_space<vmem>>
      %dma_wait3A_173 = tpu.memref_squeeze %dma_wait3A_172 : memref<1x64x128xf32, #tpu.memory_space<vmem>> -> memref<64x128xf32, #tpu.memory_space<vmem>>
      %dma_wait3A_174 = arith.constant 0 : i32
      %dma_wait3A_175 = tpu.memref_slice %arg5[%add3A_139, %dma_wait3A_174] : memref<20480x128xf32, #tpu.memory_space<hbm>> -> memref<64x128xf32, #tpu.memory_space<hbm>>
      %dma_wait3A_176 = arith.constant 0 : i32
      %dma_wait3A_177 = tpu.memref_slice %arg5[%add3A_139, %dma_wait3A_176] : memref<20480x128xf32, #tpu.memory_space<hbm>> -> memref<64x128xf32, #tpu.memory_space<hbm>>
      %dma_wait3A_178 = arith.constant 0 : i32
      %dma_wait3A_179 = arith.constant 0 : i32
      %dma_wait3A_180 = tpu.memref_slice %arg10[%run_scoped3A_140, %dma_wait3A_178, %dma_wait3A_179] : memref<4x64x128xf32, #tpu.memory_space<vmem>> -> memref<1x64x128xf32, #tpu.memory_space<vmem>>
      %dma_wait3A_181 = tpu.memref_squeeze %dma_wait3A_180 : memref<1x64x128xf32, #tpu.memory_space<vmem>> -> memref<64x128xf32, #tpu.memory_space<vmem>>
      tpu.wait_dma2 semaphore(%run_scoped3A_159 : memref<!tpu.dma_semaphore, #tpu.memory_space<semaphore_mem>>) src(%dma_wait3A_181 : memref<64x128xf32, #tpu.memory_space<vmem>>) dst(%dma_wait3A_177 : memref<64x128xf32, #tpu.memory_space<hbm>>)
      tpu.yield
    }) : () -> ()
    %add3A_141 = arith.constant 512 : i32
    %add3A_142 = arith.addi %mul3A_66, %add3A_141 : i32
    %run_scoped3A_143 = arith.constant 0 : i32
    "tpu.region"() ({
      %run_scoped3A_159 = tpu.sem_alloc : memref<!tpu.dma_semaphore, #tpu.memory_space<semaphore_mem>>
      %dma_start3A = arith.constant 0 : i32
      %dma_start3A_160 = arith.constant 0 : i32
      %dma_start3A_161 = tpu.memref_slice %arg10[%run_scoped3A_143, %dma_start3A, %dma_start3A_160] : memref<4x64x128xf32, #tpu.memory_space<vmem>> -> memref<1x64x128xf32, #tpu.memory_space<vmem>>
      %dma_start3A_162 = tpu.memref_squeeze %dma_start3A_161 : memref<1x64x128xf32, #tpu.memory_space<vmem>> -> memref<64x128xf32, #tpu.memory_space<vmem>>
      %dma_start3A_163 = arith.constant 0 : i32
      %dma_start3A_164 = tpu.memref_slice %arg7[%add3A_142, %dma_start3A_163] : memref<10240x128xf32, #tpu.memory_space<vmem_shared>> -> memref<64x128xf32, #tpu.memory_space<vmem_shared>>
      %dma_start3A_165 = arith.constant 0 : i32
      %dma_start3A_166 = arith.constant 0 : i32
      %dma_start3A_167 = tpu.memref_slice %arg10[%run_scoped3A_143, %dma_start3A_165, %dma_start3A_166] : memref<4x64x128xf32, #tpu.memory_space<vmem>> -> memref<1x64x128xf32, #tpu.memory_space<vmem>>
      %dma_start3A_168 = tpu.memref_squeeze %dma_start3A_167 : memref<1x64x128xf32, #tpu.memory_space<vmem>> -> memref<64x128xf32, #tpu.memory_space<vmem>>
      %dma_start3A_169 = arith.constant 0 : i32
      %dma_start3A_170 = tpu.memref_slice %arg7[%add3A_142, %dma_start3A_169] : memref<10240x128xf32, #tpu.memory_space<vmem_shared>> -> memref<64x128xf32, #tpu.memory_space<vmem_shared>>
      tpu.enqueue_dma source(%dma_start3A_170 : memref<64x128xf32, #tpu.memory_space<vmem_shared>>) target(%dma_start3A_168 : memref<64x128xf32, #tpu.memory_space<vmem>>) target_semaphore(%run_scoped3A_159 : memref<!tpu.dma_semaphore, #tpu.memory_space<semaphore_mem>>)
      %dma_wait3A = arith.constant 0 : i32
      %dma_wait3A_171 = arith.constant 0 : i32
      %dma_wait3A_172 = tpu.memref_slice %arg10[%run_scoped3A_143, %dma_wait3A, %dma_wait3A_171] : memref<4x64x128xf32, #tpu.memory_space<vmem>> -> memref<1x64x128xf32, #tpu.memory_space<vmem>>
      %dma_wait3A_173 = tpu.memref_squeeze %dma_wait3A_172 : memref<1x64x128xf32, #tpu.memory_space<vmem>> -> memref<64x128xf32, #tpu.memory_space<vmem>>
      %dma_wait3A_174 = arith.constant 0 : i32
      %dma_wait3A_175 = tpu.memref_slice %arg7[%add3A_142, %dma_wait3A_174] : memref<10240x128xf32, #tpu.memory_space<vmem_shared>> -> memref<64x128xf32, #tpu.memory_space<vmem_shared>>
      %dma_wait3A_176 = arith.constant 0 : i32
      %dma_wait3A_177 = arith.constant 0 : i32
      %dma_wait3A_178 = tpu.memref_slice %arg10[%run_scoped3A_143, %dma_wait3A_176, %dma_wait3A_177] : memref<4x64x128xf32, #tpu.memory_space<vmem>> -> memref<1x64x128xf32, #tpu.memory_space<vmem>>
      %dma_wait3A_179 = tpu.memref_squeeze %dma_wait3A_178 : memref<1x64x128xf32, #tpu.memory_space<vmem>> -> memref<64x128xf32, #tpu.memory_space<vmem>>
      %dma_wait3A_180 = arith.constant 0 : i32
      %dma_wait3A_181 = tpu.memref_slice %arg7[%add3A_142, %dma_wait3A_180] : memref<10240x128xf32, #tpu.memory_space<vmem_shared>> -> memref<64x128xf32, #tpu.memory_space<vmem_shared>>
      tpu.wait_dma2 semaphore(%run_scoped3A_159 : memref<!tpu.dma_semaphore, #tpu.memory_space<semaphore_mem>>) src(%dma_wait3A_181 : memref<64x128xf32, #tpu.memory_space<vmem_shared>>) dst(%dma_wait3A_179 : memref<64x128xf32, #tpu.memory_space<vmem>>)
      tpu.yield
    }) : () -> ()
    %mul3A_144 = arith.constant 10240 : i32
    %mul3A_145 = arith.muli %arg0, %mul3A_144 : i32
    %add3A_146 = arith.addi %mul3A_145, %mul3A_66 : i32
    %add3A_147 = arith.constant 512 : i32
    %add3A_148 = arith.addi %add3A_146, %add3A_147 : i32
    %run_scoped3A_149 = arith.constant 0 : i32
    "tpu.region"() ({
      %run_scoped3A_159 = tpu.sem_alloc : memref<!tpu.dma_semaphore, #tpu.memory_space<semaphore_mem>>
      %dma_start3A = arith.constant 0 : i32
      %dma_start3A_160 = arith.constant 0 : i32
      %dma_start3A_161 = tpu.memref_slice %arg10[%run_scoped3A_149, %dma_start3A, %dma_start3A_160] : memref<4x64x128xf32, #tpu.memory_space<vmem>> -> memref<1x64x128xf32, #tpu.memory_space<vmem>>
      %dma_start3A_162 = tpu.memref_squeeze %dma_start3A_161 : memref<1x64x128xf32, #tpu.memory_space<vmem>> -> memref<64x128xf32, #tpu.memory_space<vmem>>
      %dma_start3A_163 = arith.constant 0 : i32
      %dma_start3A_164 = tpu.memref_slice %arg5[%add3A_148, %dma_start3A_163] : memref<20480x128xf32, #tpu.memory_space<hbm>> -> memref<64x128xf32, #tpu.memory_space<hbm>>
      %dma_start3A_165 = arith.constant 0 : i32
      %dma_start3A_166 = tpu.memref_slice %arg5[%add3A_148, %dma_start3A_165] : memref<20480x128xf32, #tpu.memory_space<hbm>> -> memref<64x128xf32, #tpu.memory_space<hbm>>
      %dma_start3A_167 = arith.constant 0 : i32
      %dma_start3A_168 = arith.constant 0 : i32
      %dma_start3A_169 = tpu.memref_slice %arg10[%run_scoped3A_149, %dma_start3A_167, %dma_start3A_168] : memref<4x64x128xf32, #tpu.memory_space<vmem>> -> memref<1x64x128xf32, #tpu.memory_space<vmem>>
      %dma_start3A_170 = tpu.memref_squeeze %dma_start3A_169 : memref<1x64x128xf32, #tpu.memory_space<vmem>> -> memref<64x128xf32, #tpu.memory_space<vmem>>
      tpu.enqueue_dma source(%dma_start3A_170 : memref<64x128xf32, #tpu.memory_space<vmem>>) target(%dma_start3A_166 : memref<64x128xf32, #tpu.memory_space<hbm>>) target_semaphore(%run_scoped3A_159 : memref<!tpu.dma_semaphore, #tpu.memory_space<semaphore_mem>>)
      %dma_wait3A = arith.constant 0 : i32
      %dma_wait3A_171 = arith.constant 0 : i32
      %dma_wait3A_172 = tpu.memref_slice %arg10[%run_scoped3A_149, %dma_wait3A, %dma_wait3A_171] : memref<4x64x128xf32, #tpu.memory_space<vmem>> -> memref<1x64x128xf32, #tpu.memory_space<vmem>>
      %dma_wait3A_173 = tpu.memref_squeeze %dma_wait3A_172 : memref<1x64x128xf32, #tpu.memory_space<vmem>> -> memref<64x128xf32, #tpu.memory_space<vmem>>
      %dma_wait3A_174 = arith.constant 0 : i32
      %dma_wait3A_175 = tpu.memref_slice %arg5[%add3A_148, %dma_wait3A_174] : memref<20480x128xf32, #tpu.memory_space<hbm>> -> memref<64x128xf32, #tpu.memory_space<hbm>>
      %dma_wait3A_176 = arith.constant 0 : i32
      %dma_wait3A_177 = tpu.memref_slice %arg5[%add3A_148, %dma_wait3A_176] : memref<20480x128xf32, #tpu.memory_space<hbm>> -> memref<64x128xf32, #tpu.memory_space<hbm>>
      %dma_wait3A_178 = arith.constant 0 : i32
      %dma_wait3A_179 = arith.constant 0 : i32
      %dma_wait3A_180 = tpu.memref_slice %arg10[%run_scoped3A_149, %dma_wait3A_178, %dma_wait3A_179] : memref<4x64x128xf32, #tpu.memory_space<vmem>> -> memref<1x64x128xf32, #tpu.memory_space<vmem>>
      %dma_wait3A_181 = tpu.memref_squeeze %dma_wait3A_180 : memref<1x64x128xf32, #tpu.memory_space<vmem>> -> memref<64x128xf32, #tpu.memory_space<vmem>>
      tpu.wait_dma2 semaphore(%run_scoped3A_159 : memref<!tpu.dma_semaphore, #tpu.memory_space<semaphore_mem>>) src(%dma_wait3A_181 : memref<64x128xf32, #tpu.memory_space<vmem>>) dst(%dma_wait3A_177 : memref<64x128xf32, #tpu.memory_space<hbm>>)
      tpu.yield
    }) : () -> ()
    %add3A_150 = arith.constant 576 : i32
    %add3A_151 = arith.addi %mul3A_66, %add3A_150 : i32
    %run_scoped3A_152 = arith.constant 0 : i32
    "tpu.region"() ({
      %run_scoped3A_159 = tpu.sem_alloc : memref<!tpu.dma_semaphore, #tpu.memory_space<semaphore_mem>>
      %dma_start3A = arith.constant 0 : i32
      %dma_start3A_160 = arith.constant 0 : i32
      %dma_start3A_161 = tpu.memref_slice %arg10[%run_scoped3A_152, %dma_start3A, %dma_start3A_160] : memref<4x64x128xf32, #tpu.memory_space<vmem>> -> memref<1x64x128xf32, #tpu.memory_space<vmem>>
      %dma_start3A_162 = tpu.memref_squeeze %dma_start3A_161 : memref<1x64x128xf32, #tpu.memory_space<vmem>> -> memref<64x128xf32, #tpu.memory_space<vmem>>
      %dma_start3A_163 = arith.constant 0 : i32
      %dma_start3A_164 = tpu.memref_slice %arg7[%add3A_151, %dma_start3A_163] : memref<10240x128xf32, #tpu.memory_space<vmem_shared>> -> memref<64x128xf32, #tpu.memory_space<vmem_shared>>
      %dma_start3A_165 = arith.constant 0 : i32
      %dma_start3A_166 = arith.constant 0 : i32
      %dma_start3A_167 = tpu.memref_slice %arg10[%run_scoped3A_152, %dma_start3A_165, %dma_start3A_166] : memref<4x64x128xf32, #tpu.memory_space<vmem>> -> memref<1x64x128xf32, #tpu.memory_space<vmem>>
      %dma_start3A_168 = tpu.memref_squeeze %dma_start3A_167 : memref<1x64x128xf32, #tpu.memory_space<vmem>> -> memref<64x128xf32, #tpu.memory_space<vmem>>
      %dma_start3A_169 = arith.constant 0 : i32
      %dma_start3A_170 = tpu.memref_slice %arg7[%add3A_151, %dma_start3A_169] : memref<10240x128xf32, #tpu.memory_space<vmem_shared>> -> memref<64x128xf32, #tpu.memory_space<vmem_shared>>
      tpu.enqueue_dma source(%dma_start3A_170 : memref<64x128xf32, #tpu.memory_space<vmem_shared>>) target(%dma_start3A_168 : memref<64x128xf32, #tpu.memory_space<vmem>>) target_semaphore(%run_scoped3A_159 : memref<!tpu.dma_semaphore, #tpu.memory_space<semaphore_mem>>)
      %dma_wait3A = arith.constant 0 : i32
      %dma_wait3A_171 = arith.constant 0 : i32
      %dma_wait3A_172 = tpu.memref_slice %arg10[%run_scoped3A_152, %dma_wait3A, %dma_wait3A_171] : memref<4x64x128xf32, #tpu.memory_space<vmem>> -> memref<1x64x128xf32, #tpu.memory_space<vmem>>
      %dma_wait3A_173 = tpu.memref_squeeze %dma_wait3A_172 : memref<1x64x128xf32, #tpu.memory_space<vmem>> -> memref<64x128xf32, #tpu.memory_space<vmem>>
      %dma_wait3A_174 = arith.constant 0 : i32
      %dma_wait3A_175 = tpu.memref_slice %arg7[%add3A_151, %dma_wait3A_174] : memref<10240x128xf32, #tpu.memory_space<vmem_shared>> -> memref<64x128xf32, #tpu.memory_space<vmem_shared>>
      %dma_wait3A_176 = arith.constant 0 : i32
      %dma_wait3A_177 = arith.constant 0 : i32
      %dma_wait3A_178 = tpu.memref_slice %arg10[%run_scoped3A_152, %dma_wait3A_176, %dma_wait3A_177] : memref<4x64x128xf32, #tpu.memory_space<vmem>> -> memref<1x64x128xf32, #tpu.memory_space<vmem>>
      %dma_wait3A_179 = tpu.memref_squeeze %dma_wait3A_178 : memref<1x64x128xf32, #tpu.memory_space<vmem>> -> memref<64x128xf32, #tpu.memory_space<vmem>>
      %dma_wait3A_180 = arith.constant 0 : i32
      %dma_wait3A_181 = tpu.memref_slice %arg7[%add3A_151, %dma_wait3A_180] : memref<10240x128xf32, #tpu.memory_space<vmem_shared>> -> memref<64x128xf32, #tpu.memory_space<vmem_shared>>
      tpu.wait_dma2 semaphore(%run_scoped3A_159 : memref<!tpu.dma_semaphore, #tpu.memory_space<semaphore_mem>>) src(%dma_wait3A_181 : memref<64x128xf32, #tpu.memory_space<vmem_shared>>) dst(%dma_wait3A_179 : memref<64x128xf32, #tpu.memory_space<vmem>>)
      tpu.yield
    }) : () -> ()
    %mul3A_153 = arith.constant 10240 : i32
    %mul3A_154 = arith.muli %arg0, %mul3A_153 : i32
    %add3A_155 = arith.addi %mul3A_154, %mul3A_66 : i32
    %add3A_156 = arith.constant 576 : i32
    %add3A_157 = arith.addi %add3A_155, %add3A_156 : i32
    %run_scoped3A_158 = arith.constant 0 : i32
    "tpu.region"() ({
      %run_scoped3A_159 = tpu.sem_alloc : memref<!tpu.dma_semaphore, #tpu.memory_space<semaphore_mem>>
      %dma_start3A = arith.constant 0 : i32
      %dma_start3A_160 = arith.constant 0 : i32
      %dma_start3A_161 = tpu.memref_slice %arg10[%run_scoped3A_158, %dma_start3A, %dma_start3A_160] : memref<4x64x128xf32, #tpu.memory_space<vmem>> -> memref<1x64x128xf32, #tpu.memory_space<vmem>>
      %dma_start3A_162 = tpu.memref_squeeze %dma_start3A_161 : memref<1x64x128xf32, #tpu.memory_space<vmem>> -> memref<64x128xf32, #tpu.memory_space<vmem>>
      %dma_start3A_163 = arith.constant 0 : i32
      %dma_start3A_164 = tpu.memref_slice %arg5[%add3A_157, %dma_start3A_163] : memref<20480x128xf32, #tpu.memory_space<hbm>> -> memref<64x128xf32, #tpu.memory_space<hbm>>
      %dma_start3A_165 = arith.constant 0 : i32
      %dma_start3A_166 = tpu.memref_slice %arg5[%add3A_157, %dma_start3A_165] : memref<20480x128xf32, #tpu.memory_space<hbm>> -> memref<64x128xf32, #tpu.memory_space<hbm>>
      %dma_start3A_167 = arith.constant 0 : i32
      %dma_start3A_168 = arith.constant 0 : i32
      %dma_start3A_169 = tpu.memref_slice %arg10[%run_scoped3A_158, %dma_start3A_167, %dma_start3A_168] : memref<4x64x128xf32, #tpu.memory_space<vmem>> -> memref<1x64x128xf32, #tpu.memory_space<vmem>>
      %dma_start3A_170 = tpu.memref_squeeze %dma_start3A_169 : memref<1x64x128xf32, #tpu.memory_space<vmem>> -> memref<64x128xf32, #tpu.memory_space<vmem>>
      tpu.enqueue_dma source(%dma_start3A_170 : memref<64x128xf32, #tpu.memory_space<vmem>>) target(%dma_start3A_166 : memref<64x128xf32, #tpu.memory_space<hbm>>) target_semaphore(%run_scoped3A_159 : memref<!tpu.dma_semaphore, #tpu.memory_space<semaphore_mem>>)
      %dma_wait3A = arith.constant 0 : i32
      %dma_wait3A_171 = arith.constant 0 : i32
      %dma_wait3A_172 = tpu.memref_slice %arg10[%run_scoped3A_158, %dma_wait3A, %dma_wait3A_171] : memref<4x64x128xf32, #tpu.memory_space<vmem>> -> memref<1x64x128xf32, #tpu.memory_space<vmem>>
      %dma_wait3A_173 = tpu.memref_squeeze %dma_wait3A_172 : memref<1x64x128xf32, #tpu.memory_space<vmem>> -> memref<64x128xf32, #tpu.memory_space<vmem>>
      %dma_wait3A_174 = arith.constant 0 : i32
      %dma_wait3A_175 = tpu.memref_slice %arg5[%add3A_157, %dma_wait3A_174] : memref<20480x128xf32, #tpu.memory_space<hbm>> -> memref<64x128xf32, #tpu.memory_space<hbm>>
      %dma_wait3A_176 = arith.constant 0 : i32
      %dma_wait3A_177 = tpu.memref_slice %arg5[%add3A_157, %dma_wait3A_176] : memref<20480x128xf32, #tpu.memory_space<hbm>> -> memref<64x128xf32, #tpu.memory_space<hbm>>
      %dma_wait3A_178 = arith.constant 0 : i32
      %dma_wait3A_179 = arith.constant 0 : i32
      %dma_wait3A_180 = tpu.memref_slice %arg10[%run_scoped3A_158, %dma_wait3A_178, %dma_wait3A_179] : memref<4x64x128xf32, #tpu.memory_space<vmem>> -> memref<1x64x128xf32, #tpu.memory_space<vmem>>
      %dma_wait3A_181 = tpu.memref_squeeze %dma_wait3A_180 : memref<1x64x128xf32, #tpu.memory_space<vmem>> -> memref<64x128xf32, #tpu.memory_space<vmem>>
      tpu.wait_dma2 semaphore(%run_scoped3A_159 : memref<!tpu.dma_semaphore, #tpu.memory_space<semaphore_mem>>) src(%dma_wait3A_181 : memref<64x128xf32, #tpu.memory_space<vmem>>) dst(%dma_wait3A_177 : memref<64x128xf32, #tpu.memory_space<hbm>>)
      tpu.yield
    }) : () -> ()
    return
  }
}

module attributes {stable_mosaic.version = 14 : i64} {
  func.func @_mlp_body(%arg0: i32, %arg1: memref<1000x256xf32, #tpu.memory_space<vmem>>, %arg2: memref<256x256xf32, #tpu.memory_space<vmem>>, %arg3: memref<1x256xf32, #tpu.memory_space<vmem>>, %arg4: memref<256x256xf32, #tpu.memory_space<vmem>>, %arg5: memref<1x256xf32, #tpu.memory_space<vmem>>, %arg6: memref<256x256xf32, #tpu.memory_space<vmem>>, %arg7: memref<1x256xf32, #tpu.memory_space<vmem>>, %arg8: memref<1000x256xf32, #tpu.memory_space<vmem>>, %arg9: memref<2x1000x128xf32, #tpu.memory_space<vmem>>) attributes {dimension_semantics = [#tpu.dimension_semantics<arbitrary>], iteration_bounds = array<i64: 10>, scalar_prefetch = 0 : i64, scratch_operands = 0 : i64, tpu.core_type = #tpu.core_type<tc>, window_params = [{transform_indices = @transform_0, window_bounds = array<i64: 1000, 256>}, {pipeline_mode = #tpu.pipeline_mode<synchronous>, transform_indices = @transform_1, window_bounds = array<i64: 256, 256>}, {pipeline_mode = #tpu.pipeline_mode<synchronous>, transform_indices = @transform_2, window_bounds = array<i64: 1, 256>}, {pipeline_mode = #tpu.pipeline_mode<synchronous>, transform_indices = @transform_3, window_bounds = array<i64: 256, 256>}, {pipeline_mode = #tpu.pipeline_mode<synchronous>, transform_indices = @transform_4, window_bounds = array<i64: 1, 256>}, {pipeline_mode = #tpu.pipeline_mode<synchronous>, transform_indices = @transform_5, window_bounds = array<i64: 256, 256>}, {pipeline_mode = #tpu.pipeline_mode<synchronous>, transform_indices = @transform_6, window_bounds = array<i64: 1, 256>}, {transform_indices = @transform_7, window_bounds = array<i64: 1000, 256>}, {transform_indices = @transform_8, window_bounds = array<i64: 2, 1000, 128>}]} {
    %get3A = arith.constant 0 : index
    %get3A_0 = arith.constant 0 : index
    %get3A_1 = vector.load %arg1[%get3A, %get3A_0] : memref<1000x256xf32, #tpu.memory_space<vmem>>, vector<1000x256xf32>
    %get3A_2 = arith.constant 0 : index
    %get3A_3 = arith.constant 0 : index
    %get3A_4 = vector.load %arg2[%get3A_2, %get3A_3] : memref<256x256xf32, #tpu.memory_space<vmem>>, vector<256x256xf32>
    %dot_general3A = arith.constant dense<0.000000e+00> : vector<1000x256xf32>
    %dot_general3A_5 = tpu.matmul %get3A_1, %get3A_4, %dot_general3A {dimension_numbers = #tpu.dot_dimension_numbers<[1], [0], [0], [1], [0, 0, 1, 1], [], []>, transpose_lhs_hint = false} : vector<1000x256xf32>, vector<256x256xf32>, vector<1000x256xf32> -> vector<1000x256xf32>
    %get3A_6 = arith.constant 0 : index
    %get3A_7 = arith.constant 0 : index
    %get3A_8 = vector.load %arg3[%get3A_6, %get3A_7] : memref<1x256xf32, #tpu.memory_space<vmem>>, vector<1x256xf32>
    %add3A = vector.broadcast %get3A_8 : vector<1x256xf32> to vector<1000x256xf32>
    %add3A_9 = arith.addf %dot_general3A_5, %add3A : vector<1000x256xf32>
    %max3A = arith.constant 0.000000e+00 : f32
    %max3A_10 = vector.broadcast %max3A : f32 to vector<1000x256xf32>
    %max3A_11 = arith.maximumf %add3A_9, %max3A_10 : vector<1000x256xf32>
    %get3A_12 = arith.constant 0 : index
    %get3A_13 = arith.constant 0 : index
    %get3A_14 = vector.load %arg4[%get3A_12, %get3A_13] : memref<256x256xf32, #tpu.memory_space<vmem>>, vector<256x256xf32>
    %dot_general3A_15 = arith.constant dense<0.000000e+00> : vector<1000x256xf32>
    %dot_general3A_16 = tpu.matmul %max3A_11, %get3A_14, %dot_general3A_15 {dimension_numbers = #tpu.dot_dimension_numbers<[1], [0], [0], [1], [0, 0, 1, 1], [], []>, transpose_lhs_hint = false} : vector<1000x256xf32>, vector<256x256xf32>, vector<1000x256xf32> -> vector<1000x256xf32>
    %get3A_17 = arith.constant 0 : index
    %get3A_18 = arith.constant 0 : index
    %get3A_19 = vector.load %arg5[%get3A_17, %get3A_18] : memref<1x256xf32, #tpu.memory_space<vmem>>, vector<1x256xf32>
    %add3A_20 = vector.broadcast %get3A_19 : vector<1x256xf32> to vector<1000x256xf32>
    %add3A_21 = arith.addf %dot_general3A_16, %add3A_20 : vector<1000x256xf32>
    %max3A_22 = arith.constant 0.000000e+00 : f32
    %max3A_23 = vector.broadcast %max3A_22 : f32 to vector<1000x256xf32>
    %max3A_24 = arith.maximumf %add3A_21, %max3A_23 : vector<1000x256xf32>
    %get3A_25 = arith.constant 0 : index
    %get3A_26 = arith.constant 0 : index
    %get3A_27 = vector.load %arg6[%get3A_25, %get3A_26] : memref<256x256xf32, #tpu.memory_space<vmem>>, vector<256x256xf32>
    %dot_general3A_28 = arith.constant dense<0.000000e+00> : vector<1000x256xf32>
    %dot_general3A_29 = tpu.matmul %max3A_24, %get3A_27, %dot_general3A_28 {dimension_numbers = #tpu.dot_dimension_numbers<[1], [0], [0], [1], [0, 0, 1, 1], [], []>, transpose_lhs_hint = false} : vector<1000x256xf32>, vector<256x256xf32>, vector<1000x256xf32> -> vector<1000x256xf32>
    %get3A_30 = arith.constant 0 : index
    %get3A_31 = arith.constant 0 : index
    %get3A_32 = vector.load %arg7[%get3A_30, %get3A_31] : memref<1x256xf32, #tpu.memory_space<vmem>>, vector<1x256xf32>
    %add3A_33 = vector.broadcast %get3A_32 : vector<1x256xf32> to vector<1000x256xf32>
    %add3A_34 = arith.addf %dot_general3A_29, %add3A_33 : vector<1000x256xf32>
    %swap3A = arith.constant 0 : index
    %swap3A_35 = arith.constant 0 : index
    %swap3A_36 = vector.load %arg8[%swap3A, %swap3A_35] : memref<1000x256xf32, #tpu.memory_space<vmem>>, vector<1000x256xf32>
    tpu.vector_store %arg8[%swap3A, %swap3A_35], %add3A_34 {strides = array<i32>} : memref<1000x256xf32, #tpu.memory_space<vmem>>, vector<1000x256xf32>,
    %slice3A = vector.extract_strided_slice %add3A_34 {offsets = [0, 0], sizes = [1000, 128], strides = [1, 1]} : vector<1000x256xf32> to vector<1000x128xf32>
    %slice3A_37 = vector.extract_strided_slice %add3A_34 {offsets = [0, 128], sizes = [1000, 128], strides = [1, 1]} : vector<1000x256xf32> to vector<1000x128xf32>
    %stack3A = vector.shape_cast %slice3A : vector<1000x128xf32> to vector<1x1000x128xf32>
    %stack3A_38 = vector.shape_cast %slice3A_37 : vector<1000x128xf32> to vector<1x1000x128xf32>
    %stack3A_39 = tpu.concatenate %stack3A, %stack3A_38 in 0 : vector<1x1000x128xf32>, vector<1x1000x128xf32> -> vector<2x1000x128xf32>
    %swap3A_40 = arith.constant 0 : index
    %swap3A_41 = arith.constant 0 : index
    %swap3A_42 = arith.constant 0 : index
    %swap3A_43 = vector.load %arg9[%swap3A_40, %swap3A_41, %swap3A_42] : memref<2x1000x128xf32, #tpu.memory_space<vmem>>, vector<2x1000x128xf32>
    tpu.vector_store %arg9[%swap3A_40, %swap3A_41, %swap3A_42], %stack3A_39 {strides = array<i32>} : memref<2x1000x128xf32, #tpu.memory_space<vmem>>, vector<2x1000x128xf32>,
    return
  }
  func.func @transform_0(%arg0: i32) -> (i32, i32) {
    %c0_i32 = arith.constant 0 : i32
    %c0_i32_0 = arith.constant 0 : i32
    return %arg0, %c0_i32 : i32, i32
  }
  func.func @transform_1(%arg0: i32) -> (i32, i32) {
    %c0_i32 = arith.constant 0 : i32
    %c0_i32_0 = arith.constant 0 : i32
    %c0_i32_1 = arith.constant 0 : i32
    return %c0_i32, %c0_i32_0 : i32, i32
  }
  func.func @transform_2(%arg0: i32) -> (i32, i32) {
    %c0_i32 = arith.constant 0 : i32
    %c0_i32_0 = arith.constant 0 : i32
    %c0_i32_1 = arith.constant 0 : i32
    return %c0_i32, %c0_i32_0 : i32, i32
  }
  func.func @transform_3(%arg0: i32) -> (i32, i32) {
    %c0_i32 = arith.constant 0 : i32
    %c0_i32_0 = arith.constant 0 : i32
    %c0_i32_1 = arith.constant 0 : i32
    return %c0_i32, %c0_i32_0 : i32, i32
  }
  func.func @transform_4(%arg0: i32) -> (i32, i32) {
    %c0_i32 = arith.constant 0 : i32
    %c0_i32_0 = arith.constant 0 : i32
    %c0_i32_1 = arith.constant 0 : i32
    return %c0_i32, %c0_i32_0 : i32, i32
  }
  func.func @transform_5(%arg0: i32) -> (i32, i32) {
    %c0_i32 = arith.constant 0 : i32
    %c0_i32_0 = arith.constant 0 : i32
    %c0_i32_1 = arith.constant 0 : i32
    return %c0_i32, %c0_i32_0 : i32, i32
  }
  func.func @transform_6(%arg0: i32) -> (i32, i32) {
    %c0_i32 = arith.constant 0 : i32
    %c0_i32_0 = arith.constant 0 : i32
    %c0_i32_1 = arith.constant 0 : i32
    return %c0_i32, %c0_i32_0 : i32, i32
  }
  func.func @transform_7(%arg0: i32) -> (i32, i32) {
    %c0_i32 = arith.constant 0 : i32
    %c0_i32_0 = arith.constant 0 : i32
    return %arg0, %c0_i32 : i32, i32
  }
  func.func @transform_8(%arg0: i32) -> (i32, i32, i32) {
    %c0_i32 = arith.constant 0 : i32
    %c0_i32_0 = arith.constant 0 : i32
    %c0_i32_1 = arith.constant 0 : i32
    return %c0_i32, %arg0, %c0_i32_0 : i32, i32, i32
  }
}

module attributes {stable_mosaic.version = 14 : i64} {
  func.func @_combine_body(%arg0: i32, %arg1: memref<400x256xf32, #tpu.memory_space<vmem>>, %arg2: memref<2x400x128xf32, #tpu.memory_space<vmem>>, %arg3: memref<400x16xf32, #tpu.memory_space<vmem>>, %arg4: memref<1x256xf32, #tpu.memory_space<vmem>>, %arg5: memref<400x256xf32, #tpu.memory_space<vmem>>) attributes {dimension_semantics = [#tpu.dimension_semantics<arbitrary>], iteration_bounds = array<i64: 25>, scalar_prefetch = 0 : i64, scratch_operands = 0 : i64, tpu.core_type = #tpu.core_type<tc>, window_params = [{transform_indices = @transform_0, window_bounds = array<i64: 400, 256>}, {transform_indices = @transform_1, window_bounds = array<i64: 2, 400, 128>}, {transform_indices = @transform_2, window_bounds = array<i64: 400, 16>}, {pipeline_mode = #tpu.pipeline_mode<synchronous>, transform_indices = @transform_3, window_bounds = array<i64: 1, 256>}, {transform_indices = @transform_4, window_bounds = array<i64: 400, 256>}]} {
    %get3A = arith.constant 0 : index
    %get3A_0 = arith.constant 0 : index
    %get3A_1 = vector.load %arg3[%get3A, %get3A_0] : memref<400x16xf32, #tpu.memory_space<vmem>>, vector<400x16xf32>
    %reduce_sum3A = arith.constant dense<0.000000e+00> : vector<400xf32>
    %reduce_sum3A_2 = vector.multi_reduction <add>, %get3A_1, %reduce_sum3A [1] : vector<400x16xf32> to vector<400xf32>
    %broadcast_in_dim3A = vector.shape_cast %reduce_sum3A_2 : vector<400xf32> to vector<400x1xf32>
    %max3A = arith.constant 1.000000e+00 : f32
    %max3A_3 = vector.broadcast %max3A : f32 to vector<400x1xf32>
    %max3A_4 = arith.maximumf %broadcast_in_dim3A, %max3A_3 : vector<400x1xf32>
    %get3A_5 = arith.constant 0 : index
    %get3A_6 = arith.constant 0 : index
    %get3A_7 = arith.constant 0 : index
    %get3A_8 = vector.load %arg2[%get3A_5, %get3A_6, %get3A_7] : memref<2x400x128xf32, #tpu.memory_space<vmem>>, vector<1x400x128xf32>
    %get3A_9 = vector.shape_cast %get3A_8 : vector<1x400x128xf32> to vector<400x128xf32>
    %div3A = vector.broadcast %max3A_4 : vector<400x1xf32> to vector<400x128xf32>
    %div3A_10 = arith.divf %get3A_9, %div3A : vector<400x128xf32>
    %get3A_11 = arith.constant 1 : index
    %get3A_12 = arith.constant 0 : index
    %get3A_13 = arith.constant 0 : index
    %get3A_14 = vector.load %arg2[%get3A_11, %get3A_12, %get3A_13] : memref<2x400x128xf32, #tpu.memory_space<vmem>>, vector<1x400x128xf32>
    %get3A_15 = vector.shape_cast %get3A_14 : vector<1x400x128xf32> to vector<400x128xf32>
    %div3A_16 = vector.broadcast %max3A_4 : vector<400x1xf32> to vector<400x128xf32>
    %div3A_17 = arith.divf %get3A_15, %div3A_16 : vector<400x128xf32>
    %concatenate3A = tpu.concatenate %div3A_10, %div3A_17 in 1 : vector<400x128xf32>, vector<400x128xf32> -> vector<400x256xf32>
    %get3A_18 = arith.constant 0 : index
    %get3A_19 = arith.constant 0 : index
    %get3A_20 = vector.load %arg1[%get3A_18, %get3A_19] : memref<400x256xf32, #tpu.memory_space<vmem>>, vector<400x256xf32>
    %get3A_21 = arith.constant 0 : index
    %get3A_22 = arith.constant 0 : index
    %get3A_23 = vector.load %arg4[%get3A_21, %get3A_22] : memref<1x256xf32, #tpu.memory_space<vmem>>, vector<1x256xf32>
    %mul3A = vector.broadcast %get3A_23 : vector<1x256xf32> to vector<400x256xf32>
    %mul3A_24 = arith.mulf %concatenate3A, %mul3A : vector<400x256xf32>
    %add3A = arith.addf %get3A_20, %mul3A_24 : vector<400x256xf32>
    %swap3A = arith.constant 0 : index
    %swap3A_25 = arith.constant 0 : index
    %swap3A_26 = vector.load %arg5[%swap3A, %swap3A_25] : memref<400x256xf32, #tpu.memory_space<vmem>>, vector<400x256xf32>
    tpu.vector_store %arg5[%swap3A, %swap3A_25], %add3A {strides = array<i32>} : memref<400x256xf32, #tpu.memory_space<vmem>>, vector<400x256xf32>,
    return
  }
  func.func @transform_0(%arg0: i32) -> (i32, i32) {
    %c0_i32 = arith.constant 0 : i32
    %c0_i32_0 = arith.constant 0 : i32
    return %arg0, %c0_i32 : i32, i32
  }
  func.func @transform_1(%arg0: i32) -> (i32, i32, i32) {
    %c0_i32 = arith.constant 0 : i32
    %c0_i32_0 = arith.constant 0 : i32
    %c0_i32_1 = arith.constant 0 : i32
    return %c0_i32, %arg0, %c0_i32_0 : i32, i32, i32
  }
  func.func @transform_2(%arg0: i32) -> (i32, i32) {
    %c0_i32 = arith.constant 0 : i32
    %c0_i32_0 = arith.constant 0 : i32
    return %arg0, %c0_i32 : i32, i32
  }
  func.func @transform_3(%arg0: i32) -> (i32, i32) {
    %c0_i32 = arith.constant 0 : i32
    %c0_i32_0 = arith.constant 0 : i32
    %c0_i32_1 = arith.constant 0 : i32
    return %c0_i32, %c0_i32_0 : i32, i32
  }
  func.func @transform_4(%arg0: i32) -> (i32, i32) {
    %c0_i32 = arith.constant 0 : i32
    %c0_i32_0 = arith.constant 0 : i32
    return %arg0, %c0_i32 : i32, i32
  }
}

</mosaic_0001>

<sc_bundles>
// kernel: kernel.5.cloned.1.call-start
scs
__scs_entry_jumppad:
0x0: {  	(pc) =	sbr.rel $0x88, $3  }
0x1: {  	(tag) =	ssettag $0x0;
	lr =	simm.s32 $0x1  }
0x2: {  	[smem:$0x3F98] =	sst lr;
	_ =	strace $0xD0000000  }
0x3: {  	_ = 	snop  }
0x4: {  	_ = 	snop  }
0x5: {  	_ = 	snop  }
0x6: {  	_ = 	snop  }
0x7: {  	_ = 	snop  }
__scs_overlays_trampoline_lowered:
0x8: {  	[smem:$0x3FA7] =	sst s0  }
0x9: {  	[smem:$0x3FA8] =	sst s1  }
0xa: {  	[smem:$0x3FA9] =	sst s2  }
0xb: {  	[smem:$0x3FAA] =	sst s3  }
0xc: {  	[smem:$0x3FAB] =	sst s4  }
0xd: {  	[smem:$0x3FAC] =	sst s5  }
0xe: {  	[smem:$0x3FAD] =	sst s6  }
0xf: {  	[smem:$0x3FAE] =	sst s7  }
0x10: {  	[smem:$0x3FAF] =	sst s8  }
0x11: {  	[smem:$0x3FB0] =	sst s9;
	s0 =	simm.s32 @!p0 $0x0  }
0x12: {  	s1 =	sld [smem:$0x3F96];
	s0 =	simm.s32 @p0 $0x1  }
0x13: {  	[smem:$0x3FB1] =	sst s0;
	s0 =	simm.s32 @!p1 $0x0  }
0x14: {  	s2 =	sld [smem:$0x3F95];
	s0 =	simm.s32 @p1 $0x1  }
0x15: {  	[smem:$0x3FB2] =	sst s0;
	s0 =	simm.s32 @!p2 $0x0  }
0x16: {  	s3 =	sld [smem:$0x3FDB];
	s0 =	simm.s32 @p2 $0x1  }
0x17: {  	s4 =	simm.s32 $0x1BF5;
	[smem:$0x3FB4] =	sst s0  }
0x18: {  	s0 =	sld [smem:$0x3F97];
	_ =	swait.ge [sflag:s4], $0x0  }
0x19: {  	s7 =	sld [smem:$0x3F98]  }
0x1a: {  	s8 =	sadd.s32 $0xFFFFE003, lr  }
0x1b: {  	s9 =	sadd.s32 $0xFFFFFEF7, lr;
	s5 =	simm.s32 $0xFFFFFFFF;
	p2 =	slt.u32 s8, $0xFFFFF086  }
0x1c: {  	p1 =	slt.u32 s9, $0xF7A;
	s5 =	simm.s32 @!p2 $0x0  }
0x1d: {  	s5 =	simm.s32 @p1 $0x1;
	p0 =	seq.s32 s7, s2  }
0x1e: {  	s7 =	smul.u32 @!p0 $0xF7A, s2;
	p2 =	seq.s32 @!p0 s5, $0x0  }
0x1f: {  	s9 =	smul.u32 $0xF7A, s1;
	s8 =	simm.s32 @!p0 $0x1BF5;
	p2 =	por !p2, p0  }
0x20: {  	[sflag:s8] =	ssyncset.s32 @!p0 $0xFFFFF086;
	s6 =	sadd.s32 @!p0 s3, s7;
	s7 =	simm.s32 @!p0 $0x108  }
0x21: {  	s3 =	sadd.s32 s3, s9;
	s6 =	sadd.s32 @!p0 $0x88, s6;
	s7 =	simm.s32 @p2 $0x1082  }
0x22: {  	[simem:s7], [sflag:s8] =	dma.local @!p0 [hbm:s6], $0xF7A  }
0x23: {  	s9 =	sor.u32 $0xD0000000, s2;
	s6 =	simm.s32 $0x108;
	_ =	swait.ge @!p0 [sflag:s8], $0x0  }
0x24: {  	s3 =	sadd.s32 $0x88, s3;
	s6 =	simm.s32 @!p1 $0x1082;
	[sflag:s4] =	ssyncset.s32 $0xFFFFF086  }
0x25: {  	[simem:s6], [sflag:s4] =	dma.local [hbm:s3], $0xF7A  }
0x26: {  	[smem:$0x3F98] =	sst s1;
	(tag) =	ssettag s2;
	_ =	strace s9  }
0x27: {  	s1 =	sld [smem:$0x3FA8]  }
0x28: {  	s2 =	sld [smem:$0x3FA9]  }
0x29: {  	s4 =	sld [smem:$0x3FAB]  }
0x2a: {  	p0 =	seq.s32 s5, $0x0;
	s5 =	sld [smem:$0x3FAC]  }
0x2b: {  	s6 =	sld [smem:$0x3FAD]  }
0x2c: {  	s7 =	sld [smem:$0x3FAE]  }
0x2d: {  	s3 =	simm.s32 $0x108;
	s8 =	sld [smem:$0x3FAF]  }
0x2e: {  	s3 =	simm.s32 @!p0 $0x1082;
	s9 =	sld [smem:$0x3FB0]  }
0x2f: {  	lr =	sadd.s32 s0, s3;
	s0 =	sld [smem:$0x3FA7]  }
0x30: {  	s3 =	sld [smem:$0x3FAA]  }
0x31: {  	[smem:$0x3FB3] =	sst s10  }
0x32: {  	s10 =	sld [smem:$0x3FB1];
	_ =	sdelay $0x3  }
0x33: {  	p0 =	seq.s32 s10, $0x1;
	s10 =	sld [smem:$0x3FB3];
	_ =	sdelay $0x3  }
0x34: {  	[smem:$0x3FB3] =	sst s10  }
0x35: {  	s10 =	sld [smem:$0x3FB2];
	_ =	sdelay $0x3  }
0x36: {  	p1 =	seq.s32 s10, $0x1;
	s10 =	sld [smem:$0x3FB3];
	_ =	sdelay $0x3  }
0x37: {  	[smem:$0x3FB3] =	sst s10  }
0x38: {  	s10 =	sld [smem:$0x3FB4]  }
0x39: {  	_ = 	snop;
	(pc) =	sbr.ind lr, $3  }
0x3a: {  	_ = 	snop  }
0x3b: {  	_ = 	snop  }
0x3c: {  	p2 =	seq.s32 s10, $0x1;
	s10 =	sld [smem:$0x3FB3]  }
0x3d: {  	_ =	shalt  }
0x3e: {  	_ =	shalt  }
0x3f: {  	_ =	shalt  }
0x40: {  	_ =	shalt  }
0x41: {  	_ =	shalt  }
0x42: {  	_ =	shalt  }
0x43: {  	_ =	shalt  }
0x44: {  	_ =	shalt  }
0x45: {  	_ =	shalt  }
0x46: {  	_ =	shalt  }
0x47: {  	_ =	shalt  }
0x48: {  	_ =	shalt  }
0x49: {  	_ =	shalt  }
0x4a: {  	_ =	shalt  }
0x4b: {  	_ =	shalt  }
0x4c: {  	_ =	shalt  }
0x4d: {  	_ =	shalt  }
0x4e: {  	_ =	shalt  }
0x4f: {  	_ =	shalt  }
0x50: {  	_ =	shalt  }
0x51: {  	_ =	shalt  }
0x52: {  	_ =	shalt  }
0x53: {  	_ =	shalt  }
0x54: {  	_ =	shalt  }
0x55: {  	_ =	shalt  }
0x56: {  	_ =	shalt  }
0x57: {  	_ =	shalt  }
0x58: {  	_ =	shalt  }
0x59: {  	_ =	shalt  }
0x5a: {  	_ =	shalt  }
0x5b: {  	_ =	shalt  }
0x5c: {  	_ =	shalt  }
0x5d: {  	_ =	shalt  }
0x5e: {  	_ =	shalt  }
0x5f: {  	_ =	shalt  }
0x60: {  	_ =	shalt  }
0x61: {  	_ =	shalt  }
0x62: {  	_ =	shalt  }
0x63: {  	_ =	shalt  }
0x64: {  	_ =	shalt  }
0x65: {  	_ =	shalt  }
0x66: {  	_ =	shalt  }
0x67: {  	_ =	shalt  }
0x68: {  	_ =	shalt  }
0x69: {  	_ =	shalt  }
0x6a: {  	_ =	shalt  }
0x6b: {  	_ =	shalt  }
0x6c: {  	_ =	shalt  }
0x6d: {  	_ =	shalt  }
0x6e: {  	_ =	shalt  }
0x6f: {  	_ =	shalt  }
0x70: {  	_ =	shalt  }
0x71: {  	_ =	shalt  }
0x72: {  	_ =	shalt  }
0x73: {  	_ =	shalt  }
0x74: {  	_ =	shalt  }
0x75: {  	_ =	shalt  }
0x76: {  	_ =	shalt  }
0x77: {  	_ =	shalt  }
0x78: {  	_ =	shalt  }
0x79: {  	_ =	shalt  }
0x7a: {  	_ =	shalt  }
0x7b: {  	_ =	shalt  }
0x7c: {  	_ =	shalt  }
0x7d: {  	_ =	shalt  }
0x7e: {  	_ =	shalt  }
0x7f: {  	_ =	shalt  }
0x80: {  	_ =	shalt  }
0x81: {  	_ =	shalt  }
0x82: {  	_ =	shalt  }
0x83: {  	_ =	shalt  }
0x84: {  	_ =	shalt  }
0x85: {  	_ =	shalt  }
0x86: {  	_ =	shalt  }
0x87: {  	_ =	shalt  }
.Lfunc_end0:
.L_simem_size_0:
called_computation_lowered:
.L_overlay_start_0:
0x88: {  	s2 =	sld [smem:$0x3FD9]  }
0x89: {  	s3 =	sld [smem:$0x3FFE];
	_ =	sdelay $0x1  }
0x8a: {  	s1 =	srdreg.scid  }
0x8b: {  	s0 =	sand.u32 $0x1, s1  }
0x8c: {  	s17 =	sshll.u32 s0, $0xA;
	s2 =	sadd.s32 s3, s2  }
0x8d: {  	s2 =	sadd.s32 s2, s17  }
0x8e: {  	[smem:$0x3FBF] =	sst s2  }
0x8f: {  	_ = 	snop  }
0x90: {  	s2 =	sld [smem:$0x3FD0];
	(tm) =	ssettm $0x1  }
0x91: {  	s18 =	sld [smem:$0x3FFB];
	_ =	sdelay $0x3  }
0x92: {  	_ =	strace s18  }
0x93: {  	s3 =	sld [smem:$0x3FFC];
	_ =	sdelay $0x3  }
0x94: {  	_ =	strace s3  }
0x95: {  	s3 =	sld [smem:$0x3FFD];
	_ =	sdelay $0x3  }
0x96: {  	_ =	strace s3  }
0x97: {  	_ =	strace $0x8FFFFFFF  }
0x98: {  	s19 =	sld [smem:$0x3FDB];
	_ =	sdelay $0x1  }
0x99: {  	s4 =	simm.s32 $_scs_section_size  }
0x9a: {  	s5 =	simm.s32 $_size__tile_overlayer_lowered;
	s6 =	simm.s32 $_tile_overlayer_lowered  }
0x9b: {  	s22 =	simm.s32 $0x1BFF;
	s21 =	sshll.u32 s6, $0x1;
	s3 =	sadd.s32 s4, s19  }
0x9c: {  	s7 =	simm.s32 $0x0;
	s20 =	sshll.u32 s5, $0x1;
	s5 =	sadd.s32 s21, s3  }
0x9d: {  	[timem:s7], [sflag:s22] =	dma.local [hbm:s5], s20  }
0x9e: {  	_ =	swait.ge [sflag:s22], s20  }
0x9f: {  	s4 =	ssub.s32 $0x0, s20;
	[sflag:s22] =	ssyncset.done $0x0  }
0xa0: {  	[sflag:s22] =	ssyncadd.s32 s4;
	_ =	sdelay $0x1  }
0xa1: {  	s23 =	simm.s32 $0x1B8B  }
0xa2: {  	_ =	swait.ge [sflag:s23], $0x1  }
0xa3: {  	[sflag:s23] =	ssyncset.done $0x0  }
0xa4: {  	s25 =	simm.s32 $0x1B8E;
	s24 =	sld [smem:$0x3FFE];
	[sflag:s23] =	ssyncadd.s32 $0xFFFFFFFF  }
0xa5: {  	s26 =	simm.s32 $execute0_lowered;
	[smem:$0x3FD2] =	sst s25  }
0xa6: {  	s5 =	sshll.u32 s26, $0x1;
	_ =	strace $0x80000046;
	[dreg:$0x1] =	wrdreg $0xFFFFFFFF  }
0xa7: {  	s28 =	simm.s32 $_size_execute0_lowered;
	s3 =	sadd.s32 s3, s5;
	[dreg:$0x0] =	wrdreg $0x0  }
0xa8: {  	s5 =	sshll.u32 s28, $0x1;
	[dreg:$0x2] =	wrdreg s3  }
0xa9: {  	[dreg:$0x3] =	wrdreg s5  }
0xaa: {  	[dreg:$0x4] =	wrdreg $0xC0  }
0xab: {  	_ =	task [dreg:s7], $0x5FFFF  }
0xac: {  	[dreg:$0x1] =	wrdreg $0xFFFFFFFF  }
0xad: {  	[dreg:$0x0] =	wrdreg $0x60  }
0xae: {  	[dreg:$0x2] =	wrdreg s2  }
0xaf: {  	[dreg:$0x3] =	wrdreg s24  }
0xb0: {  	[dreg:$0x4] =	wrdreg $0x0  }
0xb1: {  	[dreg:$0x5] =	wrdreg $0x9  }
0xb2: {  	_ =	task.clear_ibuf [dreg:s7], $0x6FFFF;
	_ =	strace $0x90000046  }
0xb3: {  	s29 =	simm.s32 $0x9;
	_ =	strace $0x80000048  }
0xb4: {  	_ =	swait.ge [sflag:s29], $0x1  }
0xb5: {  	[sflag:s29] =	ssyncadd.s32 $0xFFFFFFFF  }
0xb6: {  	_ =	strace $0x90000048  }
0xb7: {  	_ =	sfence  }
0xb8: {  	s30 =	sld [smem:$0x0];
	_ =	sdelay $0x2  }
0xb9: {  	s31 =	sshll.u32 s1, $0xD;
	s1 =	sshrl.u32 s1, $0x2  }
0xba: {  	s3 =	sand.u32 $0x4000, s31;
	s1 =	sadd.s32 s1, s30  }
0xbb: {  	s0 =	sor.u32 s3, s0;
	s1 =	sshll.u32 s1, $0x11  }
0xbc: {  	s0 =	sor.u32 s1, s0  }
0xbd: {  	s0 =	sadd.s32 $0x8F2B, s0  }
0xbe: {  	[sflag:s0] =	ssyncadd.remote.s32 $0x1  }
0xbf: {  	_ =	sfence.sel $0xFFFF  }
0xc0: {  	[dreg:$0x0] =	wrdreg $0xFFFFFFFF;
	(pc) =	sbr.abs _section_cstart, $3  }
0xc1: {  	[dreg:$0x1] =	wrdreg $0xFFFFFFFF  }
0xc2: {  	_ =	task.clear_ibuf [dreg:s7], $0x2FFFF;
	_ =	strace $0x9FFFFFFF  }
0xc3: {  	(tm) =	ssettm $0x7FFFFFFF  }
tec
execute0_lowered:
.L_overlay_start_1:
0x0: {  	(tag) =	ssettag $0x1  }
0x1: {  	s1 =	rddreg [dreg:$0x0]  }
0x2: {  	s5 =	rddreg [dreg:$0x1];
	s10 =	stileid.u32  }
0x3: {  	s0 =	srdreg.scid;
	s3 =	rddreg [dreg:$0x2];
	s4 =	simm.s32 $0x0  }
0x4: {  	s15 =	simm.s32 $0x14080;
	s16 =	simm.s32 $0x14100;
	s18 =	simm.s32 $0x14180  }
0x5: {  	s20 =	simm.s32 $0x14200;
	s22 =	simm.s32 $0x14880;
	[smem:$0x7FF] =	sst s4  }
0x6: {  	s23 =	simm.s32 $0x14280;
	_ =	strace $0x80000047;
	[dreg:$0x6] =	wrdreg s15  }
0x7: {  	s25 =	simm.s32 $0x14900;
	s2 =	smul.u32 $0x280, s10;
	[dreg:$0x7] =	wrdreg s16  }
0x8: {  	s26 =	simm.s32 $0x14300;
	s7 =	smul.u32 $0xA00, s10;
	[dreg:$0x8] =	wrdreg s18  }
0x9: {  	s0 =	sand.u32 $0x1, s0;
	s21 =	smul.u32 $0x50000, s10;
	[dreg:$0x9] =	wrdreg s20  }
0xa: {  	s11 =	simm.s32 $0x14980;
	s6 =	smul.u32 $0x2800, s0;
	[dreg:$0xa] =	wrdreg s22  }
0xb: {  	s8 =	sshrl.u32 s10, $0x3;
	s12 =	smul.u32 $0xA000, s0;
	[dreg:$0xb] =	wrdreg s23  }
0xc: {  	s9 =	sshll.u32 s10, $0x7;
	s8 =	smul.u32 $0x14000, s8;
	[dreg:$0xc] =	wrdreg s25  }
0xd: {  	s9 =	sand.u32 $0x380, s9;
	s17 =	ssub.s32 $0x2, s0;
	[dreg:$0xd] =	wrdreg s26  }
0xe: {  	[dreg:$0xe] =	wrdreg s11;
	s15 =	simm.s32 $0x14A00;
	s23 =	simm.s32 $0x14B00  }
0xf: {  	s25 =	simm.s32 $0x14500;
	s26 =	simm.s32 $0x14B80;
	[dreg:$0x10] =	wrdreg s15  }
0x10: {  	s7 =	sadd.s32 s7, s5;
	s19 =	sshrl.u32 s17, $0x1;
	[dreg:$0x14] =	wrdreg s23  }
0x11: {  	s24 =	sshrl.u32 s21, $0x2;
	s21 =	simm.s32 $0x14480;
	[dreg:$0x15] =	wrdreg s25  }
0x12: {  	[dreg:$0x16] =	wrdreg s26;
	s2 =	sadd.s32 s2, s6;
	s6 =	sadd.s32 s12, s7  }
0x13: {  	s8 =	sor.u32 s9, s8;
	s13 =	sadd.s32 $0x1200, s7;
	[dreg:$0x13] =	wrdreg s21  }
0x14: {  	s2 =	sshll.u32 s2, $0x4;
	s6 =	sadd.s32 $0xB200, s6;
	[dreg:$0x5] =	wrdreg s13  }
0x15: {  	s14 =	sshrl.u32 s8, $0x3;
	s13 =	simm.s32 $0x14380;
	[dreg:$0x4] =	wrdreg s6  }
0x16: {  	s6 =	ssub.s32 s17, s19;
	[dreg:$0xf] =	wrdreg s13;
	s17 =	simm.s32 $0x14400  }
0x17: {  	s2 =	sadd.s32 s2, s5;
	s19 =	simm.s32 $0x14A80;
	[dreg:$0x11] =	wrdreg s17  }
0x18: {  	s7 =	sadd.s32 s14, s5;
	s5 =	sadd.s32 s24, s3;
	[dreg:$0x12] =	wrdreg s19  }
0x19: {  	s10 =	sadd.s32 $0x2000, s5;
	[dreg:$0x1d] =	wrdreg s5  }
0x1a: {  	s12 =	sadd.s32 $0x4000, s5;
	[dreg:$0x1e] =	wrdreg s10  }
0x1b: {  	s14 =	sadd.s32 $0x6000, s5;
	[dreg:$0x1f] =	wrdreg s12  }
0x1c: {  	s16 =	sadd.s32 $0x8000, s5;
	[smem:$0x7EB] =	sst s14  }
0x1d: {  	s18 =	sadd.s32 $0xA000, s5;
	[smem:$0x7EC] =	sst s16  }
0x1e: {  	s20 =	sadd.s32 $0xC000, s5;
	[smem:$0x7ED] =	sst s18  }
0x1f: {  	s22 =	sadd.s32 $0xE000, s5;
	[smem:$0x7EE] =	sst s20  }
0x20: {  	s24 =	sadd.s32 $0x10000, s5;
	[smem:$0x7EF] =	sst s22  }
0x21: {  	s7 =	sadd.s32 $0x1F200, s7;
	[smem:$0x7F0] =	sst s24  }
0x22: {  	s28 =	simm.s32 $0x15000;
	s9 =	sadd.s32 $0x24200, s2;
	[smem:$0x7F1] =	sst s7  }
0x23: {  	s29 =	simm.s32 $0x9;
	s11 =	sadd.s32 $0x24600, s2;
	[smem:$0x7F2] =	sst s9  }
0x24: {  	s30 =	simm.s32 $0x14000;
	s13 =	sadd.s32 $0x24A00, s2;
	[smem:$0x7F3] =	sst s11  }
0x25: {  	s31 =	simm.s32 $0x14800;
	s15 =	sadd.s32 $0x24E00, s2;
	[smem:$0x7F4] =	sst s13  }
0x26: {  	p0 =	sne.s32 s0, $0x0;
	s17 =	sadd.s32 $0x25200, s2;
	[smem:$0x7F5] =	sst s15  }
0x27: {  	s0 =	simm.s32 $0x17000;
	s19 =	sadd.s32 $0x25600, s2;
	[smem:$0x7F6] =	sst s17  }
0x28: {  	s8 =	simm.s32 $0x14E00;
	s21 =	sadd.s32 $0x25A00, s2;
	[smem:$0x7F7] =	sst s19  }
0x29: {  	s23 =	sadd.s32 $0x26200, s2;
	s25 =	smax.u32 s6, $0x1;
	[smem:$0x7F8] =	sst s21  }
0x2a: {  	s26 =	sadd.s32 $0x12000, s5;
	s6 =	simm.s32 $0x14D80;
	[smem:$0x7FA] =	sst s23  }
0x2b: {  	s10 =	simm.s32 $0x14580;
	s12 =	simm.s32 $0x14C00;
	[smem:$0x7FC] =	sst s25  }
0x2c: {  	s14 =	simm.s32 $0x14600;
	s16 =	simm.s32 $0x14C80;
	[smem:$0x7FD] =	sst s26  }
0x2d: {  	s18 =	simm.s32 $0x14680;
	s20 =	simm.s32 $0x14D00;
	[dreg:$0x17] =	wrdreg s10  }
0x2e: {  	s22 =	sadd.s32 $0x25E00, s2;
	s24 =	sadd.s32 $0x26600, s2;
	[dreg:$0x18] =	wrdreg s12  }
0x2f: {  	s2 =	simm.s32 $0x40;
	s15 =	simm.s32 $0x1B000;
	[dreg:$0x19] =	wrdreg s14  }
0x30: {  	s17 =	simm.s32 $0x1D000;
	s19 =	simm.s32 $0x2;
	[dreg:$0x1a] =	wrdreg s16  }
0x31: {  	s21 =	simm.s32 $0x3;
	s23 =	simm.s32 $0x4;
	[dreg:$0x1b] =	wrdreg s18  }
0x32: {  	s25 =	simm.s32 $0x14700;
	s7 =	simm.s32 $0x14780;
	[dreg:$0x1c] =	wrdreg s20  }
0x33: {  	s9 =	simm.s32 $0x14E80;
	s11 =	simm.s32 $0x14F80;
	[smem:$0x7F9] =	sst s22  }
0x34: {  	s13 =	simm.s32 $0x0;
	[smem:$0x7FB] =	sst s24;
	s14 =	simm.s32 $0x19000  }
0x35: {  	s16 =	simm.s32 $0x1;
	s18 =	simm.s32 $0x5;
	s20 =	simm.s32 $0x6  }
0x36: {  	v0 =	vimm.f32 $0.0e+00;
	v1 =	vimm.f32 $1.000000000e+00;
	s22 =	simm.s32 $0x7;
	s24 =	simm.s32 $0x8;
	s10 =	simm.s32 $0x14F00  }
.LBB2_1:
0x37: {  	[smem:$0x7EA] =	sst s13;
	s13 =	simm.s32 $0x0;
	s26 =	simm.s32 $0x200  }
.LBB2_2:
0x38: {  	p1 =	sne.s32 s26, $0x7E00;
	[tilespmem:s13+$0x15070] =	vst v0  }
0x39: {  	[tilespmem:s13+$0x15000] =	vst v0  }
0x3a: {  	[tilespmem:s13+$0x15010] =	vst v0  }
.Ltmp0:
0x3b: {  	[tilespmem:s13+$0x15020] =	vst v0;
	(pc) =	sbr.rel @p1 .LBB2_2-.Ltmp0, $4  }
0x3c: {  	[tilespmem:s13+$0x15030] =	vst v0  }
0x3d: {  	[tilespmem:s13+$0x15040] =	vst v0  }
0x3e: {  	[tilespmem:s13+$0x15050] =	vst v0  }
0x3f: {  	[tilespmem:s13+$0x15060] =	vst v0;
	s13 =	sshra.s32 s26, $0x2;
	s26 =	sadd.s32 $0x200, s26  }
0x40: {  	[tilespmem:s13+$0x15070] =	vst v0  }
0x41: {  	[tilespmem:s13+$0x15000] =	vst v0  }
0x42: {  	[tilespmem:s13+$0x15010] =	vst v0  }
0x43: {  	[tilespmem:s13+$0x15020] =	vst v0  }
0x44: {  	[tilespmem:s13+$0x15030] =	vst v0  }
0x45: {  	[tilespmem:s13+$0x15040] =	vst v0  }
0x46: {  	[tilespmem:s13+$0x15050] =	vst v0  }
0x47: {  	[tilespmem:s13+$0x15060] =	vst v0;
	s13 =	simm.s32 $0x40;
	s26 =	simm.s32 $0x0  }
.LBB2_4:
0x48: {  	p1 =	sne.s32 s13, $0x9FC0;
	[tilespmem:s26+$0x1D000] =	vst v0;
	s26 =	smov.u32 s13;
	s13 =	sadd.s32 $0x40, s13  }
.Ltmp1:
0x49: {  	(pc) =	sbr.rel @p1 .LBB2_4-.Ltmp1, $2  }
0x4a: {  	_ =	sdelay $0x2  }
0x4b: {  	s26 =	sshra.s32 s26, $0x2  }
0x4c: {  	[tilespmem:s26+$0x1D000] =	vst v0  }
0x4d: {  	[spmem:s5] =	stream.linear.scatter [tilespmem:s28], [sflag:$0x9], $0x2000, $0x38;
	[tilespmem:$0x1F800] =	vst v63  }
0x4e: {  	_ =	swait.ge [sflag:s29], $0x2000  }
0x4f: {  	[sflag:s29] =	ssyncset.done $0x0  }
0x50: {  	s12 =	rddreg [dreg:$0x1e];
	[sflag:s29] =	ssyncadd.s32 $0xFFFFE000  }
0x51: {  	[spmem:s12] =	stream.linear.scatter [tilespmem:s28], [sflag:$0x9], $0x2000, $0x38;
	[tilespmem:$0x1F800] =	vst v63  }
0x52: {  	_ =	swait.ge [sflag:s29], $0x2000  }
0x53: {  	[sflag:s29] =	ssyncset.done $0x0  }
0x54: {  	s13 =	rddreg [dreg:$0x1f];
	[sflag:s29] =	ssyncadd.s32 $0xFFFFE000  }
0x55: {  	[spmem:s13] =	stream.linear.scatter [tilespmem:s28], [sflag:$0x9], $0x2000, $0x38;
	[tilespmem:$0x1F800] =	vst v63  }
0x56: {  	_ =	swait.ge [sflag:s29], $0x2000  }
0x57: {  	s26 =	sld [smem:$0x7EB]  }
0x58: {  	[sflag:s29] =	ssyncset.done $0x0  }
0x59: {  	[sflag:s29] =	ssyncadd.s32 $0xFFFFE000  }
0x5a: {  	[spmem:s26] =	stream.linear.scatter [tilespmem:s28], [sflag:$0x9], $0x2000, $0x38;
	[tilespmem:$0x1F800] =	vst v63  }
0x5b: {  	_ =	swait.ge [sflag:s29], $0x2000  }
0x5c: {  	s12 =	sld [smem:$0x7EC]  }
0x5d: {  	[sflag:s29] =	ssyncset.done $0x0  }
0x5e: {  	[sflag:s29] =	ssyncadd.s32 $0xFFFFE000  }
0x5f: {  	[spmem:s12] =	stream.linear.scatter [tilespmem:s28], [sflag:$0x9], $0x2000, $0x38;
	[tilespmem:$0x1F800] =	vst v63  }
0x60: {  	_ =	swait.ge [sflag:s29], $0x2000  }
0x61: {  	s13 =	sld [smem:$0x7ED]  }
0x62: {  	[sflag:s29] =	ssyncset.done $0x0  }
0x63: {  	[sflag:s29] =	ssyncadd.s32 $0xFFFFE000  }
0x64: {  	[spmem:s13] =	stream.linear.scatter [tilespmem:s28], [sflag:$0x9], $0x2000, $0x38;
	[tilespmem:$0x1F800] =	vst v63  }
0x65: {  	_ =	swait.ge [sflag:s29], $0x2000  }
0x66: {  	s26 =	sld [smem:$0x7EE]  }
0x67: {  	[sflag:s29] =	ssyncset.done $0x0  }
0x68: {  	[sflag:s29] =	ssyncadd.s32 $0xFFFFE000  }
0x69: {  	[spmem:s26] =	stream.linear.scatter [tilespmem:s28], [sflag:$0x9], $0x2000, $0x38;
	[tilespmem:$0x1F800] =	vst v63  }
0x6a: {  	_ =	swait.ge [sflag:s29], $0x2000  }
0x6b: {  	s12 =	sld [smem:$0x7EF]  }
0x6c: {  	[sflag:s29] =	ssyncset.done $0x0  }
0x6d: {  	[sflag:s29] =	ssyncadd.s32 $0xFFFFE000  }
0x6e: {  	[spmem:s12] =	stream.linear.scatter [tilespmem:s28], [sflag:$0x9], $0x2000, $0x38;
	[tilespmem:$0x1F800] =	vst v63  }
0x6f: {  	_ =	swait.ge [sflag:s29], $0x2000  }
0x70: {  	s13 =	sld [smem:$0x7F0]  }
0x71: {  	[sflag:s29] =	ssyncset.done $0x0  }
0x72: {  	[sflag:s29] =	ssyncadd.s32 $0xFFFFE000  }
0x73: {  	[spmem:s13] =	stream.linear.scatter [tilespmem:s28], [sflag:$0x9], $0x2000, $0x38;
	[tilespmem:$0x1F800] =	vst v63  }
0x74: {  	_ =	swait.ge [sflag:s29], $0x2000  }
0x75: {  	s26 =	sld [smem:$0x7FD]  }
0x76: {  	[sflag:s29] =	ssyncset.done $0x0  }
0x77: {  	[sflag:s29] =	ssyncadd.s32 $0xFFFFE000  }
0x78: {  	[spmem:s26] =	stream.linear.scatter [tilespmem:s28], [sflag:$0x9], $0x2000, $0x38;
	[tilespmem:$0x1F800] =	vst v63  }
0x79: {  	_ =	swait.ge [sflag:s29], $0x2000  }
0x7a: {  	[sflag:s29] =	ssyncset.done $0x0  }
0x7b: {  	[sflag:s29] =	ssyncadd.s32 $0xFFFFE000  }
0x7c: {  	s13 =	simm.s32 $0x0;
	[bflag:$0x0] =	sbarrier.arrive $0xFFFF  }
.LBB2_6:
0x7d: {  	s26 =	rddreg [dreg:$0x4]  }
0x7e: {  	s26 =	sadd.s32 s13, s26  }
0x7f: {  	[tilespmem:s30], [sflag:$0x9] =	stream.linear.gather [hbm4b:s26+s4], $0x800, $0x38;
	[tilespmem:$0x1F800] =	vst v63  }
0x80: {  	_ =	swait.ge [sflag:s29], $0x800  }
0x81: {  	s5 =	rddreg [dreg:$0x5];
	[sflag:s29] =	ssyncset.done $0x0  }
0x82: {  	[sflag:s29] =	ssyncadd.s32 $0xFFFFF800;
	s26 =	sadd.s32 s13, s5  }
0x83: {  	[tilespmem:s31], [sflag:$0x9] =	stream.linear.gather [hbm4b:s26+s4], $0x800, $0x38;
	[tilespmem:$0x1F800] =	vst v63  }
0x84: {  	_ =	swait.ge [sflag:s29], $0x800  }
0x85: {  	[sflag:s29] =	ssyncset.done $0x0  }
0x86: {  	[sflag:s29] =	ssyncadd.s32 $0xFFFFF800  }
0x87: {  	[tilespmem:s28], [sflag:$0x1] =	stream.indirect.gather [hbm4b:s1+s2], $0x80, s30, s2, $0xb8;
	[tilespmem:$0x1F800] =	vst v63  }
0x88: {  	s12 =	rddreg [dreg:$0x6]  }
0x89: {  	[tilespmem:s0], [sflag:$0x2] =	stream.indirect.gather [hbm4b:s1+s2], $0x80, s12, s2, $0xb8;
	[tilespmem:$0x1F800] =	vst v63  }
0x8a: {  	s5 =	rddreg [dreg:$0x7]  }
0x8b: {  	[tilespmem:s14], [sflag:$0x3] =	stream.indirect.gather [hbm4b:s1+s2], $0x80, s5, s2, $0xb8;
	[tilespmem:$0x1F800] =	vst v63  }
0x8c: {  	s12 =	rddreg [dreg:$0x8]  }
0x8d: {  	[tilespmem:s15], [sflag:$0x4] =	stream.indirect.gather [hbm4b:s1+s2], $0x80, s12, s2, $0xb8;
	[tilespmem:$0x1F800] =	vst v63  }
0x8e: {  	_ =	swait.ge [sflag:s16], $0x2000  }
0x8f: {  	[sflag:s16] =	ssyncset.done $0x0  }
0x90: {  	[sflag:s16] =	ssyncadd.s32 $0xFFFFE000  }
0x91: {  	[spmem:s3] =	stream.indirect.scatter.add.f32 [tilespmem:s28], [sflag:$0x5], $0x80, s31, s2, $0xb8;
	[tilespmem:$0x1F800] =	vst v63  }
0x92: {  	v2 =	vld [tilespmem:$0x14800];
	_ =	sdelay $0x7  }
0x93: {  	[tilespmem:v2+s17+$0x0] =	vst.idx.add.f32.msk $0xffff, v1  }
0x94: {  	v2 =	vld [tilespmem:$0x14810];
	_ =	sdelay $0x7  }
0x95: {  	[tilespmem:v2+s17+$0x0] =	vst.idx.add.f32.msk $0xffff, v1  }
0x96: {  	v2 =	vld [tilespmem:$0x14820];
	_ =	sdelay $0x7  }
0x97: {  	[tilespmem:v2+s17+$0x0] =	vst.idx.add.f32.msk $0xffff, v1  }
0x98: {  	v2 =	vld [tilespmem:$0x14830];
	_ =	sdelay $0x7  }
0x99: {  	[tilespmem:v2+s17+$0x0] =	vst.idx.add.f32.msk $0xffff, v1  }
0x9a: {  	_ =	swait.ge [sflag:s18], $0x2000  }
0x9b: {  	[sflag:s18] =	ssyncset.done $0x0  }
0x9c: {  	s12 =	rddreg [dreg:$0x9];
	[sflag:s18] =	ssyncadd.s32 $0xFFFFE000  }
0x9d: {  	[tilespmem:s28], [sflag:$0x1] =	stream.indirect.gather [hbm4b:s1+s2], $0x80, s12, s2, $0xb8;
	[tilespmem:$0x1F800] =	vst v63  }
0x9e: {  	_ =	swait.ge [sflag:s19], $0x2000  }
0x9f: {  	[sflag:s19] =	ssyncset.done $0x0  }
0xa0: {  	s26 =	rddreg [dreg:$0xa];
	[sflag:s19] =	ssyncadd.s32 $0xFFFFE000  }
0xa1: {  	[spmem:s3] =	stream.indirect.scatter.add.f32 [tilespmem:s0], [sflag:$0x6], $0x80, s26, s2, $0xb8;
	[tilespmem:$0x1F800] =	vst v63  }
0xa2: {  	v2 =	vld [tilespmem:$0x14880];
	_ =	sdelay $0x7  }
0xa3: {  	[tilespmem:v2+s17+$0x0] =	vst.idx.add.f32.msk $0xffff, v1  }
0xa4: {  	v2 =	vld [tilespmem:$0x14890];
	_ =	sdelay $0x7  }
0xa5: {  	[tilespmem:v2+s17+$0x0] =	vst.idx.add.f32.msk $0xffff, v1  }
0xa6: {  	v2 =	vld [tilespmem:$0x148A0];
	_ =	sdelay $0x7  }
0xa7: {  	[tilespmem:v2+s17+$0x0] =	vst.idx.add.f32.msk $0xffff, v1  }
0xa8: {  	v2 =	vld [tilespmem:$0x148B0];
	_ =	sdelay $0x7  }
0xa9: {  	[tilespmem:v2+s17+$0x0] =	vst.idx.add.f32.msk $0xffff, v1  }
0xaa: {  	_ =	swait.ge [sflag:s20], $0x2000  }
0xab: {  	[sflag:s20] =	ssyncset.done $0x0  }
0xac: {  	s12 =	rddreg [dreg:$0xb];
	[sflag:s20] =	ssyncadd.s32 $0xFFFFE000  }
0xad: {  	[tilespmem:s0], [sflag:$0x2] =	stream.indirect.gather [hbm4b:s1+s2], $0x80, s12, s2, $0xb8;
	[tilespmem:$0x1F800] =	vst v63  }
0xae: {  	_ =	swait.ge [sflag:s21], $0x2000  }
0xaf: {  	[sflag:s21] =	ssyncset.done $0x0  }
0xb0: {  	s26 =	rddreg [dreg:$0xc];
	[sflag:s21] =	ssyncadd.s32 $0xFFFFE000  }
0xb1: {  	[spmem:s3] =	stream.indirect.scatter.add.f32 [tilespmem:s14], [sflag:$0x7], $0x80, s26, s2, $0xb8;
	[tilespmem:$0x1F800] =	vst v63  }
0xb2: {  	v2 =	vld [tilespmem:$0x14900];
	_ =	sdelay $0x7  }
0xb3: {  	[tilespmem:v2+s17+$0x0] =	vst.idx.add.f32.msk $0xffff, v1  }
0xb4: {  	v2 =	vld [tilespmem:$0x14910];
	_ =	sdelay $0x7  }
0xb5: {  	[tilespmem:v2+s17+$0x0] =	vst.idx.add.f32.msk $0xffff, v1  }
0xb6: {  	v2 =	vld [tilespmem:$0x14920];
	_ =	sdelay $0x7  }
0xb7: {  	[tilespmem:v2+s17+$0x0] =	vst.idx.add.f32.msk $0xffff, v1  }
0xb8: {  	v2 =	vld [tilespmem:$0x14930];
	_ =	sdelay $0x7  }
0xb9: {  	[tilespmem:v2+s17+$0x0] =	vst.idx.add.f32.msk $0xffff, v1  }
0xba: {  	_ =	swait.ge [sflag:s22], $0x2000  }
0xbb: {  	[sflag:s22] =	ssyncset.done $0x0  }
0xbc: {  	s12 =	rddreg [dreg:$0xd];
	[sflag:s22] =	ssyncadd.s32 $0xFFFFE000  }
0xbd: {  	[tilespmem:s14], [sflag:$0x3] =	stream.indirect.gather [hbm4b:s1+s2], $0x80, s12, s2, $0xb8;
	[tilespmem:$0x1F800] =	vst v63  }
0xbe: {  	_ =	swait.ge [sflag:s23], $0x2000  }
0xbf: {  	[sflag:s23] =	ssyncset.done $0x0  }
0xc0: {  	s26 =	rddreg [dreg:$0xe];
	[sflag:s23] =	ssyncadd.s32 $0xFFFFE000  }
0xc1: {  	[spmem:s3] =	stream.indirect.scatter.add.f32 [tilespmem:s15], [sflag:$0x8], $0x80, s26, s2, $0xb8;
	[tilespmem:$0x1F800] =	vst v63  }
0xc2: {  	v2 =	vld [tilespmem:$0x14980];
	_ =	sdelay $0x7  }
0xc3: {  	[tilespmem:v2+s17+$0x0] =	vst.idx.add.f32.msk $0xffff, v1  }
0xc4: {  	v2 =	vld [tilespmem:$0x14990];
	_ =	sdelay $0x7  }
0xc5: {  	[tilespmem:v2+s17+$0x0] =	vst.idx.add.f32.msk $0xffff, v1  }
0xc6: {  	v2 =	vld [tilespmem:$0x149A0];
	_ =	sdelay $0x7  }
0xc7: {  	[tilespmem:v2+s17+$0x0] =	vst.idx.add.f32.msk $0xffff, v1  }
0xc8: {  	v2 =	vld [tilespmem:$0x149B0];
	_ =	sdelay $0x7  }
0xc9: {  	[tilespmem:v2+s17+$0x0] =	vst.idx.add.f32.msk $0xffff, v1  }
0xca: {  	_ =	swait.ge [sflag:s24], $0x2000  }
0xcb: {  	[sflag:s24] =	ssyncset.done $0x0  }
0xcc: {  	s12 =	rddreg [dreg:$0xf];
	[sflag:s24] =	ssyncadd.s32 $0xFFFFE000  }
0xcd: {  	[tilespmem:s15], [sflag:$0x4] =	stream.indirect.gather [hbm4b:s1+s2], $0x80, s12, s2, $0xb8;
	[tilespmem:$0x1F800] =	vst v63  }
0xce: {  	_ =	swait.ge [sflag:s16], $0x2000  }
0xcf: {  	[sflag:s16] =	ssyncset.done $0x0  }
0xd0: {  	s26 =	rddreg [dreg:$0x10];
	[sflag:s16] =	ssyncadd.s32 $0xFFFFE000  }
0xd1: {  	[spmem:s3] =	stream.indirect.scatter.add.f32 [tilespmem:s28], [sflag:$0x5], $0x80, s26, s2, $0xb8;
	[tilespmem:$0x1F800] =	vst v63  }
0xd2: {  	v2 =	vld [tilespmem:$0x14A00];
	_ =	sdelay $0x7  }
0xd3: {  	[tilespmem:v2+s17+$0x0] =	vst.idx.add.f32.msk $0xffff, v1  }
0xd4: {  	v2 =	vld [tilespmem:$0x14A10];
	_ =	sdelay $0x7  }
0xd5: {  	[tilespmem:v2+s17+$0x0] =	vst.idx.add.f32.msk $0xffff, v1  }
0xd6: {  	v2 =	vld [tilespmem:$0x14A20];
	_ =	sdelay $0x7  }
0xd7: {  	[tilespmem:v2+s17+$0x0] =	vst.idx.add.f32.msk $0xffff, v1  }
0xd8: {  	v2 =	vld [tilespmem:$0x14A30];
	_ =	sdelay $0x7  }
0xd9: {  	[tilespmem:v2+s17+$0x0] =	vst.idx.add.f32.msk $0xffff, v1  }
0xda: {  	_ =	swait.ge [sflag:s18], $0x2000  }
0xdb: {  	[sflag:s18] =	ssyncset.done $0x0  }
0xdc: {  	s12 =	rddreg [dreg:$0x11];
	[sflag:s18] =	ssyncadd.s32 $0xFFFFE000  }
0xdd: {  	[tilespmem:s28], [sflag:$0x1] =	stream.indirect.gather [hbm4b:s1+s2], $0x80, s12, s2, $0xb8;
	[tilespmem:$0x1F800] =	vst v63  }
0xde: {  	_ =	swait.ge [sflag:s19], $0x2000  }
0xdf: {  	[sflag:s19] =	ssyncset.done $0x0  }
0xe0: {  	s26 =	rddreg [dreg:$0x12];
	[sflag:s19] =	ssyncadd.s32 $0xFFFFE000  }
0xe1: {  	[spmem:s3] =	stream.indirect.scatter.add.f32 [tilespmem:s0], [sflag:$0x6], $0x80, s26, s2, $0xb8;
	[tilespmem:$0x1F800] =	vst v63  }
0xe2: {  	v2 =	vld [tilespmem:$0x14A80];
	_ =	sdelay $0x7  }
0xe3: {  	[tilespmem:v2+s17+$0x0] =	vst.idx.add.f32.msk $0xffff, v1  }
0xe4: {  	v2 =	vld [tilespmem:$0x14A90];
	_ =	sdelay $0x7  }
0xe5: {  	[tilespmem:v2+s17+$0x0] =	vst.idx.add.f32.msk $0xffff, v1  }
0xe6: {  	v2 =	vld [tilespmem:$0x14AA0];
	_ =	sdelay $0x7  }
0xe7: {  	[tilespmem:v2+s17+$0x0] =	vst.idx.add.f32.msk $0xffff, v1  }
0xe8: {  	v2 =	vld [tilespmem:$0x14AB0];
	_ =	sdelay $0x7  }
0xe9: {  	[tilespmem:v2+s17+$0x0] =	vst.idx.add.f32.msk $0xffff, v1  }
0xea: {  	_ =	swait.ge [sflag:s20], $0x2000  }
0xeb: {  	[sflag:s20] =	ssyncset.done $0x0  }
0xec: {  	s12 =	rddreg [dreg:$0x13];
	[sflag:s20] =	ssyncadd.s32 $0xFFFFE000  }
0xed: {  	[tilespmem:s0], [sflag:$0x2] =	stream.indirect.gather [hbm4b:s1+s2], $0x80, s12, s2, $0xb8;
	[tilespmem:$0x1F800] =	vst v63  }
0xee: {  	_ =	swait.ge [sflag:s21], $0x2000  }
0xef: {  	[sflag:s21] =	ssyncset.done $0x0  }
0xf0: {  	s26 =	rddreg [dreg:$0x14];
	[sflag:s21] =	ssyncadd.s32 $0xFFFFE000  }
0xf1: {  	[spmem:s3] =	stream.indirect.scatter.add.f32 [tilespmem:s14], [sflag:$0x7], $0x80, s26, s2, $0xb8;
	[tilespmem:$0x1F800] =	vst v63  }
0xf2: {  	v2 =	vld [tilespmem:$0x14B00];
	_ =	sdelay $0x7  }
0xf3: {  	[tilespmem:v2+s17+$0x0] =	vst.idx.add.f32.msk $0xffff, v1  }
0xf4: {  	v2 =	vld [tilespmem:$0x14B10];
	_ =	sdelay $0x7  }
0xf5: {  	[tilespmem:v2+s17+$0x0] =	vst.idx.add.f32.msk $0xffff, v1  }
0xf6: {  	v2 =	vld [tilespmem:$0x14B20];
	_ =	sdelay $0x7  }
0xf7: {  	[tilespmem:v2+s17+$0x0] =	vst.idx.add.f32.msk $0xffff, v1  }
0xf8: {  	v2 =	vld [tilespmem:$0x14B30];
	_ =	sdelay $0x7  }
0xf9: {  	[tilespmem:v2+s17+$0x0] =	vst.idx.add.f32.msk $0xffff, v1  }
0xfa: {  	_ =	swait.ge [sflag:s22], $0x2000  }
0xfb: {  	[sflag:s22] =	ssyncset.done $0x0  }
0xfc: {  	s12 =	rddreg [dreg:$0x15];
	[sflag:s22] =	ssyncadd.s32 $0xFFFFE000  }
0xfd: {  	[tilespmem:s14], [sflag:$0x3] =	stream.indirect.gather [hbm4b:s1+s2], $0x80, s12, s2, $0xb8;
	[tilespmem:$0x1F800] =	vst v63  }
0xfe: {  	_ =	swait.ge [sflag:s23], $0x2000  }
0xff: {  	[sflag:s23] =	ssyncset.done $0x0  }
0x100: {  	s26 =	rddreg [dreg:$0x16];
	[sflag:s23] =	ssyncadd.s32 $0xFFFFE000  }
0x101: {  	[spmem:s3] =	stream.indirect.scatter.add.f32 [tilespmem:s15], [sflag:$0x8], $0x80, s26, s2, $0xb8;
	[tilespmem:$0x1F800] =	vst v63  }
0x102: {  	v2 =	vld [tilespmem:$0x14B80];
	_ =	sdelay $0x7  }
0x103: {  	[tilespmem:v2+s17+$0x0] =	vst.idx.add.f32.msk $0xffff, v1  }
0x104: {  	v2 =	vld [tilespmem:$0x14B90];
	_ =	sdelay $0x7  }
0x105: {  	[tilespmem:v2+s17+$0x0] =	vst.idx.add.f32.msk $0xffff, v1  }
0x106: {  	v2 =	vld [tilespmem:$0x14BA0];
	_ =	sdelay $0x7  }
0x107: {  	[tilespmem:v2+s17+$0x0] =	vst.idx.add.f32.msk $0xffff, v1  }
0x108: {  	v2 =	vld [tilespmem:$0x14BB0];
	_ =	sdelay $0x7  }
0x109: {  	[tilespmem:v2+s17+$0x0] =	vst.idx.add.f32.msk $0xffff, v1  }
0x10a: {  	_ =	swait.ge [sflag:s24], $0x2000  }
0x10b: {  	[sflag:s24] =	ssyncset.done $0x0  }
0x10c: {  	s12 =	rddreg [dreg:$0x17];
	[sflag:s24] =	ssyncadd.s32 $0xFFFFE000  }
0x10d: {  	[tilespmem:s15], [sflag:$0x4] =	stream.indirect.gather [hbm4b:s1+s2], $0x80, s12, s2, $0xb8;
	[tilespmem:$0x1F800] =	vst v63  }
0x10e: {  	_ =	swait.ge [sflag:s16], $0x2000  }
0x10f: {  	[sflag:s16] =	ssyncset.done $0x0  }
0x110: {  	s26 =	rddreg [dreg:$0x18];
	[sflag:s16] =	ssyncadd.s32 $0xFFFFE000  }
0x111: {  	[spmem:s3] =	stream.indirect.scatter.add.f32 [tilespmem:s28], [sflag:$0x5], $0x80, s26, s2, $0xb8;
	[tilespmem:$0x1F800] =	vst v63  }
0x112: {  	v2 =	vld [tilespmem:$0x14C00];
	_ =	sdelay $0x7  }
0x113: {  	[tilespmem:v2+s17+$0x0] =	vst.idx.add.f32.msk $0xffff, v1  }
0x114: {  	v2 =	vld [tilespmem:$0x14C10];
	_ =	sdelay $0x7  }
0x115: {  	[tilespmem:v2+s17+$0x0] =	vst.idx.add.f32.msk $0xffff, v1  }
0x116: {  	v2 =	vld [tilespmem:$0x14C20];
	_ =	sdelay $0x7  }
0x117: {  	[tilespmem:v2+s17+$0x0] =	vst.idx.add.f32.msk $0xffff, v1  }
0x118: {  	v2 =	vld [tilespmem:$0x14C30];
	_ =	sdelay $0x7  }
0x119: {  	[tilespmem:v2+s17+$0x0] =	vst.idx.add.f32.msk $0xffff, v1  }
0x11a: {  	_ =	swait.ge [sflag:s18], $0x2000  }
0x11b: {  	[sflag:s18] =	ssyncset.done $0x0  }
0x11c: {  	s12 =	rddreg [dreg:$0x19];
	[sflag:s18] =	ssyncadd.s32 $0xFFFFE000  }
0x11d: {  	[tilespmem:s28], [sflag:$0x1] =	stream.indirect.gather [hbm4b:s1+s2], $0x80, s12, s2, $0xb8;
	[tilespmem:$0x1F800] =	vst v63  }
0x11e: {  	_ =	swait.ge [sflag:s19], $0x2000  }
0x11f: {  	[sflag:s19] =	ssyncset.done $0x0  }
0x120: {  	s26 =	rddreg [dreg:$0x1a];
	[sflag:s19] =	ssyncadd.s32 $0xFFFFE000  }
0x121: {  	[spmem:s3] =	stream.indirect.scatter.add.f32 [tilespmem:s0], [sflag:$0x6], $0x80, s26, s2, $0xb8;
	[tilespmem:$0x1F800] =	vst v63  }
0x122: {  	v2 =	vld [tilespmem:$0x14C80];
	_ =	sdelay $0x7  }
0x123: {  	[tilespmem:v2+s17+$0x0] =	vst.idx.add.f32.msk $0xffff, v1  }
0x124: {  	v2 =	vld [tilespmem:$0x14C90];
	_ =	sdelay $0x7  }
0x125: {  	[tilespmem:v2+s17+$0x0] =	vst.idx.add.f32.msk $0xffff, v1  }
0x126: {  	v2 =	vld [tilespmem:$0x14CA0];
	_ =	sdelay $0x7  }
0x127: {  	[tilespmem:v2+s17+$0x0] =	vst.idx.add.f32.msk $0xffff, v1  }
0x128: {  	v2 =	vld [tilespmem:$0x14CB0];
	_ =	sdelay $0x7  }
0x129: {  	[tilespmem:v2+s17+$0x0] =	vst.idx.add.f32.msk $0xffff, v1  }
0x12a: {  	_ =	swait.ge [sflag:s20], $0x2000  }
0x12b: {  	[sflag:s20] =	ssyncset.done $0x0  }
0x12c: {  	s12 =	rddreg [dreg:$0x1b];
	[sflag:s20] =	ssyncadd.s32 $0xFFFFE000  }
0x12d: {  	[tilespmem:s0], [sflag:$0x2] =	stream.indirect.gather [hbm4b:s1+s2], $0x80, s12, s2, $0xb8;
	[tilespmem:$0x1F800] =	vst v63  }
0x12e: {  	_ =	swait.ge [sflag:s21], $0x2000  }
0x12f: {  	[sflag:s21] =	ssyncset.done $0x0  }
0x130: {  	s26 =	rddreg [dreg:$0x1c];
	[sflag:s21] =	ssyncadd.s32 $0xFFFFE000  }
0x131: {  	[spmem:s3] =	stream.indirect.scatter.add.f32 [tilespmem:s14], [sflag:$0x7], $0x80, s26, s2, $0xb8;
	[tilespmem:$0x1F800] =	vst v63  }
0x132: {  	v2 =	vld [tilespmem:$0x14D00];
	_ =	sdelay $0x7  }
0x133: {  	[tilespmem:v2+s17+$0x0] =	vst.idx.add.f32.msk $0xffff, v1  }
0x134: {  	v2 =	vld [tilespmem:$0x14D10];
	_ =	sdelay $0x7  }
0x135: {  	[tilespmem:v2+s17+$0x0] =	vst.idx.add.f32.msk $0xffff, v1  }
0x136: {  	v2 =	vld [tilespmem:$0x14D20];
	_ =	sdelay $0x7  }
0x137: {  	[tilespmem:v2+s17+$0x0] =	vst.idx.add.f32.msk $0xffff, v1  }
0x138: {  	v2 =	vld [tilespmem:$0x14D30];
	_ =	sdelay $0x7  }
0x139: {  	[tilespmem:v2+s17+$0x0] =	vst.idx.add.f32.msk $0xffff, v1  }
0x13a: {  	_ =	swait.ge [sflag:s22], $0x2000  }
0x13b: {  	[sflag:s22] =	ssyncset.done $0x0  }
0x13c: {  	[sflag:s22] =	ssyncadd.s32 $0xFFFFE000  }
0x13d: {  	[tilespmem:s14], [sflag:$0x3] =	stream.indirect.gather [hbm4b:s1+s2], $0x80, s25, s2, $0xb8;
	[tilespmem:$0x1F800] =	vst v63  }
0x13e: {  	_ =	swait.ge [sflag:s23], $0x2000  }
0x13f: {  	[sflag:s23] =	ssyncset.done $0x0  }
0x140: {  	[sflag:s23] =	ssyncadd.s32 $0xFFFFE000  }
0x141: {  	[spmem:s3] =	stream.indirect.scatter.add.f32 [tilespmem:s15], [sflag:$0x8], $0x80, s6, s2, $0xb8;
	[tilespmem:$0x1F800] =	vst v63  }
0x142: {  	v2 =	vld [tilespmem:$0x14D80];
	_ =	sdelay $0x7  }
0x143: {  	[tilespmem:v2+s17+$0x0] =	vst.idx.add.f32.msk $0xffff, v1  }
0x144: {  	v2 =	vld [tilespmem:$0x14D90];
	_ =	sdelay $0x7  }
0x145: {  	[tilespmem:v2+s17+$0x0] =	vst.idx.add.f32.msk $0xffff, v1  }
0x146: {  	v2 =	vld [tilespmem:$0x14DA0];
	_ =	sdelay $0x7  }
0x147: {  	[tilespmem:v2+s17+$0x0] =	vst.idx.add.f32.msk $0xffff, v1  }
0x148: {  	v2 =	vld [tilespmem:$0x14DB0];
	_ =	sdelay $0x7  }
0x149: {  	[tilespmem:v2+s17+$0x0] =	vst.idx.add.f32.msk $0xffff, v1  }
0x14a: {  	_ =	swait.ge [sflag:s24], $0x2000  }
0x14b: {  	[sflag:s24] =	ssyncset.done $0x0  }
0x14c: {  	[sflag:s24] =	ssyncadd.s32 $0xFFFFE000  }
0x14d: {  	[tilespmem:s15], [sflag:$0x4] =	stream.indirect.gather [hbm4b:s1+s2], $0x80, s7, s2, $0xb8;
	[tilespmem:$0x1F800] =	vst v63  }
0x14e: {  	_ =	swait.ge [sflag:s16], $0x2000  }
0x14f: {  	[sflag:s16] =	ssyncset.done $0x0  }
0x150: {  	[sflag:s16] =	ssyncadd.s32 $0xFFFFE000  }
0x151: {  	[spmem:s3] =	stream.indirect.scatter.add.f32 [tilespmem:s28], [sflag:$0x5], $0x80, s8, s2, $0xb8;
	[tilespmem:$0x1F800] =	vst v63  }
0x152: {  	v2 =	vld [tilespmem:$0x14E00];
	_ =	sdelay $0x7  }
0x153: {  	[tilespmem:v2+s17+$0x0] =	vst.idx.add.f32.msk $0xffff, v1  }
0x154: {  	v2 =	vld [tilespmem:$0x14E10];
	_ =	sdelay $0x7  }
0x155: {  	[tilespmem:v2+s17+$0x0] =	vst.idx.add.f32.msk $0xffff, v1  }
0x156: {  	v2 =	vld [tilespmem:$0x14E20];
	_ =	sdelay $0x7  }
0x157: {  	[tilespmem:v2+s17+$0x0] =	vst.idx.add.f32.msk $0xffff, v1  }
0x158: {  	v2 =	vld [tilespmem:$0x14E30];
	_ =	sdelay $0x7  }
0x159: {  	[tilespmem:v2+s17+$0x0] =	vst.idx.add.f32.msk $0xffff, v1  }
0x15a: {  	_ =	swait.ge [sflag:s19], $0x2000  }
0x15b: {  	[sflag:s19] =	ssyncset.done $0x0  }
0x15c: {  	[sflag:s19] =	ssyncadd.s32 $0xFFFFE000  }
0x15d: {  	[spmem:s3] =	stream.indirect.scatter.add.f32 [tilespmem:s0], [sflag:$0x6], $0x80, s9, s2, $0xb8;
	[tilespmem:$0x1F800] =	vst v63  }
0x15e: {  	v2 =	vld [tilespmem:$0x14E80];
	_ =	sdelay $0x7  }
0x15f: {  	[tilespmem:v2+s17+$0x0] =	vst.idx.add.f32.msk $0xffff, v1  }
0x160: {  	v2 =	vld [tilespmem:$0x14E90];
	_ =	sdelay $0x7  }
0x161: {  	[tilespmem:v2+s17+$0x0] =	vst.idx.add.f32.msk $0xffff, v1  }
0x162: {  	v2 =	vld [tilespmem:$0x14EA0];
	_ =	sdelay $0x7  }
0x163: {  	[tilespmem:v2+s17+$0x0] =	vst.idx.add.f32.msk $0xffff, v1  }
0x164: {  	v2 =	vld [tilespmem:$0x14EB0];
	_ =	sdelay $0x7  }
0x165: {  	[tilespmem:v2+s17+$0x0] =	vst.idx.add.f32.msk $0xffff, v1  }
0x166: {  	_ =	swait.ge [sflag:s21], $0x2000  }
0x167: {  	[sflag:s21] =	ssyncset.done $0x0  }
0x168: {  	[sflag:s21] =	ssyncadd.s32 $0xFFFFE000  }
0x169: {  	[spmem:s3] =	stream.indirect.scatter.add.f32 [tilespmem:s14], [sflag:$0x7], $0x80, s10, s2, $0xb8;
	[tilespmem:$0x1F800] =	vst v63  }
0x16a: {  	v2 =	vld [tilespmem:$0x14F00];
	_ =	sdelay $0x7  }
0x16b: {  	[tilespmem:v2+s17+$0x0] =	vst.idx.add.f32.msk $0xffff, v1  }
0x16c: {  	v2 =	vld [tilespmem:$0x14F10];
	_ =	sdelay $0x7  }
0x16d: {  	[tilespmem:v2+s17+$0x0] =	vst.idx.add.f32.msk $0xffff, v1  }
0x16e: {  	v2 =	vld [tilespmem:$0x14F20];
	_ =	sdelay $0x7  }
0x16f: {  	[tilespmem:v2+s17+$0x0] =	vst.idx.add.f32.msk $0xffff, v1  }
0x170: {  	v2 =	vld [tilespmem:$0x14F30];
	_ =	sdelay $0x7  }
0x171: {  	[tilespmem:v2+s17+$0x0] =	vst.idx.add.f32.msk $0xffff, v1  }
0x172: {  	_ =	swait.ge [sflag:s23], $0x2000  }
0x173: {  	[sflag:s23] =	ssyncset.done $0x0  }
0x174: {  	[sflag:s23] =	ssyncadd.s32 $0xFFFFE000  }
0x175: {  	[spmem:s3] =	stream.indirect.scatter.add.f32 [tilespmem:s15], [sflag:$0x8], $0x80, s11, s2, $0xb8;
	[tilespmem:$0x1F800] =	vst v63  }
0x176: {  	v2 =	vld [tilespmem:$0x14F80];
	_ =	sdelay $0x7  }
0x177: {  	[tilespmem:v2+s17+$0x0] =	vst.idx.add.f32.msk $0xffff, v1  }
0x178: {  	v2 =	vld [tilespmem:$0x14F90];
	_ =	sdelay $0x7  }
0x179: {  	[tilespmem:v2+s17+$0x0] =	vst.idx.add.f32.msk $0xffff, v1  }
0x17a: {  	v2 =	vld [tilespmem:$0x14FA0];
	_ =	sdelay $0x7  }
0x17b: {  	[tilespmem:v2+s17+$0x0] =	vst.idx.add.f32.msk $0xffff, v1  }
0x17c: {  	v2 =	vld [tilespmem:$0x14FB0];
	_ =	sdelay $0x7  }
0x17d: {  	[tilespmem:v2+s17+$0x0] =	vst.idx.add.f32.msk $0xffff, v1  }
0x17e: {  	_ =	swait.ge [sflag:s18], $0x2000  }
0x17f: {  	[sflag:s18] =	ssyncset.done $0x0  }
0x180: {  	[sflag:s18] =	ssyncadd.s32 $0xFFFFE000  }
0x181: {  	_ =	swait.ge [sflag:s20], $0x2000  }
0x182: {  	[sflag:s20] =	ssyncset.done $0x0  }
0x183: {  	[sflag:s20] =	ssyncadd.s32 $0xFFFFE000  }
0x184: {  	p1 =	sne.s32 s13, $0x900;
	_ =	swait.ge [sflag:s22], $0x2000  }
.Ltmp2:
0x185: {  	[sflag:s22] =	ssyncset.done $0x0;
	(pc) =	sbr.rel @p1 .LBB2_6-.Ltmp2, $4  }
0x186: {  	[sflag:s22] =	ssyncadd.s32 $0xFFFFE000  }
0x187: {  	_ =	swait.ge [sflag:s24], $0x2000  }
0x188: {  	[sflag:s24] =	ssyncset.done $0x0  }
0x189: {  	s13 =	sadd.s32 $0x100, s13;
	[sflag:s24] =	ssyncadd.s32 $0xFFFFE000  }
0x18a: {  	[bflag:$0x0] =	sbarrier.arrive $0xFFFF  }
0x18b: {  	s12 =	sld [smem:$0x7F1];
	_ =	sdelay $0x1  }
0x18c: {  	s5 =	simm.s32 @!p0 $0x80;
	s13 =	simm.s32 @!p0 $0x400;
	s26 =	simm.s32 @!p0 $0x1D000  }
0x18d: {  	[hbm4b:s12+s5] =	stream.strided.scatter @!p0 [tilespmem:s26], [sflag:$0x9], $0x2800, s13, s5, $0x38;
	[tilespmem:$0x1F800] =	vst v63  }
0x18e: {  	s5 =	simm.s32 @!p0 $0x9  }
0x18f: {  	_ =	swait.ge @!p0 [sflag:s5], $0x2800  }
0x190: {  	[sflag:s5] =	ssyncset.done @!p0 $0x0  }
0x191: {  	[sflag:s5] =	ssyncadd.s32 @!p0 $0xFFFFD800;
	s5 =	rddreg [dreg:$0x1d]  }
0x192: {  	[tilespmem:s28], [sflag:$0x9] =	stream.linear.gather [spmem:s5], $0x2000, $0x38;
	[tilespmem:$0x1F800] =	vst v63  }
0x193: {  	_ =	swait.ge [sflag:s29], $0x2000  }
0x194: {  	s26 =	sld [smem:$0x7F2]  }
0x195: {  	[sflag:s29] =	ssyncset.done $0x0  }
0x196: {  	[sflag:s29] =	ssyncadd.s32 $0xFFFFE000  }
0x197: {  	[hbm4b:s26+s4] =	stream.linear.scatter [tilespmem:s28], [sflag:$0x9], $0x2000, $0x38;
	[tilespmem:$0x1F800] =	vst v63  }
0x198: {  	_ =	swait.ge [sflag:s29], $0x2000  }
0x199: {  	[sflag:s29] =	ssyncset.done $0x0  }
0x19a: {  	s12 =	rddreg [dreg:$0x1e];
	[sflag:s29] =	ssyncadd.s32 $0xFFFFE000  }
0x19b: {  	[tilespmem:s28], [sflag:$0x9] =	stream.linear.gather [spmem:s12], $0x2000, $0x38;
	[tilespmem:$0x1F800] =	vst v63  }
0x19c: {  	_ =	swait.ge [sflag:s29], $0x2000  }
0x19d: {  	s26 =	sld [smem:$0x7F3]  }
0x19e: {  	[sflag:s29] =	ssyncset.done $0x0  }
0x19f: {  	[sflag:s29] =	ssyncadd.s32 $0xFFFFE000  }
0x1a0: {  	[hbm4b:s26+s4] =	stream.linear.scatter [tilespmem:s28], [sflag:$0x9], $0x2000, $0x38;
	[tilespmem:$0x1F800] =	vst v63  }
0x1a1: {  	_ =	swait.ge [sflag:s29], $0x2000  }
0x1a2: {  	[sflag:s29] =	ssyncset.done $0x0  }
0x1a3: {  	s12 =	rddreg [dreg:$0x1f];
	[sflag:s29] =	ssyncadd.s32 $0xFFFFE000  }
0x1a4: {  	[tilespmem:s28], [sflag:$0x9] =	stream.linear.gather [spmem:s12], $0x2000, $0x38;
	[tilespmem:$0x1F800] =	vst v63  }
0x1a5: {  	_ =	swait.ge [sflag:s29], $0x2000  }
0x1a6: {  	s26 =	sld [smem:$0x7F4]  }
0x1a7: {  	[sflag:s29] =	ssyncset.done $0x0  }
0x1a8: {  	[sflag:s29] =	ssyncadd.s32 $0xFFFFE000  }
0x1a9: {  	[hbm4b:s26+s4] =	stream.linear.scatter [tilespmem:s28], [sflag:$0x9], $0x2000, $0x38;
	[tilespmem:$0x1F800] =	vst v63  }
0x1aa: {  	_ =	swait.ge [sflag:s29], $0x2000  }
0x1ab: {  	s12 =	sld [smem:$0x7EB]  }
0x1ac: {  	[sflag:s29] =	ssyncset.done $0x0  }
0x1ad: {  	[sflag:s29] =	ssyncadd.s32 $0xFFFFE000  }
0x1ae: {  	[tilespmem:s28], [sflag:$0x9] =	stream.linear.gather [spmem:s12], $0x2000, $0x38;
	[tilespmem:$0x1F800] =	vst v63  }
0x1af: {  	_ =	swait.ge [sflag:s29], $0x2000  }
0x1b0: {  	s26 =	sld [smem:$0x7F5]  }
0x1b1: {  	[sflag:s29] =	ssyncset.done $0x0  }
0x1b2: {  	[sflag:s29] =	ssyncadd.s32 $0xFFFFE000  }
0x1b3: {  	[hbm4b:s26+s4] =	stream.linear.scatter [tilespmem:s28], [sflag:$0x9], $0x2000, $0x38;
	[tilespmem:$0x1F800] =	vst v63  }
0x1b4: {  	_ =	swait.ge [sflag:s29], $0x2000  }
0x1b5: {  	s12 =	sld [smem:$0x7EC]  }
0x1b6: {  	[sflag:s29] =	ssyncset.done $0x0  }
0x1b7: {  	[sflag:s29] =	ssyncadd.s32 $0xFFFFE000  }
0x1b8: {  	[tilespmem:s28], [sflag:$0x9] =	stream.linear.gather [spmem:s12], $0x2000, $0x38;
	[tilespmem:$0x1F800] =	vst v63  }
0x1b9: {  	_ =	swait.ge [sflag:s29], $0x2000  }
0x1ba: {  	s26 =	sld [smem:$0x7F6]  }
0x1bb: {  	[sflag:s29] =	ssyncset.done $0x0  }
0x1bc: {  	[sflag:s29] =	ssyncadd.s32 $0xFFFFE000  }
0x1bd: {  	[hbm4b:s26+s4] =	stream.linear.scatter [tilespmem:s28], [sflag:$0x9], $0x2000, $0x38;
	[tilespmem:$0x1F800] =	vst v63  }
0x1be: {  	_ =	swait.ge [sflag:s29], $0x2000  }
0x1bf: {  	s12 =	sld [smem:$0x7ED]  }
0x1c0: {  	[sflag:s29] =	ssyncset.done $0x0  }
0x1c1: {  	[sflag:s29] =	ssyncadd.s32 $0xFFFFE000  }
0x1c2: {  	[tilespmem:s28], [sflag:$0x9] =	stream.linear.gather [spmem:s12], $0x2000, $0x38;
	[tilespmem:$0x1F800] =	vst v63  }
0x1c3: {  	_ =	swait.ge [sflag:s29], $0x2000  }
0x1c4: {  	s26 =	sld [smem:$0x7F7]  }
0x1c5: {  	[sflag:s29] =	ssyncset.done $0x0  }
0x1c6: {  	[sflag:s29] =	ssyncadd.s32 $0xFFFFE000  }
0x1c7: {  	[hbm4b:s26+s4] =	stream.linear.scatter [tilespmem:s28], [sflag:$0x9], $0x2000, $0x38;
	[tilespmem:$0x1F800] =	vst v63  }
0x1c8: {  	_ =	swait.ge [sflag:s29], $0x2000  }
0x1c9: {  	s12 =	sld [smem:$0x7EE]  }
0x1ca: {  	[sflag:s29] =	ssyncset.done $0x0  }
0x1cb: {  	[sflag:s29] =	ssyncadd.s32 $0xFFFFE000  }
0x1cc: {  	[tilespmem:s28], [sflag:$0x9] =	stream.linear.gather [spmem:s12], $0x2000, $0x38;
	[tilespmem:$0x1F800] =	vst v63  }
0x1cd: {  	_ =	swait.ge [sflag:s29], $0x2000  }
0x1ce: {  	s26 =	sld [smem:$0x7F8]  }
0x1cf: {  	[sflag:s29] =	ssyncset.done $0x0  }
0x1d0: {  	[sflag:s29] =	ssyncadd.s32 $0xFFFFE000  }
0x1d1: {  	[hbm4b:s26+s4] =	stream.linear.scatter [tilespmem:s28], [sflag:$0x9], $0x2000, $0x38;
	[tilespmem:$0x1F800] =	vst v63  }
0x1d2: {  	_ =	swait.ge [sflag:s29], $0x2000  }
0x1d3: {  	s12 =	sld [smem:$0x7EF]  }
0x1d4: {  	[sflag:s29] =	ssyncset.done $0x0  }
0x1d5: {  	[sflag:s29] =	ssyncadd.s32 $0xFFFFE000  }
0x1d6: {  	[tilespmem:s28], [sflag:$0x9] =	stream.linear.gather [spmem:s12], $0x2000, $0x38;
	[tilespmem:$0x1F800] =	vst v63  }
0x1d7: {  	_ =	swait.ge [sflag:s29], $0x2000  }
0x1d8: {  	s26 =	sld [smem:$0x7F9]  }
0x1d9: {  	[sflag:s29] =	ssyncset.done $0x0  }
0x1da: {  	[sflag:s29] =	ssyncadd.s32 $0xFFFFE000  }
0x1db: {  	[hbm4b:s26+s4] =	stream.linear.scatter [tilespmem:s28], [sflag:$0x9], $0x2000, $0x38;
	[tilespmem:$0x1F800] =	vst v63  }
0x1dc: {  	_ =	swait.ge [sflag:s29], $0x2000  }
0x1dd: {  	s12 =	sld [smem:$0x7F0]  }
0x1de: {  	[sflag:s29] =	ssyncset.done $0x0  }
0x1df: {  	[sflag:s29] =	ssyncadd.s32 $0xFFFFE000  }
0x1e0: {  	[tilespmem:s28], [sflag:$0x9] =	stream.linear.gather [spmem:s12], $0x2000, $0x38;
	[tilespmem:$0x1F800] =	vst v63  }
0x1e1: {  	_ =	swait.ge [sflag:s29], $0x2000  }
0x1e2: {  	s26 =	sld [smem:$0x7FA]  }
0x1e3: {  	[sflag:s29] =	ssyncset.done $0x0  }
0x1e4: {  	[sflag:s29] =	ssyncadd.s32 $0xFFFFE000  }
0x1e5: {  	[hbm4b:s26+s4] =	stream.linear.scatter [tilespmem:s28], [sflag:$0x9], $0x2000, $0x38;
	[tilespmem:$0x1F800] =	vst v63  }
0x1e6: {  	_ =	swait.ge [sflag:s29], $0x2000  }
0x1e7: {  	s13 =	sld [smem:$0x7FD]  }
0x1e8: {  	[sflag:s29] =	ssyncset.done $0x0  }
0x1e9: {  	[sflag:s29] =	ssyncadd.s32 $0xFFFFE000  }
0x1ea: {  	[tilespmem:s28], [sflag:$0x9] =	stream.linear.gather [spmem:s13], $0x2000, $0x38;
	[tilespmem:$0x1F800] =	vst v63  }
0x1eb: {  	_ =	swait.ge [sflag:s29], $0x2000  }
0x1ec: {  	s26 =	sld [smem:$0x7FB]  }
0x1ed: {  	[sflag:s29] =	ssyncset.done $0x0  }
0x1ee: {  	[sflag:s29] =	ssyncadd.s32 $0xFFFFE000  }
0x1ef: {  	[hbm4b:s26+s4] =	stream.linear.scatter [tilespmem:s28], [sflag:$0x9], $0x2000, $0x38;
	[tilespmem:$0x1F800] =	vst v63  }
0x1f0: {  	_ =	swait.ge [sflag:s29], $0x2000  }
0x1f1: {  	s12 =	sld [smem:$0x7EA]  }
0x1f2: {  	s26 =	sld [smem:$0x7FC];
	_ =	sdelay $0x1  }
0x1f3: {  	s13 =	sadd.s32 $0x1, s12  }
0x1f4: {  	p1 =	sne.s32 s13, s26  }
.Ltmp3:
0x1f5: {  	_ = 	snop;
	(pc) =	sbr.rel @p1 .LBB2_1-.Ltmp3, $3  }
0x1f6: {  	_ =	sdelay $0x1  }
0x1f7: {  	[sflag:s29] =	ssyncset.done $0x0  }
0x1f8: {  	[sflag:s29] =	ssyncadd.s32 $0xFFFFE000  }
0x1f9: {  	_ =	sfence.sel $0x180000  }
0x1fa: {  	[bflag:$0x0] =	sbarrier.arrive $0xFFFF  }
0x1fb: {  	_ =	strace $0x90000047  }
0x1fc: {  	s0 =	stileid.u32;
	[bflag:$0x2] =	sbarrier.arrive $0xFFFF  }
0x1fd: {  	p0 =	sne.s32 s0, $0x0;
	s0 =	rddreg [dreg:$0x3]  }
0x1fe: {  	s0 =	sadd.s32 @!p0 $0x100000, s0  }
0x1ff: {  	[sflag:s0] =	ssyncadd.tile.s32 @!p0 $0x1;
	_ =	shalt  }
.Lfunc_end2:
_tile_overlayer_lowered:
.L_overlay_start_2:
0x200: {  	(tag) =	ssettag $0x2  }
0x201: {  	s0 =	rddreg [dreg:$0x0];
	s2 =	stileid.u32  }
0x202: {  	s1 =	rddreg [dreg:$0x1];
	p0 =	sne.s32 s2, $0x0  }
0x203: {  	s3 =	rddreg [dreg:$0x2];
	[bflag:$0x3] =	sbarrier.arrive $0xFFFF;
	s2 =	simm.s32 @!p0 $0x1C09  }
0x204: {  	[timem:s3], [sflag:s2] =	dma.local @!p0 [hbm:s0], s1  }
0x205: {  	s0 =	simm.s32 @!p0 $0x9  }
0x206: {  	_ =	swait.ge @!p0 [sflag:s0], s1  }
0x207: {  	s1 =	ssub.s32 @!p0 $0x0, s1;
	[sflag:s0] =	ssyncset.done @!p0 $0x0  }
0x208: {  	[sflag:s0] =	ssyncadd.s32 @!p0 s1  }
0x209: {  	[bflag:$0x3] =	sbarrier.arrive $0xFFFF  }
0x20a: {  	_ =	shalt  }

</sc_bundles>
